<compile_context>
chip_gen: v7x
topology: tpu7x:2x2x1
jax: 0.10.2.dev20260603
libtpu: 0.0.44.dev20260713+nightly
codegen_flags: <defaults>
</compile_context>

<pallas_src>
import functools

import jax
import jax.numpy as jnp
from jax import lax
from jax.experimental import pallas as pl
from jax.experimental.pallas import tpu as pltpu
from jax.experimental.pallas import tpu_sc as plsc

S = 2048
H = 12
D = 768
K = 1228
OUT_ROWS = K + 1
P_W = 1280
N_FULL_W = 30
ROWS_PER_W = 40
TAIL_BASE = N_FULL_W * ROWS_PER_W
TAIL_ROWS = OUT_ROWS - TAIL_BASE
TAIL_PAD = 32
CH = 128
NEG = -3.0e38


def _topk_body(attn_ref, keep_ref, gidx_ref):
    a = attn_ref[0, :, 0, :]
    acc = a[0:1, :]
    for h in range(1, H):
        acc = acc + a[h:h + 1, :]
    sal = acc / jnp.float32(H)
    lane = lax.broadcasted_iota(jnp.int32, (1, S), 1)
    sal = jnp.where(lane == 0, NEG, sal)

    salT = jnp.transpose(jnp.broadcast_to(sal, (8, S)))[:, 0:1]

    i1 = lax.broadcasted_iota(jnp.int32, (CH, S), 1)
    rank_row = jnp.zeros((1, S), jnp.int32)
    for c in range(S // CH):
        salT_c = salT[c * CH:(c + 1) * CH, :]
        r0 = lax.broadcasted_iota(jnp.int32, (CH, S), 0) + c * CH
        gt = salT_c > sal
        eq = (salT_c == sal) & (r0 < i1)
        rank_row = rank_row + jnp.sum((gt | eq).astype(jnp.int32),
                                      axis=0, keepdims=True)

    rankT = jnp.transpose(jnp.broadcast_to(rank_row, (8, S)))[:, 0:1]

    p = lax.broadcasted_iota(jnp.int32, (CH, P_W), 1)
    keepj = jnp.zeros((1, P_W), jnp.int32)
    for c in range(S // CH):
        rankT_c = rankT[c * CH:(c + 1) * CH, :]
        r0 = lax.broadcasted_iota(jnp.int32, (CH, P_W), 0) + c * CH
        keepj = keepj + jnp.sum(jnp.where(rankT_c == p, r0, 0),
                                axis=0, keepdims=True)
    keep_ref[...] = (keepj - 1)[:, :K]
    lane = lax.broadcasted_iota(jnp.int32, (1, P_W), 1)
    gidx = jnp.where(lane == 0, 0, pltpu.roll(keepj, 1, 1))
    gidx_ref[...] = gidx.reshape(P_W)


def _topk_call(attn):
    return pl.pallas_call(
        _topk_body,
        grid=(1,),
        in_specs=[pl.BlockSpec((1, H, 8, S), lambda i: (0, 0, 0, 0))],
        out_specs=(pl.BlockSpec((1, K), lambda i: (0, 0)),
                   pl.BlockSpec((P_W,), lambda i: (0,))),
        out_shape=(jax.ShapeDtypeStruct((1, K), jnp.int32),
                   jax.ShapeDtypeStruct((P_W,), jnp.int32)),
    )(attn)


def _sc_gather_body(table_hbm, idx_hbm, out_hbm,
                    idx_v, rows_v, idx_t, rows_t, rows_l, sem):
    wid = lax.axis_index("s") * 2 + lax.axis_index("c")

    def _linearize(src2d, dst1d, nrows):
        def row(r, _):
            for cs in range(0, D, 16):
                dst1d[pl.ds(r * D + cs, 16)] = src2d[r, cs:cs + 16]
            return 0
        lax.fori_loop(0, nrows, row, 0)

    @pl.when(wid < N_FULL_W)
    def _full():
        base = wid * ROWS_PER_W
        pltpu.sync_copy(idx_hbm.at[pl.ds(base, ROWS_PER_W)], idx_v)
        pltpu.async_copy(table_hbm.at[idx_v], rows_v, sem).wait()
        _linearize(rows_v, rows_l, ROWS_PER_W)
        pltpu.sync_copy(rows_l.at[pl.ds(0, ROWS_PER_W * D)],
                        out_hbm.at[pl.ds(base * D, ROWS_PER_W * D)])

    @pl.when(wid == N_FULL_W)
    def _tail():
        pltpu.sync_copy(idx_hbm.at[pl.ds(TAIL_BASE, TAIL_PAD)], idx_t)
        pltpu.async_copy(table_hbm.at[idx_t], rows_t, sem).wait()
        _linearize(rows_t, rows_l, TAIL_ROWS)
        pltpu.sync_copy(rows_l.at[pl.ds(0, TAIL_ROWS * D)],
                        out_hbm.at[pl.ds(TAIL_BASE * D, TAIL_ROWS * D)])


@functools.cache
def _sc_gather_call():
    mesh = plsc.VectorSubcoreMesh(core_axis_name="c", subcore_axis_name="s")
    return pl.kernel(
        _sc_gather_body,
        mesh=mesh,
        out_type=jax.ShapeDtypeStruct((OUT_ROWS * D,), jnp.float32),
        scratch_types=[
            pltpu.VMEM((ROWS_PER_W,), jnp.int32),
            pltpu.VMEM((ROWS_PER_W, D), jnp.float32),
            pltpu.VMEM((TAIL_PAD,), jnp.int32),
            pltpu.VMEM((TAIL_PAD, D), jnp.float32),
            pltpu.VMEM((ROWS_PER_W * D,), jnp.float32),
            pltpu.SemaphoreType.DMA,
        ],
    )


def kernel(attn_score, x_unmasked):
    keep_timesteps, gidx = _topk_call(attn_score)
    table = x_unmasked.reshape(S, D)
    rows = _sc_gather_call()(table, gidx)
    return (rows.reshape(1, OUT_ROWS, D), keep_timesteps)

# --- scband reference (transcript-rebuilt; emitter-appended) ---
"""Pipeline reference for scband-kdmmdata2-vec-7971459301908 (READ-ONLY COPY).

The authoritative reference and input builder live on the scoring server;
editing this copy changes nothing except your own understanding.
"""

import jax, jax.numpy as jnp
import numpy as np

FRAC_KEEP_TOKENS = 0.6

def setup_inputs(seed: int = 0) -> dict:
    key = jax.random.key(seed)
    k1, k2 = jax.random.split(key)
    B, H, S, D = 1, 12, 2048, 768
    attn_score = jax.random.normal(k1, (B, H, S, S), dtype=jnp.float32)
    x_unmasked = jax.random.normal(k2, (B, S, D), dtype=jnp.float32)
    return {"attn_score": attn_score, "x_unmasked": x_unmasked}

def reference(attn_score, x_unmasked):
    # Faithful translation of get_max_saliency_patches (MaskedKD saliency top-k):
    # attn_results averaged -> here a single (final) attention layer, already averaged.
    attn = attn_score.astype(jnp.float32)
    num_keep = int(FRAC_KEEP_TOKENS * attn.shape[-1])
    # mean over heads, take CLS row (query 0), drop CLS key column
    saliency = attn.mean(axis=1)[:, 0, 1:]  # [B, S-1]
    _, keep_timesteps = jax.lax.top_k(saliency, num_keep)  # [B, K]
    cls_save = x_unmasked[:, 0:1, :]  # [B, 1, D]
    x_tokens = x_unmasked[:, 1:, :]   # [B, S-1, D]
    # torch.gather(x, dim=1, index=keep.unsqueeze(-1).repeat(1,1,D))
    gathered = jnp.take_along_axis(x_tokens, keep_timesteps[:, :, None], axis=1)  # [B, K, D]
    x_unmasked_tokens_only = jnp.concatenate([cls_save, gathered], axis=1)  # [B, K+1, D]
    return (x_unmasked_tokens_only, keep_timesteps)

if __name__ == "__main__":
    import jax
    _d = setup_inputs()
    print(jax.jit(kernel)(*tuple(_d.values())))

</pallas_src>

<mosaic_0001>
#map = affine_map<(d0, d1) -> (0, 0)>
#map1 = affine_map<(d0, d1) -> (0)>
module attributes {stable_mosaic.version = 14 : i64} {
  func.func @_sc_gather_body(%arg0: i32, %arg1: i32, %arg2: memref<2048x768xf32, #tpu.memory_space<hbm>>, %arg3: memref<1280xi32, #tpu.memory_space<hbm>>, %arg4: memref<943872xf32, #tpu.memory_space<hbm>>, %arg5: memref<40xi32, #tpu.memory_space<vmem>>, %arg6: memref<40x768xf32, #tpu.memory_space<vmem>>, %arg7: memref<32xi32, #tpu.memory_space<vmem>>, %arg8: memref<32x768xf32, #tpu.memory_space<vmem>>, %arg9: memref<30720xf32, #tpu.memory_space<vmem>>, %arg10: memref<!tpu.dma_semaphore, #tpu.memory_space<semaphore_mem>>) attributes {dimension_semantics = [#tpu.dimension_semantics<core_parallel>, #tpu.dimension_semantics<subcore_parallel>], iteration_bounds = array<i64: 2, 16>, scalar_prefetch = 0 : i64, scratch_operands = 6 : i64, tpu.core_type = #tpu.core_type<sc_vector_subcore>, window_params = [{transform_indices = #map}, {transform_indices = #map1}, {transform_indices = #map1}]} {
    %mul3A = arith.constant 2 : i32
    %mul3A_0 = arith.muli %arg1, %mul3A : i32
    %add3A = arith.addi %mul3A_0, %arg0 : i32
    %lt3A = arith.constant 30 : i32
    %lt3A_1 = arith.cmpi slt, %add3A, %lt3A : i32
    %convert_element_type3A = arith.extui %lt3A_1 : i1 to i32
    %cond3A = arith.constant 0 : i32
    %cond3A_2 = arith.cmpi ne, %convert_element_type3A, %cond3A : i32
    scf.if %cond3A_2 {
      %mul3A_7 = arith.constant 40 : i32
      %mul3A_8 = arith.muli %add3A, %mul3A_7 : i32
      "tpu.region"() ({
        %run_scoped3A = tpu.sem_alloc : memref<!tpu.dma_semaphore, #tpu.memory_space<semaphore_mem>>
        %dma_start3A_21 = tpu.memref_slice %arg3[%mul3A_8] : memref<1280xi32, #tpu.memory_space<hbm>> -> memref<40xi32, #tpu.memory_space<hbm>>
        %dma_start3A_22 = tpu.memref_slice %arg3[%mul3A_8] : memref<1280xi32, #tpu.memory_space<hbm>> -> memref<40xi32, #tpu.memory_space<hbm>>
        tpu.enqueue_dma source(%dma_start3A_22 : memref<40xi32, #tpu.memory_space<hbm>>) target(%arg5 : memref<40xi32, #tpu.memory_space<vmem>>) target_semaphore(%run_scoped3A : memref<!tpu.dma_semaphore, #tpu.memory_space<semaphore_mem>>)
        %dma_wait3A_23 = tpu.memref_slice %arg3[%mul3A_8] : memref<1280xi32, #tpu.memory_space<hbm>> -> memref<40xi32, #tpu.memory_space<hbm>>
        %dma_wait3A_24 = tpu.memref_slice %arg3[%mul3A_8] : memref<1280xi32, #tpu.memory_space<hbm>> -> memref<40xi32, #tpu.memory_space<hbm>>
        tpu.wait_dma2 semaphore(%run_scoped3A : memref<!tpu.dma_semaphore, #tpu.memory_space<semaphore_mem>>) src(%dma_wait3A_24 : memref<40xi32, #tpu.memory_space<hbm>>) dst(%arg5 : memref<40xi32, #tpu.memory_space<vmem>>)
        tpu.yield
      }) : () -> ()
      %dma_start3A = arith.constant 0 : i32
      %dma_start3A_9 = arith.constant 0 : i32
      %dma_start3A_10 = tpu.memref_slice %arg2[%dma_start3A, %dma_start3A_9] : memref<2048x768xf32, #tpu.memory_space<hbm>> -> memref<2048x768xf32, #tpu.memory_space<hbm>>
      tpu.enqueue_indirect_dma source(%dma_start3A_10 : memref<2048x768xf32, #tpu.memory_space<hbm>>) target(%arg6 : memref<40x768xf32, #tpu.memory_space<vmem>>) offsets(%arg5 : memref<40xi32, #tpu.memory_space<vmem>>) semaphore(%arg10 : memref<!tpu.dma_semaphore, #tpu.memory_space<semaphore_mem>>)
      %dma_wait3A = arith.constant 0 : i32
      %dma_wait3A_11 = arith.constant 0 : i32
      %dma_wait3A_12 = tpu.memref_slice %arg2[%dma_wait3A, %dma_wait3A_11] : memref<2048x768xf32, #tpu.memory_space<hbm>> -> memref<2048x768xf32, #tpu.memory_space<hbm>>
      tpu.wait_indirect_dma semaphore(%arg10 : memref<!tpu.dma_semaphore, #tpu.memory_space<semaphore_mem>>) src(%dma_wait3A_12 : memref<2048x768xf32, #tpu.memory_space<hbm>>) dst(%arg6 : memref<40x768xf32, #tpu.memory_space<vmem>>)
      %scan3A = arith.constant 0 : i32
      %scan3A_13 = arith.constant 0 : i32
      %scan3A_14 = arith.constant 40 : i32
      %scan3A_15 = arith.addi %scan3A_13, %scan3A_14 : i32
      %scan3A_16 = arith.constant 1 : i32
      %scan3A_17 = scf.for %scan3A_21 = %scan3A_13 to %scan3A_15 step %scan3A_16 iter_args(%scan3A_22 = %scan3A) -> (i32)  : i32 {
        %get3A = arith.index_cast %scan3A_21 : i32 to index
        %get3A_23 = arith.constant 0 : index
        %get3A_24 = tpu.vector_load %arg6[%get3A, %get3A_23] {strides = array<i32>} : memref<40x768xf32, #tpu.memory_space<vmem>>, vector<1x16xf32>,
        %get3A_25 = vector.shape_cast %get3A_24 : vector<1x16xf32> to vector<16xf32>
        %mul3A_26 = arith.constant 768 : i32
        %mul3A_27 = arith.muli %scan3A_21, %mul3A_26 : i32
        %add3A_28 = arith.constant 0 : i32
        %add3A_29 = arith.addi %mul3A_27, %add3A_28 : i32
        %swap3A = arith.index_cast %add3A_29 : i32 to index
        %swap3A_30 = tpu.vector_load %arg9[%swap3A] {strides = array<i32>} : memref<30720xf32, #tpu.memory_space<vmem>>, vector<16xf32>,
        %swap3A_31 = vector.shape_cast %swap3A_30 : vector<16xf32> to vector<16xf32>
        %swap3A_32 = vector.shape_cast %get3A_25 : vector<16xf32> to vector<16xf32>
        tpu.vector_store %arg9[%swap3A], %swap3A_32 {strides = array<i32>} : memref<30720xf32, #tpu.memory_space<vmem>>, vector<16xf32>,
        %get3A_33 = arith.index_cast %scan3A_21 : i32 to index
        %get3A_34 = arith.constant 16 : index
        %get3A_35 = tpu.vector_load %arg6[%get3A_33, %get3A_34] {strides = array<i32>} : memref<40x768xf32, #tpu.memory_space<vmem>>, vector<1x16xf32>,
        %get3A_36 = vector.shape_cast %get3A_35 : vector<1x16xf32> to vector<16xf32>
        %mul3A_37 = arith.constant 768 : i32
        %mul3A_38 = arith.muli %scan3A_21, %mul3A_37 : i32
        %add3A_39 = arith.constant 16 : i32
        %add3A_40 = arith.addi %mul3A_38, %add3A_39 : i32
        %swap3A_41 = arith.index_cast %add3A_40 : i32 to index
        %swap3A_42 = tpu.vector_load %arg9[%swap3A_41] {strides = array<i32>} : memref<30720xf32, #tpu.memory_space<vmem>>, vector<16xf32>,
        %swap3A_43 = vector.shape_cast %swap3A_42 : vector<16xf32> to vector<16xf32>
        %swap3A_44 = vector.shape_cast %get3A_36 : vector<16xf32> to vector<16xf32>
        tpu.vector_store %arg9[%swap3A_41], %swap3A_44 {strides = array<i32>} : memref<30720xf32, #tpu.memory_space<vmem>>, vector<16xf32>,
        %get3A_45 = arith.index_cast %scan3A_21 : i32 to index
        %get3A_46 = arith.constant 32 : index
        %get3A_47 = tpu.vector_load %arg6[%get3A_45, %get3A_46] {strides = array<i32>} : memref<40x768xf32, #tpu.memory_space<vmem>>, vector<1x16xf32>,
        %get3A_48 = vector.shape_cast %get3A_47 : vector<1x16xf32> to vector<16xf32>
        %mul3A_49 = arith.constant 768 : i32
        %mul3A_50 = arith.muli %scan3A_21, %mul3A_49 : i32
        %add3A_51 = arith.constant 32 : i32
        %add3A_52 = arith.addi %mul3A_50, %add3A_51 : i32
        %swap3A_53 = arith.index_cast %add3A_52 : i32 to index
        %swap3A_54 = tpu.vector_load %arg9[%swap3A_53] {strides = array<i32>} : memref<30720xf32, #tpu.memory_space<vmem>>, vector<16xf32>,
        %swap3A_55 = vector.shape_cast %swap3A_54 : vector<16xf32> to vector<16xf32>
        %swap3A_56 = vector.shape_cast %get3A_48 : vector<16xf32> to vector<16xf32>
        tpu.vector_store %arg9[%swap3A_53], %swap3A_56 {strides = array<i32>} : memref<30720xf32, #tpu.memory_space<vmem>>, vector<16xf32>,
        %get3A_57 = arith.index_cast %scan3A_21 : i32 to index
        %get3A_58 = arith.constant 48 : index
        %get3A_59 = tpu.vector_load %arg6[%get3A_57, %get3A_58] {strides = array<i32>} : memref<40x768xf32, #tpu.memory_space<vmem>>, vector<1x16xf32>,
        %get3A_60 = vector.shape_cast %get3A_59 : vector<1x16xf32> to vector<16xf32>
        %mul3A_61 = arith.constant 768 : i32
        %mul3A_62 = arith.muli %scan3A_21, %mul3A_61 : i32
        %add3A_63 = arith.constant 48 : i32
        %add3A_64 = arith.addi %mul3A_62, %add3A_63 : i32
        %swap3A_65 = arith.index_cast %add3A_64 : i32 to index
        %swap3A_66 = tpu.vector_load %arg9[%swap3A_65] {strides = array<i32>} : memref<30720xf32, #tpu.memory_space<vmem>>, vector<16xf32>,
        %swap3A_67 = vector.shape_cast %swap3A_66 : vector<16xf32> to vector<16xf32>
        %swap3A_68 = vector.shape_cast %get3A_60 : vector<16xf32> to vector<16xf32>
        tpu.vector_store %arg9[%swap3A_65], %swap3A_68 {strides = array<i32>} : memref<30720xf32, #tpu.memory_space<vmem>>, vector<16xf32>,
        %get3A_69 = arith.index_cast %scan3A_21 : i32 to index
        %get3A_70 = arith.constant 64 : index
        %get3A_71 = tpu.vector_load %arg6[%get3A_69, %get3A_70] {strides = array<i32>} : memref<40x768xf32, #tpu.memory_space<vmem>>, vector<1x16xf32>,
        %get3A_72 = vector.shape_cast %get3A_71 : vector<1x16xf32> to vector<16xf32>
        %mul3A_73 = arith.constant 768 : i32
        %mul3A_74 = arith.muli %scan3A_21, %mul3A_73 : i32
        %add3A_75 = arith.constant 64 : i32
        %add3A_76 = arith.addi %mul3A_74, %add3A_75 : i32
        %swap3A_77 = arith.index_cast %add3A_76 : i32 to index
        %swap3A_78 = tpu.vector_load %arg9[%swap3A_77] {strides = array<i32>} : memref<30720xf32, #tpu.memory_space<vmem>>, vector<16xf32>,
        %swap3A_79 = vector.shape_cast %swap3A_78 : vector<16xf32> to vector<16xf32>
        %swap3A_80 = vector.shape_cast %get3A_72 : vector<16xf32> to vector<16xf32>
        tpu.vector_store %arg9[%swap3A_77], %swap3A_80 {strides = array<i32>} : memref<30720xf32, #tpu.memory_space<vmem>>, vector<16xf32>,
        %get3A_81 = arith.index_cast %scan3A_21 : i32 to index
        %get3A_82 = arith.constant 80 : index
        %get3A_83 = tpu.vector_load %arg6[%get3A_81, %get3A_82] {strides = array<i32>} : memref<40x768xf32, #tpu.memory_space<vmem>>, vector<1x16xf32>,
        %get3A_84 = vector.shape_cast %get3A_83 : vector<1x16xf32> to vector<16xf32>
        %mul3A_85 = arith.constant 768 : i32
        %mul3A_86 = arith.muli %scan3A_21, %mul3A_85 : i32
        %add3A_87 = arith.constant 80 : i32
        %add3A_88 = arith.addi %mul3A_86, %add3A_87 : i32
        %swap3A_89 = arith.index_cast %add3A_88 : i32 to index
        %swap3A_90 = tpu.vector_load %arg9[%swap3A_89] {strides = array<i32>} : memref<30720xf32, #tpu.memory_space<vmem>>, vector<16xf32>,
        %swap3A_91 = vector.shape_cast %swap3A_90 : vector<16xf32> to vector<16xf32>
        %swap3A_92 = vector.shape_cast %get3A_84 : vector<16xf32> to vector<16xf32>
        tpu.vector_store %arg9[%swap3A_89], %swap3A_92 {strides = array<i32>} : memref<30720xf32, #tpu.memory_space<vmem>>, vector<16xf32>,
        %get3A_93 = arith.index_cast %scan3A_21 : i32 to index
        %get3A_94 = arith.constant 96 : index
        %get3A_95 = tpu.vector_load %arg6[%get3A_93, %get3A_94] {strides = array<i32>} : memref<40x768xf32, #tpu.memory_space<vmem>>, vector<1x16xf32>,
        %get3A_96 = vector.shape_cast %get3A_95 : vector<1x16xf32> to vector<16xf32>
        %mul3A_97 = arith.constant 768 : i32
        %mul3A_98 = arith.muli %scan3A_21, %mul3A_97 : i32
        %add3A_99 = arith.constant 96 : i32
        %add3A_100 = arith.addi %mul3A_98, %add3A_99 : i32
        %swap3A_101 = arith.index_cast %add3A_100 : i32 to index
        %swap3A_102 = tpu.vector_load %arg9[%swap3A_101] {strides = array<i32>} : memref<30720xf32, #tpu.memory_space<vmem>>, vector<16xf32>,
        %swap3A_103 = vector.shape_cast %swap3A_102 : vector<16xf32> to vector<16xf32>
        %swap3A_104 = vector.shape_cast %get3A_96 : vector<16xf32> to vector<16xf32>
        tpu.vector_store %arg9[%swap3A_101], %swap3A_104 {strides = array<i32>} : memref<30720xf32, #tpu.memory_space<vmem>>, vector<16xf32>,
        %get3A_105 = arith.index_cast %scan3A_21 : i32 to index
        %get3A_106 = arith.constant 112 : index
        %get3A_107 = tpu.vector_load %arg6[%get3A_105, %get3A_106] {strides = array<i32>} : memref<40x768xf32, #tpu.memory_space<vmem>>, vector<1x16xf32>,
        %get3A_108 = vector.shape_cast %get3A_107 : vector<1x16xf32> to vector<16xf32>
        %mul3A_109 = arith.constant 768 : i32
        %mul3A_110 = arith.muli %scan3A_21, %mul3A_109 : i32
        %add3A_111 = arith.constant 112 : i32
        %add3A_112 = arith.addi %mul3A_110, %add3A_111 : i32
        %swap3A_113 = arith.index_cast %add3A_112 : i32 to index
        %swap3A_114 = tpu.vector_load %arg9[%swap3A_113] {strides = array<i32>} : memref<30720xf32, #tpu.memory_space<vmem>>, vector<16xf32>,
        %swap3A_115 = vector.shape_cast %swap3A_114 : vector<16xf32> to vector<16xf32>
        %swap3A_116 = vector.shape_cast %get3A_108 : vector<16xf32> to vector<16xf32>
        tpu.vector_store %arg9[%swap3A_113], %swap3A_116 {strides = array<i32>} : memref<30720xf32, #tpu.memory_space<vmem>>, vector<16xf32>,
        %get3A_117 = arith.index_cast %scan3A_21 : i32 to index
        %get3A_118 = arith.constant 128 : index
        %get3A_119 = tpu.vector_load %arg6[%get3A_117, %get3A_118] {strides = array<i32>} : memref<40x768xf32, #tpu.memory_space<vmem>>, vector<1x16xf32>,
        %get3A_120 = vector.shape_cast %get3A_119 : vector<1x16xf32> to vector<16xf32>
        %mul3A_121 = arith.constant 768 : i32
        %mul3A_122 = arith.muli %scan3A_21, %mul3A_121 : i32
        %add3A_123 = arith.constant 128 : i32
        %add3A_124 = arith.addi %mul3A_122, %add3A_123 : i32
        %swap3A_125 = arith.index_cast %add3A_124 : i32 to index
        %swap3A_126 = tpu.vector_load %arg9[%swap3A_125] {strides = array<i32>} : memref<30720xf32, #tpu.memory_space<vmem>>, vector<16xf32>,
        %swap3A_127 = vector.shape_cast %swap3A_126 : vector<16xf32> to vector<16xf32>
        %swap3A_128 = vector.shape_cast %get3A_120 : vector<16xf32> to vector<16xf32>
        tpu.vector_store %arg9[%swap3A_125], %swap3A_128 {strides = array<i32>} : memref<30720xf32, #tpu.memory_space<vmem>>, vector<16xf32>,
        %get3A_129 = arith.index_cast %scan3A_21 : i32 to index
        %get3A_130 = arith.constant 144 : index
        %get3A_131 = tpu.vector_load %arg6[%get3A_129, %get3A_130] {strides = array<i32>} : memref<40x768xf32, #tpu.memory_space<vmem>>, vector<1x16xf32>,
        %get3A_132 = vector.shape_cast %get3A_131 : vector<1x16xf32> to vector<16xf32>
        %mul3A_133 = arith.constant 768 : i32
        %mul3A_134 = arith.muli %scan3A_21, %mul3A_133 : i32
        %add3A_135 = arith.constant 144 : i32
        %add3A_136 = arith.addi %mul3A_134, %add3A_135 : i32
        %swap3A_137 = arith.index_cast %add3A_136 : i32 to index
        %swap3A_138 = tpu.vector_load %arg9[%swap3A_137] {strides = array<i32>} : memref<30720xf32, #tpu.memory_space<vmem>>, vector<16xf32>,
        %swap3A_139 = vector.shape_cast %swap3A_138 : vector<16xf32> to vector<16xf32>
        %swap3A_140 = vector.shape_cast %get3A_132 : vector<16xf32> to vector<16xf32>
        tpu.vector_store %arg9[%swap3A_137], %swap3A_140 {strides = array<i32>} : memref<30720xf32, #tpu.memory_space<vmem>>, vector<16xf32>,
        %get3A_141 = arith.index_cast %scan3A_21 : i32 to index
        %get3A_142 = arith.constant 160 : index
        %get3A_143 = tpu.vector_load %arg6[%get3A_141, %get3A_142] {strides = array<i32>} : memref<40x768xf32, #tpu.memory_space<vmem>>, vector<1x16xf32>,
        %get3A_144 = vector.shape_cast %get3A_143 : vector<1x16xf32> to vector<16xf32>
        %mul3A_145 = arith.constant 768 : i32
        %mul3A_146 = arith.muli %scan3A_21, %mul3A_145 : i32
        %add3A_147 = arith.constant 160 : i32
        %add3A_148 = arith.addi %mul3A_146, %add3A_147 : i32
        %swap3A_149 = arith.index_cast %add3A_148 : i32 to index
        %swap3A_150 = tpu.vector_load %arg9[%swap3A_149] {strides = array<i32>} : memref<30720xf32, #tpu.memory_space<vmem>>, vector<16xf32>,
        %swap3A_151 = vector.shape_cast %swap3A_150 : vector<16xf32> to vector<16xf32>
        %swap3A_152 = vector.shape_cast %get3A_144 : vector<16xf32> to vector<16xf32>
        tpu.vector_store %arg9[%swap3A_149], %swap3A_152 {strides = array<i32>} : memref<30720xf32, #tpu.memory_space<vmem>>, vector<16xf32>,
        %get3A_153 = arith.index_cast %scan3A_21 : i32 to index
        %get3A_154 = arith.constant 176 : index
        %get3A_155 = tpu.vector_load %arg6[%get3A_153, %get3A_154] {strides = array<i32>} : memref<40x768xf32, #tpu.memory_space<vmem>>, vector<1x16xf32>,
        %get3A_156 = vector.shape_cast %get3A_155 : vector<1x16xf32> to vector<16xf32>
        %mul3A_157 = arith.constant 768 : i32
        %mul3A_158 = arith.muli %scan3A_21, %mul3A_157 : i32
        %add3A_159 = arith.constant 176 : i32
        %add3A_160 = arith.addi %mul3A_158, %add3A_159 : i32
        %swap3A_161 = arith.index_cast %add3A_160 : i32 to index
        %swap3A_162 = tpu.vector_load %arg9[%swap3A_161] {strides = array<i32>} : memref<30720xf32, #tpu.memory_space<vmem>>, vector<16xf32>,
        %swap3A_163 = vector.shape_cast %swap3A_162 : vector<16xf32> to vector<16xf32>
        %swap3A_164 = vector.shape_cast %get3A_156 : vector<16xf32> to vector<16xf32>
        tpu.vector_store %arg9[%swap3A_161], %swap3A_164 {strides = array<i32>} : memref<30720xf32, #tpu.memory_space<vmem>>, vector<16xf32>,
        %get3A_165 = arith.index_cast %scan3A_21 : i32 to index
        %get3A_166 = arith.constant 192 : index
        %get3A_167 = tpu.vector_load %arg6[%get3A_165, %get3A_166] {strides = array<i32>} : memref<40x768xf32, #tpu.memory_space<vmem>>, vector<1x16xf32>,
        %get3A_168 = vector.shape_cast %get3A_167 : vector<1x16xf32> to vector<16xf32>
        %mul3A_169 = arith.constant 768 : i32
        %mul3A_170 = arith.muli %scan3A_21, %mul3A_169 : i32
        %add3A_171 = arith.constant 192 : i32
        %add3A_172 = arith.addi %mul3A_170, %add3A_171 : i32
        %swap3A_173 = arith.index_cast %add3A_172 : i32 to index
        %swap3A_174 = tpu.vector_load %arg9[%swap3A_173] {strides = array<i32>} : memref<30720xf32, #tpu.memory_space<vmem>>, vector<16xf32>,
        %swap3A_175 = vector.shape_cast %swap3A_174 : vector<16xf32> to vector<16xf32>
        %swap3A_176 = vector.shape_cast %get3A_168 : vector<16xf32> to vector<16xf32>
        tpu.vector_store %arg9[%swap3A_173], %swap3A_176 {strides = array<i32>} : memref<30720xf32, #tpu.memory_space<vmem>>, vector<16xf32>,
        %get3A_177 = arith.index_cast %scan3A_21 : i32 to index
        %get3A_178 = arith.constant 208 : index
        %get3A_179 = tpu.vector_load %arg6[%get3A_177, %get3A_178] {strides = array<i32>} : memref<40x768xf32, #tpu.memory_space<vmem>>, vector<1x16xf32>,
        %get3A_180 = vector.shape_cast %get3A_179 : vector<1x16xf32> to vector<16xf32>
        %mul3A_181 = arith.constant 768 : i32
        %mul3A_182 = arith.muli %scan3A_21, %mul3A_181 : i32
        %add3A_183 = arith.constant 208 : i32
        %add3A_184 = arith.addi %mul3A_182, %add3A_183 : i32
        %swap3A_185 = arith.index_cast %add3A_184 : i32 to index
        %swap3A_186 = tpu.vector_load %arg9[%swap3A_185] {strides = array<i32>} : memref<30720xf32, #tpu.memory_space<vmem>>, vector<16xf32>,
        %swap3A_187 = vector.shape_cast %swap3A_186 : vector<16xf32> to vector<16xf32>
        %swap3A_188 = vector.shape_cast %get3A_180 : vector<16xf32> to vector<16xf32>
        tpu.vector_store %arg9[%swap3A_185], %swap3A_188 {strides = array<i32>} : memref<30720xf32, #tpu.memory_space<vmem>>, vector<16xf32>,
        %get3A_189 = arith.index_cast %scan3A_21 : i32 to index
        %get3A_190 = arith.constant 224 : index
        %get3A_191 = tpu.vector_load %arg6[%get3A_189, %get3A_190] {strides = array<i32>} : memref<40x768xf32, #tpu.memory_space<vmem>>, vector<1x16xf32>,
        %get3A_192 = vector.shape_cast %get3A_191 : vector<1x16xf32> to vector<16xf32>
        %mul3A_193 = arith.constant 768 : i32
        %mul3A_194 = arith.muli %scan3A_21, %mul3A_193 : i32
        %add3A_195 = arith.constant 224 : i32
        %add3A_196 = arith.addi %mul3A_194, %add3A_195 : i32
        %swap3A_197 = arith.index_cast %add3A_196 : i32 to index
        %swap3A_198 = tpu.vector_load %arg9[%swap3A_197] {strides = array<i32>} : memref<30720xf32, #tpu.memory_space<vmem>>, vector<16xf32>,
        %swap3A_199 = vector.shape_cast %swap3A_198 : vector<16xf32> to vector<16xf32>
        %swap3A_200 = vector.shape_cast %get3A_192 : vector<16xf32> to vector<16xf32>
        tpu.vector_store %arg9[%swap3A_197], %swap3A_200 {strides = array<i32>} : memref<30720xf32, #tpu.memory_space<vmem>>, vector<16xf32>,
        %get3A_201 = arith.index_cast %scan3A_21 : i32 to index
        %get3A_202 = arith.constant 240 : index
        %get3A_203 = tpu.vector_load %arg6[%get3A_201, %get3A_202] {strides = array<i32>} : memref<40x768xf32, #tpu.memory_space<vmem>>, vector<1x16xf32>,
        %get3A_204 = vector.shape_cast %get3A_203 : vector<1x16xf32> to vector<16xf32>
        %mul3A_205 = arith.constant 768 : i32
        %mul3A_206 = arith.muli %scan3A_21, %mul3A_205 : i32
        %add3A_207 = arith.constant 240 : i32
        %add3A_208 = arith.addi %mul3A_206, %add3A_207 : i32
        %swap3A_209 = arith.index_cast %add3A_208 : i32 to index
        %swap3A_210 = tpu.vector_load %arg9[%swap3A_209] {strides = array<i32>} : memref<30720xf32, #tpu.memory_space<vmem>>, vector<16xf32>,
        %swap3A_211 = vector.shape_cast %swap3A_210 : vector<16xf32> to vector<16xf32>
        %swap3A_212 = vector.shape_cast %get3A_204 : vector<16xf32> to vector<16xf32>
        tpu.vector_store %arg9[%swap3A_209], %swap3A_212 {strides = array<i32>} : memref<30720xf32, #tpu.memory_space<vmem>>, vector<16xf32>,
        %get3A_213 = arith.index_cast %scan3A_21 : i32 to index
        %get3A_214 = arith.constant 256 : index
        %get3A_215 = tpu.vector_load %arg6[%get3A_213, %get3A_214] {strides = array<i32>} : memref<40x768xf32, #tpu.memory_space<vmem>>, vector<1x16xf32>,
        %get3A_216 = vector.shape_cast %get3A_215 : vector<1x16xf32> to vector<16xf32>
        %mul3A_217 = arith.constant 768 : i32
        %mul3A_218 = arith.muli %scan3A_21, %mul3A_217 : i32
        %add3A_219 = arith.constant 256 : i32
        %add3A_220 = arith.addi %mul3A_218, %add3A_219 : i32
        %swap3A_221 = arith.index_cast %add3A_220 : i32 to index
        %swap3A_222 = tpu.vector_load %arg9[%swap3A_221] {strides = array<i32>} : memref<30720xf32, #tpu.memory_space<vmem>>, vector<16xf32>,
        %swap3A_223 = vector.shape_cast %swap3A_222 : vector<16xf32> to vector<16xf32>
        %swap3A_224 = vector.shape_cast %get3A_216 : vector<16xf32> to vector<16xf32>
        tpu.vector_store %arg9[%swap3A_221], %swap3A_224 {strides = array<i32>} : memref<30720xf32, #tpu.memory_space<vmem>>, vector<16xf32>,
        %get3A_225 = arith.index_cast %scan3A_21 : i32 to index
        %get3A_226 = arith.constant 272 : index
        %get3A_227 = tpu.vector_load %arg6[%get3A_225, %get3A_226] {strides = array<i32>} : memref<40x768xf32, #tpu.memory_space<vmem>>, vector<1x16xf32>,
        %get3A_228 = vector.shape_cast %get3A_227 : vector<1x16xf32> to vector<16xf32>
        %mul3A_229 = arith.constant 768 : i32
        %mul3A_230 = arith.muli %scan3A_21, %mul3A_229 : i32
        %add3A_231 = arith.constant 272 : i32
        %add3A_232 = arith.addi %mul3A_230, %add3A_231 : i32
        %swap3A_233 = arith.index_cast %add3A_232 : i32 to index
        %swap3A_234 = tpu.vector_load %arg9[%swap3A_233] {strides = array<i32>} : memref<30720xf32, #tpu.memory_space<vmem>>, vector<16xf32>,
        %swap3A_235 = vector.shape_cast %swap3A_234 : vector<16xf32> to vector<16xf32>
        %swap3A_236 = vector.shape_cast %get3A_228 : vector<16xf32> to vector<16xf32>
        tpu.vector_store %arg9[%swap3A_233], %swap3A_236 {strides = array<i32>} : memref<30720xf32, #tpu.memory_space<vmem>>, vector<16xf32>,
        %get3A_237 = arith.index_cast %scan3A_21 : i32 to index
        %get3A_238 = arith.constant 288 : index
        %get3A_239 = tpu.vector_load %arg6[%get3A_237, %get3A_238] {strides = array<i32>} : memref<40x768xf32, #tpu.memory_space<vmem>>, vector<1x16xf32>,
        %get3A_240 = vector.shape_cast %get3A_239 : vector<1x16xf32> to vector<16xf32>
        %mul3A_241 = arith.constant 768 : i32
        %mul3A_242 = arith.muli %scan3A_21, %mul3A_241 : i32
        %add3A_243 = arith.constant 288 : i32
        %add3A_244 = arith.addi %mul3A_242, %add3A_243 : i32
        %swap3A_245 = arith.index_cast %add3A_244 : i32 to index
        %swap3A_246 = tpu.vector_load %arg9[%swap3A_245] {strides = array<i32>} : memref<30720xf32, #tpu.memory_space<vmem>>, vector<16xf32>,
        %swap3A_247 = vector.shape_cast %swap3A_246 : vector<16xf32> to vector<16xf32>
        %swap3A_248 = vector.shape_cast %get3A_240 : vector<16xf32> to vector<16xf32>
        tpu.vector_store %arg9[%swap3A_245], %swap3A_248 {strides = array<i32>} : memref<30720xf32, #tpu.memory_space<vmem>>, vector<16xf32>,
        %get3A_249 = arith.index_cast %scan3A_21 : i32 to index
        %get3A_250 = arith.constant 304 : index
        %get3A_251 = tpu.vector_load %arg6[%get3A_249, %get3A_250] {strides = array<i32>} : memref<40x768xf32, #tpu.memory_space<vmem>>, vector<1x16xf32>,
        %get3A_252 = vector.shape_cast %get3A_251 : vector<1x16xf32> to vector<16xf32>
        %mul3A_253 = arith.constant 768 : i32
        %mul3A_254 = arith.muli %scan3A_21, %mul3A_253 : i32
        %add3A_255 = arith.constant 304 : i32
        %add3A_256 = arith.addi %mul3A_254, %add3A_255 : i32
        %swap3A_257 = arith.index_cast %add3A_256 : i32 to index
        %swap3A_258 = tpu.vector_load %arg9[%swap3A_257] {strides = array<i32>} : memref<30720xf32, #tpu.memory_space<vmem>>, vector<16xf32>,
        %swap3A_259 = vector.shape_cast %swap3A_258 : vector<16xf32> to vector<16xf32>
        %swap3A_260 = vector.shape_cast %get3A_252 : vector<16xf32> to vector<16xf32>
        tpu.vector_store %arg9[%swap3A_257], %swap3A_260 {strides = array<i32>} : memref<30720xf32, #tpu.memory_space<vmem>>, vector<16xf32>,
        %get3A_261 = arith.index_cast %scan3A_21 : i32 to index
        %get3A_262 = arith.constant 320 : index
        %get3A_263 = tpu.vector_load %arg6[%get3A_261, %get3A_262] {strides = array<i32>} : memref<40x768xf32, #tpu.memory_space<vmem>>, vector<1x16xf32>,
        %get3A_264 = vector.shape_cast %get3A_263 : vector<1x16xf32> to vector<16xf32>
        %mul3A_265 = arith.constant 768 : i32
        %mul3A_266 = arith.muli %scan3A_21, %mul3A_265 : i32
        %add3A_267 = arith.constant 320 : i32
        %add3A_268 = arith.addi %mul3A_266, %add3A_267 : i32
        %swap3A_269 = arith.index_cast %add3A_268 : i32 to index
        %swap3A_270 = tpu.vector_load %arg9[%swap3A_269] {strides = array<i32>} : memref<30720xf32, #tpu.memory_space<vmem>>, vector<16xf32>,
        %swap3A_271 = vector.shape_cast %swap3A_270 : vector<16xf32> to vector<16xf32>
        %swap3A_272 = vector.shape_cast %get3A_264 : vector<16xf32> to vector<16xf32>
        tpu.vector_store %arg9[%swap3A_269], %swap3A_272 {strides = array<i32>} : memref<30720xf32, #tpu.memory_space<vmem>>, vector<16xf32>,
        %get3A_273 = arith.index_cast %scan3A_21 : i32 to index
        %get3A_274 = arith.constant 336 : index
        %get3A_275 = tpu.vector_load %arg6[%get3A_273, %get3A_274] {strides = array<i32>} : memref<40x768xf32, #tpu.memory_space<vmem>>, vector<1x16xf32>,
        %get3A_276 = vector.shape_cast %get3A_275 : vector<1x16xf32> to vector<16xf32>
        %mul3A_277 = arith.constant 768 : i32
        %mul3A_278 = arith.muli %scan3A_21, %mul3A_277 : i32
        %add3A_279 = arith.constant 336 : i32
        %add3A_280 = arith.addi %mul3A_278, %add3A_279 : i32
        %swap3A_281 = arith.index_cast %add3A_280 : i32 to index
        %swap3A_282 = tpu.vector_load %arg9[%swap3A_281] {strides = array<i32>} : memref<30720xf32, #tpu.memory_space<vmem>>, vector<16xf32>,
        %swap3A_283 = vector.shape_cast %swap3A_282 : vector<16xf32> to vector<16xf32>
        %swap3A_284 = vector.shape_cast %get3A_276 : vector<16xf32> to vector<16xf32>
        tpu.vector_store %arg9[%swap3A_281], %swap3A_284 {strides = array<i32>} : memref<30720xf32, #tpu.memory_space<vmem>>, vector<16xf32>,
        %get3A_285 = arith.index_cast %scan3A_21 : i32 to index
        %get3A_286 = arith.constant 352 : index
        %get3A_287 = tpu.vector_load %arg6[%get3A_285, %get3A_286] {strides = array<i32>} : memref<40x768xf32, #tpu.memory_space<vmem>>, vector<1x16xf32>,
        %get3A_288 = vector.shape_cast %get3A_287 : vector<1x16xf32> to vector<16xf32>
        %mul3A_289 = arith.constant 768 : i32
        %mul3A_290 = arith.muli %scan3A_21, %mul3A_289 : i32
        %add3A_291 = arith.constant 352 : i32
        %add3A_292 = arith.addi %mul3A_290, %add3A_291 : i32
        %swap3A_293 = arith.index_cast %add3A_292 : i32 to index
        %swap3A_294 = tpu.vector_load %arg9[%swap3A_293] {strides = array<i32>} : memref<30720xf32, #tpu.memory_space<vmem>>, vector<16xf32>,
        %swap3A_295 = vector.shape_cast %swap3A_294 : vector<16xf32> to vector<16xf32>
        %swap3A_296 = vector.shape_cast %get3A_288 : vector<16xf32> to vector<16xf32>
        tpu.vector_store %arg9[%swap3A_293], %swap3A_296 {strides = array<i32>} : memref<30720xf32, #tpu.memory_space<vmem>>, vector<16xf32>,
        %get3A_297 = arith.index_cast %scan3A_21 : i32 to index
        %get3A_298 = arith.constant 368 : index
        %get3A_299 = tpu.vector_load %arg6[%get3A_297, %get3A_298] {strides = array<i32>} : memref<40x768xf32, #tpu.memory_space<vmem>>, vector<1x16xf32>,
        %get3A_300 = vector.shape_cast %get3A_299 : vector<1x16xf32> to vector<16xf32>
        %mul3A_301 = arith.constant 768 : i32
        %mul3A_302 = arith.muli %scan3A_21, %mul3A_301 : i32
        %add3A_303 = arith.constant 368 : i32
        %add3A_304 = arith.addi %mul3A_302, %add3A_303 : i32
        %swap3A_305 = arith.index_cast %add3A_304 : i32 to index
        %swap3A_306 = tpu.vector_load %arg9[%swap3A_305] {strides = array<i32>} : memref<30720xf32, #tpu.memory_space<vmem>>, vector<16xf32>,
        %swap3A_307 = vector.shape_cast %swap3A_306 : vector<16xf32> to vector<16xf32>
        %swap3A_308 = vector.shape_cast %get3A_300 : vector<16xf32> to vector<16xf32>
        tpu.vector_store %arg9[%swap3A_305], %swap3A_308 {strides = array<i32>} : memref<30720xf32, #tpu.memory_space<vmem>>, vector<16xf32>,
        %get3A_309 = arith.index_cast %scan3A_21 : i32 to index
        %get3A_310 = arith.constant 384 : index
        %get3A_311 = tpu.vector_load %arg6[%get3A_309, %get3A_310] {strides = array<i32>} : memref<40x768xf32, #tpu.memory_space<vmem>>, vector<1x16xf32>,
        %get3A_312 = vector.shape_cast %get3A_311 : vector<1x16xf32> to vector<16xf32>
        %mul3A_313 = arith.constant 768 : i32
        %mul3A_314 = arith.muli %scan3A_21, %mul3A_313 : i32
        %add3A_315 = arith.constant 384 : i32
        %add3A_316 = arith.addi %mul3A_314, %add3A_315 : i32
        %swap3A_317 = arith.index_cast %add3A_316 : i32 to index
        %swap3A_318 = tpu.vector_load %arg9[%swap3A_317] {strides = array<i32>} : memref<30720xf32, #tpu.memory_space<vmem>>, vector<16xf32>,
        %swap3A_319 = vector.shape_cast %swap3A_318 : vector<16xf32> to vector<16xf32>
        %swap3A_320 = vector.shape_cast %get3A_312 : vector<16xf32> to vector<16xf32>
        tpu.vector_store %arg9[%swap3A_317], %swap3A_320 {strides = array<i32>} : memref<30720xf32, #tpu.memory_space<vmem>>, vector<16xf32>,
        %get3A_321 = arith.index_cast %scan3A_21 : i32 to index
        %get3A_322 = arith.constant 400 : index
        %get3A_323 = tpu.vector_load %arg6[%get3A_321, %get3A_322] {strides = array<i32>} : memref<40x768xf32, #tpu.memory_space<vmem>>, vector<1x16xf32>,
        %get3A_324 = vector.shape_cast %get3A_323 : vector<1x16xf32> to vector<16xf32>
        %mul3A_325 = arith.constant 768 : i32
        %mul3A_326 = arith.muli %scan3A_21, %mul3A_325 : i32
        %add3A_327 = arith.constant 400 : i32
        %add3A_328 = arith.addi %mul3A_326, %add3A_327 : i32
        %swap3A_329 = arith.index_cast %add3A_328 : i32 to index
        %swap3A_330 = tpu.vector_load %arg9[%swap3A_329] {strides = array<i32>} : memref<30720xf32, #tpu.memory_space<vmem>>, vector<16xf32>,
        %swap3A_331 = vector.shape_cast %swap3A_330 : vector<16xf32> to vector<16xf32>
        %swap3A_332 = vector.shape_cast %get3A_324 : vector<16xf32> to vector<16xf32>
        tpu.vector_store %arg9[%swap3A_329], %swap3A_332 {strides = array<i32>} : memref<30720xf32, #tpu.memory_space<vmem>>, vector<16xf32>,
        %get3A_333 = arith.index_cast %scan3A_21 : i32 to index
        %get3A_334 = arith.constant 416 : index
        %get3A_335 = tpu.vector_load %arg6[%get3A_333, %get3A_334] {strides = array<i32>} : memref<40x768xf32, #tpu.memory_space<vmem>>, vector<1x16xf32>,
        %get3A_336 = vector.shape_cast %get3A_335 : vector<1x16xf32> to vector<16xf32>
        %mul3A_337 = arith.constant 768 : i32
        %mul3A_338 = arith.muli %scan3A_21, %mul3A_337 : i32
        %add3A_339 = arith.constant 416 : i32
        %add3A_340 = arith.addi %mul3A_338, %add3A_339 : i32
        %swap3A_341 = arith.index_cast %add3A_340 : i32 to index
        %swap3A_342 = tpu.vector_load %arg9[%swap3A_341] {strides = array<i32>} : memref<30720xf32, #tpu.memory_space<vmem>>, vector<16xf32>,
        %swap3A_343 = vector.shape_cast %swap3A_342 : vector<16xf32> to vector<16xf32>
        %swap3A_344 = vector.shape_cast %get3A_336 : vector<16xf32> to vector<16xf32>
        tpu.vector_store %arg9[%swap3A_341], %swap3A_344 {strides = array<i32>} : memref<30720xf32, #tpu.memory_space<vmem>>, vector<16xf32>,
        %get3A_345 = arith.index_cast %scan3A_21 : i32 to index
        %get3A_346 = arith.constant 432 : index
        %get3A_347 = tpu.vector_load %arg6[%get3A_345, %get3A_346] {strides = array<i32>} : memref<40x768xf32, #tpu.memory_space<vmem>>, vector<1x16xf32>,
        %get3A_348 = vector.shape_cast %get3A_347 : vector<1x16xf32> to vector<16xf32>
        %mul3A_349 = arith.constant 768 : i32
        %mul3A_350 = arith.muli %scan3A_21, %mul3A_349 : i32
        %add3A_351 = arith.constant 432 : i32
        %add3A_352 = arith.addi %mul3A_350, %add3A_351 : i32
        %swap3A_353 = arith.index_cast %add3A_352 : i32 to index
        %swap3A_354 = tpu.vector_load %arg9[%swap3A_353] {strides = array<i32>} : memref<30720xf32, #tpu.memory_space<vmem>>, vector<16xf32>,
        %swap3A_355 = vector.shape_cast %swap3A_354 : vector<16xf32> to vector<16xf32>
        %swap3A_356 = vector.shape_cast %get3A_348 : vector<16xf32> to vector<16xf32>
        tpu.vector_store %arg9[%swap3A_353], %swap3A_356 {strides = array<i32>} : memref<30720xf32, #tpu.memory_space<vmem>>, vector<16xf32>,
        %get3A_357 = arith.index_cast %scan3A_21 : i32 to index
        %get3A_358 = arith.constant 448 : index
        %get3A_359 = tpu.vector_load %arg6[%get3A_357, %get3A_358] {strides = array<i32>} : memref<40x768xf32, #tpu.memory_space<vmem>>, vector<1x16xf32>,
        %get3A_360 = vector.shape_cast %get3A_359 : vector<1x16xf32> to vector<16xf32>
        %mul3A_361 = arith.constant 768 : i32
        %mul3A_362 = arith.muli %scan3A_21, %mul3A_361 : i32
        %add3A_363 = arith.constant 448 : i32
        %add3A_364 = arith.addi %mul3A_362, %add3A_363 : i32
        %swap3A_365 = arith.index_cast %add3A_364 : i32 to index
        %swap3A_366 = tpu.vector_load %arg9[%swap3A_365] {strides = array<i32>} : memref<30720xf32, #tpu.memory_space<vmem>>, vector<16xf32>,
        %swap3A_367 = vector.shape_cast %swap3A_366 : vector<16xf32> to vector<16xf32>
        %swap3A_368 = vector.shape_cast %get3A_360 : vector<16xf32> to vector<16xf32>
        tpu.vector_store %arg9[%swap3A_365], %swap3A_368 {strides = array<i32>} : memref<30720xf32, #tpu.memory_space<vmem>>, vector<16xf32>,
        %get3A_369 = arith.index_cast %scan3A_21 : i32 to index
        %get3A_370 = arith.constant 464 : index
        %get3A_371 = tpu.vector_load %arg6[%get3A_369, %get3A_370] {strides = array<i32>} : memref<40x768xf32, #tpu.memory_space<vmem>>, vector<1x16xf32>,
        %get3A_372 = vector.shape_cast %get3A_371 : vector<1x16xf32> to vector<16xf32>
        %mul3A_373 = arith.constant 768 : i32
        %mul3A_374 = arith.muli %scan3A_21, %mul3A_373 : i32
        %add3A_375 = arith.constant 464 : i32
        %add3A_376 = arith.addi %mul3A_374, %add3A_375 : i32
        %swap3A_377 = arith.index_cast %add3A_376 : i32 to index
        %swap3A_378 = tpu.vector_load %arg9[%swap3A_377] {strides = array<i32>} : memref<30720xf32, #tpu.memory_space<vmem>>, vector<16xf32>,
        %swap3A_379 = vector.shape_cast %swap3A_378 : vector<16xf32> to vector<16xf32>
        %swap3A_380 = vector.shape_cast %get3A_372 : vector<16xf32> to vector<16xf32>
        tpu.vector_store %arg9[%swap3A_377], %swap3A_380 {strides = array<i32>} : memref<30720xf32, #tpu.memory_space<vmem>>, vector<16xf32>,
        %get3A_381 = arith.index_cast %scan3A_21 : i32 to index
        %get3A_382 = arith.constant 480 : index
        %get3A_383 = tpu.vector_load %arg6[%get3A_381, %get3A_382] {strides = array<i32>} : memref<40x768xf32, #tpu.memory_space<vmem>>, vector<1x16xf32>,
        %get3A_384 = vector.shape_cast %get3A_383 : vector<1x16xf32> to vector<16xf32>
        %mul3A_385 = arith.constant 768 : i32
        %mul3A_386 = arith.muli %scan3A_21, %mul3A_385 : i32
        %add3A_387 = arith.constant 480 : i32
        %add3A_388 = arith.addi %mul3A_386, %add3A_387 : i32
        %swap3A_389 = arith.index_cast %add3A_388 : i32 to index
        %swap3A_390 = tpu.vector_load %arg9[%swap3A_389] {strides = array<i32>} : memref<30720xf32, #tpu.memory_space<vmem>>, vector<16xf32>,
        %swap3A_391 = vector.shape_cast %swap3A_390 : vector<16xf32> to vector<16xf32>
        %swap3A_392 = vector.shape_cast %get3A_384 : vector<16xf32> to vector<16xf32>
        tpu.vector_store %arg9[%swap3A_389], %swap3A_392 {strides = array<i32>} : memref<30720xf32, #tpu.memory_space<vmem>>, vector<16xf32>,
        %get3A_393 = arith.index_cast %scan3A_21 : i32 to index
        %get3A_394 = arith.constant 496 : index
        %get3A_395 = tpu.vector_load %arg6[%get3A_393, %get3A_394] {strides = array<i32>} : memref<40x768xf32, #tpu.memory_space<vmem>>, vector<1x16xf32>,
        %get3A_396 = vector.shape_cast %get3A_395 : vector<1x16xf32> to vector<16xf32>
        %mul3A_397 = arith.constant 768 : i32
        %mul3A_398 = arith.muli %scan3A_21, %mul3A_397 : i32
        %add3A_399 = arith.constant 496 : i32
        %add3A_400 = arith.addi %mul3A_398, %add3A_399 : i32
        %swap3A_401 = arith.index_cast %add3A_400 : i32 to index
        %swap3A_402 = tpu.vector_load %arg9[%swap3A_401] {strides = array<i32>} : memref<30720xf32, #tpu.memory_space<vmem>>, vector<16xf32>,
        %swap3A_403 = vector.shape_cast %swap3A_402 : vector<16xf32> to vector<16xf32>
        %swap3A_404 = vector.shape_cast %get3A_396 : vector<16xf32> to vector<16xf32>
        tpu.vector_store %arg9[%swap3A_401], %swap3A_404 {strides = array<i32>} : memref<30720xf32, #tpu.memory_space<vmem>>, vector<16xf32>,
        %get3A_405 = arith.index_cast %scan3A_21 : i32 to index
        %get3A_406 = arith.constant 512 : index
        %get3A_407 = tpu.vector_load %arg6[%get3A_405, %get3A_406] {strides = array<i32>} : memref<40x768xf32, #tpu.memory_space<vmem>>, vector<1x16xf32>,
        %get3A_408 = vector.shape_cast %get3A_407 : vector<1x16xf32> to vector<16xf32>
        %mul3A_409 = arith.constant 768 : i32
        %mul3A_410 = arith.muli %scan3A_21, %mul3A_409 : i32
        %add3A_411 = arith.constant 512 : i32
        %add3A_412 = arith.addi %mul3A_410, %add3A_411 : i32
        %swap3A_413 = arith.index_cast %add3A_412 : i32 to index
        %swap3A_414 = tpu.vector_load %arg9[%swap3A_413] {strides = array<i32>} : memref<30720xf32, #tpu.memory_space<vmem>>, vector<16xf32>,
        %swap3A_415 = vector.shape_cast %swap3A_414 : vector<16xf32> to vector<16xf32>
        %swap3A_416 = vector.shape_cast %get3A_408 : vector<16xf32> to vector<16xf32>
        tpu.vector_store %arg9[%swap3A_413], %swap3A_416 {strides = array<i32>} : memref<30720xf32, #tpu.memory_space<vmem>>, vector<16xf32>,
        %get3A_417 = arith.index_cast %scan3A_21 : i32 to index
        %get3A_418 = arith.constant 528 : index
        %get3A_419 = tpu.vector_load %arg6[%get3A_417, %get3A_418] {strides = array<i32>} : memref<40x768xf32, #tpu.memory_space<vmem>>, vector<1x16xf32>,
        %get3A_420 = vector.shape_cast %get3A_419 : vector<1x16xf32> to vector<16xf32>
        %mul3A_421 = arith.constant 768 : i32
        %mul3A_422 = arith.muli %scan3A_21, %mul3A_421 : i32
        %add3A_423 = arith.constant 528 : i32
        %add3A_424 = arith.addi %mul3A_422, %add3A_423 : i32
        %swap3A_425 = arith.index_cast %add3A_424 : i32 to index
        %swap3A_426 = tpu.vector_load %arg9[%swap3A_425] {strides = array<i32>} : memref<30720xf32, #tpu.memory_space<vmem>>, vector<16xf32>,
        %swap3A_427 = vector.shape_cast %swap3A_426 : vector<16xf32> to vector<16xf32>
        %swap3A_428 = vector.shape_cast %get3A_420 : vector<16xf32> to vector<16xf32>
        tpu.vector_store %arg9[%swap3A_425], %swap3A_428 {strides = array<i32>} : memref<30720xf32, #tpu.memory_space<vmem>>, vector<16xf32>,
        %get3A_429 = arith.index_cast %scan3A_21 : i32 to index
        %get3A_430 = arith.constant 544 : index
        %get3A_431 = tpu.vector_load %arg6[%get3A_429, %get3A_430] {strides = array<i32>} : memref<40x768xf32, #tpu.memory_space<vmem>>, vector<1x16xf32>,
        %get3A_432 = vector.shape_cast %get3A_431 : vector<1x16xf32> to vector<16xf32>
        %mul3A_433 = arith.constant 768 : i32
        %mul3A_434 = arith.muli %scan3A_21, %mul3A_433 : i32
        %add3A_435 = arith.constant 544 : i32
        %add3A_436 = arith.addi %mul3A_434, %add3A_435 : i32
        %swap3A_437 = arith.index_cast %add3A_436 : i32 to index
        %swap3A_438 = tpu.vector_load %arg9[%swap3A_437] {strides = array<i32>} : memref<30720xf32, #tpu.memory_space<vmem>>, vector<16xf32>,
        %swap3A_439 = vector.shape_cast %swap3A_438 : vector<16xf32> to vector<16xf32>
        %swap3A_440 = vector.shape_cast %get3A_432 : vector<16xf32> to vector<16xf32>
        tpu.vector_store %arg9[%swap3A_437], %swap3A_440 {strides = array<i32>} : memref<30720xf32, #tpu.memory_space<vmem>>, vector<16xf32>,
        %get3A_441 = arith.index_cast %scan3A_21 : i32 to index
        %get3A_442 = arith.constant 560 : index
        %get3A_443 = tpu.vector_load %arg6[%get3A_441, %get3A_442] {strides = array<i32>} : memref<40x768xf32, #tpu.memory_space<vmem>>, vector<1x16xf32>,
        %get3A_444 = vector.shape_cast %get3A_443 : vector<1x16xf32> to vector<16xf32>
        %mul3A_445 = arith.constant 768 : i32
        %mul3A_446 = arith.muli %scan3A_21, %mul3A_445 : i32
        %add3A_447 = arith.constant 560 : i32
        %add3A_448 = arith.addi %mul3A_446, %add3A_447 : i32
        %swap3A_449 = arith.index_cast %add3A_448 : i32 to index
        %swap3A_450 = tpu.vector_load %arg9[%swap3A_449] {strides = array<i32>} : memref<30720xf32, #tpu.memory_space<vmem>>, vector<16xf32>,
        %swap3A_451 = vector.shape_cast %swap3A_450 : vector<16xf32> to vector<16xf32>
        %swap3A_452 = vector.shape_cast %get3A_444 : vector<16xf32> to vector<16xf32>
        tpu.vector_store %arg9[%swap3A_449], %swap3A_452 {strides = array<i32>} : memref<30720xf32, #tpu.memory_space<vmem>>, vector<16xf32>,
        %get3A_453 = arith.index_cast %scan3A_21 : i32 to index
        %get3A_454 = arith.constant 576 : index
        %get3A_455 = tpu.vector_load %arg6[%get3A_453, %get3A_454] {strides = array<i32>} : memref<40x768xf32, #tpu.memory_space<vmem>>, vector<1x16xf32>,
        %get3A_456 = vector.shape_cast %get3A_455 : vector<1x16xf32> to vector<16xf32>
        %mul3A_457 = arith.constant 768 : i32
        %mul3A_458 = arith.muli %scan3A_21, %mul3A_457 : i32
        %add3A_459 = arith.constant 576 : i32
        %add3A_460 = arith.addi %mul3A_458, %add3A_459 : i32
        %swap3A_461 = arith.index_cast %add3A_460 : i32 to index
        %swap3A_462 = tpu.vector_load %arg9[%swap3A_461] {strides = array<i32>} : memref<30720xf32, #tpu.memory_space<vmem>>, vector<16xf32>,
        %swap3A_463 = vector.shape_cast %swap3A_462 : vector<16xf32> to vector<16xf32>
        %swap3A_464 = vector.shape_cast %get3A_456 : vector<16xf32> to vector<16xf32>
        tpu.vector_store %arg9[%swap3A_461], %swap3A_464 {strides = array<i32>} : memref<30720xf32, #tpu.memory_space<vmem>>, vector<16xf32>,
        %get3A_465 = arith.index_cast %scan3A_21 : i32 to index
        %get3A_466 = arith.constant 592 : index
        %get3A_467 = tpu.vector_load %arg6[%get3A_465, %get3A_466] {strides = array<i32>} : memref<40x768xf32, #tpu.memory_space<vmem>>, vector<1x16xf32>,
        %get3A_468 = vector.shape_cast %get3A_467 : vector<1x16xf32> to vector<16xf32>
        %mul3A_469 = arith.constant 768 : i32
        %mul3A_470 = arith.muli %scan3A_21, %mul3A_469 : i32
        %add3A_471 = arith.constant 592 : i32
        %add3A_472 = arith.addi %mul3A_470, %add3A_471 : i32
        %swap3A_473 = arith.index_cast %add3A_472 : i32 to index
        %swap3A_474 = tpu.vector_load %arg9[%swap3A_473] {strides = array<i32>} : memref<30720xf32, #tpu.memory_space<vmem>>, vector<16xf32>,
        %swap3A_475 = vector.shape_cast %swap3A_474 : vector<16xf32> to vector<16xf32>
        %swap3A_476 = vector.shape_cast %get3A_468 : vector<16xf32> to vector<16xf32>
        tpu.vector_store %arg9[%swap3A_473], %swap3A_476 {strides = array<i32>} : memref<30720xf32, #tpu.memory_space<vmem>>, vector<16xf32>,
        %get3A_477 = arith.index_cast %scan3A_21 : i32 to index
        %get3A_478 = arith.constant 608 : index
        %get3A_479 = tpu.vector_load %arg6[%get3A_477, %get3A_478] {strides = array<i32>} : memref<40x768xf32, #tpu.memory_space<vmem>>, vector<1x16xf32>,
        %get3A_480 = vector.shape_cast %get3A_479 : vector<1x16xf32> to vector<16xf32>
        %mul3A_481 = arith.constant 768 : i32
        %mul3A_482 = arith.muli %scan3A_21, %mul3A_481 : i32
        %add3A_483 = arith.constant 608 : i32
        %add3A_484 = arith.addi %mul3A_482, %add3A_483 : i32
        %swap3A_485 = arith.index_cast %add3A_484 : i32 to index
        %swap3A_486 = tpu.vector_load %arg9[%swap3A_485] {strides = array<i32>} : memref<30720xf32, #tpu.memory_space<vmem>>, vector<16xf32>,
        %swap3A_487 = vector.shape_cast %swap3A_486 : vector<16xf32> to vector<16xf32>
        %swap3A_488 = vector.shape_cast %get3A_480 : vector<16xf32> to vector<16xf32>
        tpu.vector_store %arg9[%swap3A_485], %swap3A_488 {strides = array<i32>} : memref<30720xf32, #tpu.memory_space<vmem>>, vector<16xf32>,
        %get3A_489 = arith.index_cast %scan3A_21 : i32 to index
        %get3A_490 = arith.constant 624 : index
        %get3A_491 = tpu.vector_load %arg6[%get3A_489, %get3A_490] {strides = array<i32>} : memref<40x768xf32, #tpu.memory_space<vmem>>, vector<1x16xf32>,
        %get3A_492 = vector.shape_cast %get3A_491 : vector<1x16xf32> to vector<16xf32>
        %mul3A_493 = arith.constant 768 : i32
        %mul3A_494 = arith.muli %scan3A_21, %mul3A_493 : i32
        %add3A_495 = arith.constant 624 : i32
        %add3A_496 = arith.addi %mul3A_494, %add3A_495 : i32
        %swap3A_497 = arith.index_cast %add3A_496 : i32 to index
        %swap3A_498 = tpu.vector_load %arg9[%swap3A_497] {strides = array<i32>} : memref<30720xf32, #tpu.memory_space<vmem>>, vector<16xf32>,
        %swap3A_499 = vector.shape_cast %swap3A_498 : vector<16xf32> to vector<16xf32>
        %swap3A_500 = vector.shape_cast %get3A_492 : vector<16xf32> to vector<16xf32>
        tpu.vector_store %arg9[%swap3A_497], %swap3A_500 {strides = array<i32>} : memref<30720xf32, #tpu.memory_space<vmem>>, vector<16xf32>,
        %get3A_501 = arith.index_cast %scan3A_21 : i32 to index
        %get3A_502 = arith.constant 640 : index
        %get3A_503 = tpu.vector_load %arg6[%get3A_501, %get3A_502] {strides = array<i32>} : memref<40x768xf32, #tpu.memory_space<vmem>>, vector<1x16xf32>,
        %get3A_504 = vector.shape_cast %get3A_503 : vector<1x16xf32> to vector<16xf32>
        %mul3A_505 = arith.constant 768 : i32
        %mul3A_506 = arith.muli %scan3A_21, %mul3A_505 : i32
        %add3A_507 = arith.constant 640 : i32
        %add3A_508 = arith.addi %mul3A_506, %add3A_507 : i32
        %swap3A_509 = arith.index_cast %add3A_508 : i32 to index
        %swap3A_510 = tpu.vector_load %arg9[%swap3A_509] {strides = array<i32>} : memref<30720xf32, #tpu.memory_space<vmem>>, vector<16xf32>,
        %swap3A_511 = vector.shape_cast %swap3A_510 : vector<16xf32> to vector<16xf32>
        %swap3A_512 = vector.shape_cast %get3A_504 : vector<16xf32> to vector<16xf32>
        tpu.vector_store %arg9[%swap3A_509], %swap3A_512 {strides = array<i32>} : memref<30720xf32, #tpu.memory_space<vmem>>, vector<16xf32>,
        %get3A_513 = arith.index_cast %scan3A_21 : i32 to index
        %get3A_514 = arith.constant 656 : index
        %get3A_515 = tpu.vector_load %arg6[%get3A_513, %get3A_514] {strides = array<i32>} : memref<40x768xf32, #tpu.memory_space<vmem>>, vector<1x16xf32>,
        %get3A_516 = vector.shape_cast %get3A_515 : vector<1x16xf32> to vector<16xf32>
        %mul3A_517 = arith.constant 768 : i32
        %mul3A_518 = arith.muli %scan3A_21, %mul3A_517 : i32
        %add3A_519 = arith.constant 656 : i32
        %add3A_520 = arith.addi %mul3A_518, %add3A_519 : i32
        %swap3A_521 = arith.index_cast %add3A_520 : i32 to index
        %swap3A_522 = tpu.vector_load %arg9[%swap3A_521] {strides = array<i32>} : memref<30720xf32, #tpu.memory_space<vmem>>, vector<16xf32>,
        %swap3A_523 = vector.shape_cast %swap3A_522 : vector<16xf32> to vector<16xf32>
        %swap3A_524 = vector.shape_cast %get3A_516 : vector<16xf32> to vector<16xf32>
        tpu.vector_store %arg9[%swap3A_521], %swap3A_524 {strides = array<i32>} : memref<30720xf32, #tpu.memory_space<vmem>>, vector<16xf32>,
        %get3A_525 = arith.index_cast %scan3A_21 : i32 to index
        %get3A_526 = arith.constant 672 : index
        %get3A_527 = tpu.vector_load %arg6[%get3A_525, %get3A_526] {strides = array<i32>} : memref<40x768xf32, #tpu.memory_space<vmem>>, vector<1x16xf32>,
        %get3A_528 = vector.shape_cast %get3A_527 : vector<1x16xf32> to vector<16xf32>
        %mul3A_529 = arith.constant 768 : i32
        %mul3A_530 = arith.muli %scan3A_21, %mul3A_529 : i32
        %add3A_531 = arith.constant 672 : i32
        %add3A_532 = arith.addi %mul3A_530, %add3A_531 : i32
        %swap3A_533 = arith.index_cast %add3A_532 : i32 to index
        %swap3A_534 = tpu.vector_load %arg9[%swap3A_533] {strides = array<i32>} : memref<30720xf32, #tpu.memory_space<vmem>>, vector<16xf32>,
        %swap3A_535 = vector.shape_cast %swap3A_534 : vector<16xf32> to vector<16xf32>
        %swap3A_536 = vector.shape_cast %get3A_528 : vector<16xf32> to vector<16xf32>
        tpu.vector_store %arg9[%swap3A_533], %swap3A_536 {strides = array<i32>} : memref<30720xf32, #tpu.memory_space<vmem>>, vector<16xf32>,
        %get3A_537 = arith.index_cast %scan3A_21 : i32 to index
        %get3A_538 = arith.constant 688 : index
        %get3A_539 = tpu.vector_load %arg6[%get3A_537, %get3A_538] {strides = array<i32>} : memref<40x768xf32, #tpu.memory_space<vmem>>, vector<1x16xf32>,
        %get3A_540 = vector.shape_cast %get3A_539 : vector<1x16xf32> to vector<16xf32>
        %mul3A_541 = arith.constant 768 : i32
        %mul3A_542 = arith.muli %scan3A_21, %mul3A_541 : i32
        %add3A_543 = arith.constant 688 : i32
        %add3A_544 = arith.addi %mul3A_542, %add3A_543 : i32
        %swap3A_545 = arith.index_cast %add3A_544 : i32 to index
        %swap3A_546 = tpu.vector_load %arg9[%swap3A_545] {strides = array<i32>} : memref<30720xf32, #tpu.memory_space<vmem>>, vector<16xf32>,
        %swap3A_547 = vector.shape_cast %swap3A_546 : vector<16xf32> to vector<16xf32>
        %swap3A_548 = vector.shape_cast %get3A_540 : vector<16xf32> to vector<16xf32>
        tpu.vector_store %arg9[%swap3A_545], %swap3A_548 {strides = array<i32>} : memref<30720xf32, #tpu.memory_space<vmem>>, vector<16xf32>,
        %get3A_549 = arith.index_cast %scan3A_21 : i32 to index
        %get3A_550 = arith.constant 704 : index
        %get3A_551 = tpu.vector_load %arg6[%get3A_549, %get3A_550] {strides = array<i32>} : memref<40x768xf32, #tpu.memory_space<vmem>>, vector<1x16xf32>,
        %get3A_552 = vector.shape_cast %get3A_551 : vector<1x16xf32> to vector<16xf32>
        %mul3A_553 = arith.constant 768 : i32
        %mul3A_554 = arith.muli %scan3A_21, %mul3A_553 : i32
        %add3A_555 = arith.constant 704 : i32
        %add3A_556 = arith.addi %mul3A_554, %add3A_555 : i32
        %swap3A_557 = arith.index_cast %add3A_556 : i32 to index
        %swap3A_558 = tpu.vector_load %arg9[%swap3A_557] {strides = array<i32>} : memref<30720xf32, #tpu.memory_space<vmem>>, vector<16xf32>,
        %swap3A_559 = vector.shape_cast %swap3A_558 : vector<16xf32> to vector<16xf32>
        %swap3A_560 = vector.shape_cast %get3A_552 : vector<16xf32> to vector<16xf32>
        tpu.vector_store %arg9[%swap3A_557], %swap3A_560 {strides = array<i32>} : memref<30720xf32, #tpu.memory_space<vmem>>, vector<16xf32>,
        %get3A_561 = arith.index_cast %scan3A_21 : i32 to index
        %get3A_562 = arith.constant 720 : index
        %get3A_563 = tpu.vector_load %arg6[%get3A_561, %get3A_562] {strides = array<i32>} : memref<40x768xf32, #tpu.memory_space<vmem>>, vector<1x16xf32>,
        %get3A_564 = vector.shape_cast %get3A_563 : vector<1x16xf32> to vector<16xf32>
        %mul3A_565 = arith.constant 768 : i32
        %mul3A_566 = arith.muli %scan3A_21, %mul3A_565 : i32
        %add3A_567 = arith.constant 720 : i32
        %add3A_568 = arith.addi %mul3A_566, %add3A_567 : i32
        %swap3A_569 = arith.index_cast %add3A_568 : i32 to index
        %swap3A_570 = tpu.vector_load %arg9[%swap3A_569] {strides = array<i32>} : memref<30720xf32, #tpu.memory_space<vmem>>, vector<16xf32>,
        %swap3A_571 = vector.shape_cast %swap3A_570 : vector<16xf32> to vector<16xf32>
        %swap3A_572 = vector.shape_cast %get3A_564 : vector<16xf32> to vector<16xf32>
        tpu.vector_store %arg9[%swap3A_569], %swap3A_572 {strides = array<i32>} : memref<30720xf32, #tpu.memory_space<vmem>>, vector<16xf32>,
        %get3A_573 = arith.index_cast %scan3A_21 : i32 to index
        %get3A_574 = arith.constant 736 : index
        %get3A_575 = tpu.vector_load %arg6[%get3A_573, %get3A_574] {strides = array<i32>} : memref<40x768xf32, #tpu.memory_space<vmem>>, vector<1x16xf32>,
        %get3A_576 = vector.shape_cast %get3A_575 : vector<1x16xf32> to vector<16xf32>
        %mul3A_577 = arith.constant 768 : i32
        %mul3A_578 = arith.muli %scan3A_21, %mul3A_577 : i32
        %add3A_579 = arith.constant 736 : i32
        %add3A_580 = arith.addi %mul3A_578, %add3A_579 : i32
        %swap3A_581 = arith.index_cast %add3A_580 : i32 to index
        %swap3A_582 = tpu.vector_load %arg9[%swap3A_581] {strides = array<i32>} : memref<30720xf32, #tpu.memory_space<vmem>>, vector<16xf32>,
        %swap3A_583 = vector.shape_cast %swap3A_582 : vector<16xf32> to vector<16xf32>
        %swap3A_584 = vector.shape_cast %get3A_576 : vector<16xf32> to vector<16xf32>
        tpu.vector_store %arg9[%swap3A_581], %swap3A_584 {strides = array<i32>} : memref<30720xf32, #tpu.memory_space<vmem>>, vector<16xf32>,
        %get3A_585 = arith.index_cast %scan3A_21 : i32 to index
        %get3A_586 = arith.constant 752 : index
        %get3A_587 = tpu.vector_load %arg6[%get3A_585, %get3A_586] {strides = array<i32>} : memref<40x768xf32, #tpu.memory_space<vmem>>, vector<1x16xf32>,
        %get3A_588 = vector.shape_cast %get3A_587 : vector<1x16xf32> to vector<16xf32>
        %mul3A_589 = arith.constant 768 : i32
        %mul3A_590 = arith.muli %scan3A_21, %mul3A_589 : i32
        %add3A_591 = arith.constant 752 : i32
        %add3A_592 = arith.addi %mul3A_590, %add3A_591 : i32
        %swap3A_593 = arith.index_cast %add3A_592 : i32 to index
        %swap3A_594 = tpu.vector_load %arg9[%swap3A_593] {strides = array<i32>} : memref<30720xf32, #tpu.memory_space<vmem>>, vector<16xf32>,
        %swap3A_595 = vector.shape_cast %swap3A_594 : vector<16xf32> to vector<16xf32>
        %swap3A_596 = vector.shape_cast %get3A_588 : vector<16xf32> to vector<16xf32>
        tpu.vector_store %arg9[%swap3A_593], %swap3A_596 {strides = array<i32>} : memref<30720xf32, #tpu.memory_space<vmem>>, vector<16xf32>,
        %scan3A_597 = arith.constant 0 : i32
        scf.yield %scan3A_597 : i32
      }
      %scan3A_18 = arith.constant 40 : i32
      %mul3A_19 = arith.constant 768 : i32
      %mul3A_20 = arith.muli %mul3A_8, %mul3A_19 : i32
      "tpu.region"() ({
        %run_scoped3A = tpu.sem_alloc : memref<!tpu.dma_semaphore, #tpu.memory_space<semaphore_mem>>
        %dma_start3A_21 = arith.constant 0 : i32
        %dma_start3A_22 = tpu.memref_slice %arg9[%dma_start3A_21] : memref<30720xf32, #tpu.memory_space<vmem>> -> memref<30720xf32, #tpu.memory_space<vmem>>
        %dma_start3A_23 = tpu.memref_slice %arg4[%mul3A_20] : memref<943872xf32, #tpu.memory_space<hbm>> -> memref<30720xf32, #tpu.memory_space<hbm>>
        %dma_start3A_24 = tpu.memref_slice %arg4[%mul3A_20] : memref<943872xf32, #tpu.memory_space<hbm>> -> memref<30720xf32, #tpu.memory_space<hbm>>
        %dma_start3A_25 = arith.constant 0 : i32
        %dma_start3A_26 = tpu.memref_slice %arg9[%dma_start3A_25] : memref<30720xf32, #tpu.memory_space<vmem>> -> memref<30720xf32, #tpu.memory_space<vmem>>
        tpu.enqueue_dma source(%dma_start3A_26 : memref<30720xf32, #tpu.memory_space<vmem>>) target(%dma_start3A_24 : memref<30720xf32, #tpu.memory_space<hbm>>) target_semaphore(%run_scoped3A : memref<!tpu.dma_semaphore, #tpu.memory_space<semaphore_mem>>)
        %dma_wait3A_27 = arith.constant 0 : i32
        %dma_wait3A_28 = tpu.memref_slice %arg9[%dma_wait3A_27] : memref<30720xf32, #tpu.memory_space<vmem>> -> memref<30720xf32, #tpu.memory_space<vmem>>
        %dma_wait3A_29 = tpu.memref_slice %arg4[%mul3A_20] : memref<943872xf32, #tpu.memory_space<hbm>> -> memref<30720xf32, #tpu.memory_space<hbm>>
        %dma_wait3A_30 = tpu.memref_slice %arg4[%mul3A_20] : memref<943872xf32, #tpu.memory_space<hbm>> -> memref<30720xf32, #tpu.memory_space<hbm>>
        %dma_wait3A_31 = arith.constant 0 : i32
        %dma_wait3A_32 = tpu.memref_slice %arg9[%dma_wait3A_31] : memref<30720xf32, #tpu.memory_space<vmem>> -> memref<30720xf32, #tpu.memory_space<vmem>>
        tpu.wait_dma2 semaphore(%run_scoped3A : memref<!tpu.dma_semaphore, #tpu.memory_space<semaphore_mem>>) src(%dma_wait3A_32 : memref<30720xf32, #tpu.memory_space<vmem>>) dst(%dma_wait3A_30 : memref<30720xf32, #tpu.memory_space<hbm>>)
        tpu.yield
      }) : () -> ()
    } else {
    }
    %eq3A = arith.constant 30 : i32
    %eq3A_3 = arith.cmpi eq, %add3A, %eq3A : i32
    %convert_element_type3A_4 = arith.extui %eq3A_3 : i1 to i32
    %cond3A_5 = arith.constant 0 : i32
    %cond3A_6 = arith.cmpi ne, %convert_element_type3A_4, %cond3A_5 : i32
    scf.if %cond3A_6 {
      "tpu.region"() ({
        %run_scoped3A = tpu.sem_alloc : memref<!tpu.dma_semaphore, #tpu.memory_space<semaphore_mem>>
        %dma_start3A_17 = arith.constant 1200 : i32
        %dma_start3A_18 = tpu.memref_slice %arg3[%dma_start3A_17] : memref<1280xi32, #tpu.memory_space<hbm>> -> memref<32xi32, #tpu.memory_space<hbm>>
        %dma_start3A_19 = arith.constant 1200 : i32
        %dma_start3A_20 = tpu.memref_slice %arg3[%dma_start3A_19] : memref<1280xi32, #tpu.memory_space<hbm>> -> memref<32xi32, #tpu.memory_space<hbm>>
        tpu.enqueue_dma source(%dma_start3A_20 : memref<32xi32, #tpu.memory_space<hbm>>) target(%arg7 : memref<32xi32, #tpu.memory_space<vmem>>) target_semaphore(%run_scoped3A : memref<!tpu.dma_semaphore, #tpu.memory_space<semaphore_mem>>)
        %dma_wait3A_21 = arith.constant 1200 : i32
        %dma_wait3A_22 = tpu.memref_slice %arg3[%dma_wait3A_21] : memref<1280xi32, #tpu.memory_space<hbm>> -> memref<32xi32, #tpu.memory_space<hbm>>
        %dma_wait3A_23 = arith.constant 1200 : i32
        %dma_wait3A_24 = tpu.memref_slice %arg3[%dma_wait3A_23] : memref<1280xi32, #tpu.memory_space<hbm>> -> memref<32xi32, #tpu.memory_space<hbm>>
        tpu.wait_dma2 semaphore(%run_scoped3A : memref<!tpu.dma_semaphore, #tpu.memory_space<semaphore_mem>>) src(%dma_wait3A_24 : memref<32xi32, #tpu.memory_space<hbm>>) dst(%arg7 : memref<32xi32, #tpu.memory_space<vmem>>)
        tpu.yield
      }) : () -> ()
      %dma_start3A = arith.constant 0 : i32
      %dma_start3A_7 = arith.constant 0 : i32
      %dma_start3A_8 = tpu.memref_slice %arg2[%dma_start3A, %dma_start3A_7] : memref<2048x768xf32, #tpu.memory_space<hbm>> -> memref<2048x768xf32, #tpu.memory_space<hbm>>
      tpu.enqueue_indirect_dma source(%dma_start3A_8 : memref<2048x768xf32, #tpu.memory_space<hbm>>) target(%arg8 : memref<32x768xf32, #tpu.memory_space<vmem>>) offsets(%arg7 : memref<32xi32, #tpu.memory_space<vmem>>) semaphore(%arg10 : memref<!tpu.dma_semaphore, #tpu.memory_space<semaphore_mem>>)
      %dma_wait3A = arith.constant 0 : i32
      %dma_wait3A_9 = arith.constant 0 : i32
      %dma_wait3A_10 = tpu.memref_slice %arg2[%dma_wait3A, %dma_wait3A_9] : memref<2048x768xf32, #tpu.memory_space<hbm>> -> memref<2048x768xf32, #tpu.memory_space<hbm>>
      tpu.wait_indirect_dma semaphore(%arg10 : memref<!tpu.dma_semaphore, #tpu.memory_space<semaphore_mem>>) src(%dma_wait3A_10 : memref<2048x768xf32, #tpu.memory_space<hbm>>) dst(%arg8 : memref<32x768xf32, #tpu.memory_space<vmem>>)
      %scan3A = arith.constant 0 : i32
      %scan3A_11 = arith.constant 0 : i32
      %scan3A_12 = arith.constant 29 : i32
      %scan3A_13 = arith.addi %scan3A_11, %scan3A_12 : i32
      %scan3A_14 = arith.constant 1 : i32
      %scan3A_15 = scf.for %scan3A_17 = %scan3A_11 to %scan3A_13 step %scan3A_14 iter_args(%scan3A_18 = %scan3A) -> (i32)  : i32 {
        %get3A = arith.index_cast %scan3A_17 : i32 to index
        %get3A_19 = arith.constant 0 : index
        %get3A_20 = tpu.vector_load %arg8[%get3A, %get3A_19] {strides = array<i32>} : memref<32x768xf32, #tpu.memory_space<vmem>>, vector<1x16xf32>,
        %get3A_21 = vector.shape_cast %get3A_20 : vector<1x16xf32> to vector<16xf32>
        %mul3A_22 = arith.constant 768 : i32
        %mul3A_23 = arith.muli %scan3A_17, %mul3A_22 : i32
        %add3A_24 = arith.constant 0 : i32
        %add3A_25 = arith.addi %mul3A_23, %add3A_24 : i32
        %swap3A = arith.index_cast %add3A_25 : i32 to index
        %swap3A_26 = tpu.vector_load %arg9[%swap3A] {strides = array<i32>} : memref<30720xf32, #tpu.memory_space<vmem>>, vector<16xf32>,
        %swap3A_27 = vector.shape_cast %swap3A_26 : vector<16xf32> to vector<16xf32>
        %swap3A_28 = vector.shape_cast %get3A_21 : vector<16xf32> to vector<16xf32>
        tpu.vector_store %arg9[%swap3A], %swap3A_28 {strides = array<i32>} : memref<30720xf32, #tpu.memory_space<vmem>>, vector<16xf32>,
        %get3A_29 = arith.index_cast %scan3A_17 : i32 to index
        %get3A_30 = arith.constant 16 : index
        %get3A_31 = tpu.vector_load %arg8[%get3A_29, %get3A_30] {strides = array<i32>} : memref<32x768xf32, #tpu.memory_space<vmem>>, vector<1x16xf32>,
        %get3A_32 = vector.shape_cast %get3A_31 : vector<1x16xf32> to vector<16xf32>
        %mul3A_33 = arith.constant 768 : i32
        %mul3A_34 = arith.muli %scan3A_17, %mul3A_33 : i32
        %add3A_35 = arith.constant 16 : i32
        %add3A_36 = arith.addi %mul3A_34, %add3A_35 : i32
        %swap3A_37 = arith.index_cast %add3A_36 : i32 to index
        %swap3A_38 = tpu.vector_load %arg9[%swap3A_37] {strides = array<i32>} : memref<30720xf32, #tpu.memory_space<vmem>>, vector<16xf32>,
        %swap3A_39 = vector.shape_cast %swap3A_38 : vector<16xf32> to vector<16xf32>
        %swap3A_40 = vector.shape_cast %get3A_32 : vector<16xf32> to vector<16xf32>
        tpu.vector_store %arg9[%swap3A_37], %swap3A_40 {strides = array<i32>} : memref<30720xf32, #tpu.memory_space<vmem>>, vector<16xf32>,
        %get3A_41 = arith.index_cast %scan3A_17 : i32 to index
        %get3A_42 = arith.constant 32 : index
        %get3A_43 = tpu.vector_load %arg8[%get3A_41, %get3A_42] {strides = array<i32>} : memref<32x768xf32, #tpu.memory_space<vmem>>, vector<1x16xf32>,
        %get3A_44 = vector.shape_cast %get3A_43 : vector<1x16xf32> to vector<16xf32>
        %mul3A_45 = arith.constant 768 : i32
        %mul3A_46 = arith.muli %scan3A_17, %mul3A_45 : i32
        %add3A_47 = arith.constant 32 : i32
        %add3A_48 = arith.addi %mul3A_46, %add3A_47 : i32
        %swap3A_49 = arith.index_cast %add3A_48 : i32 to index
        %swap3A_50 = tpu.vector_load %arg9[%swap3A_49] {strides = array<i32>} : memref<30720xf32, #tpu.memory_space<vmem>>, vector<16xf32>,
        %swap3A_51 = vector.shape_cast %swap3A_50 : vector<16xf32> to vector<16xf32>
        %swap3A_52 = vector.shape_cast %get3A_44 : vector<16xf32> to vector<16xf32>
        tpu.vector_store %arg9[%swap3A_49], %swap3A_52 {strides = array<i32>} : memref<30720xf32, #tpu.memory_space<vmem>>, vector<16xf32>,
        %get3A_53 = arith.index_cast %scan3A_17 : i32 to index
        %get3A_54 = arith.constant 48 : index
        %get3A_55 = tpu.vector_load %arg8[%get3A_53, %get3A_54] {strides = array<i32>} : memref<32x768xf32, #tpu.memory_space<vmem>>, vector<1x16xf32>,
        %get3A_56 = vector.shape_cast %get3A_55 : vector<1x16xf32> to vector<16xf32>
        %mul3A_57 = arith.constant 768 : i32
        %mul3A_58 = arith.muli %scan3A_17, %mul3A_57 : i32
        %add3A_59 = arith.constant 48 : i32
        %add3A_60 = arith.addi %mul3A_58, %add3A_59 : i32
        %swap3A_61 = arith.index_cast %add3A_60 : i32 to index
        %swap3A_62 = tpu.vector_load %arg9[%swap3A_61] {strides = array<i32>} : memref<30720xf32, #tpu.memory_space<vmem>>, vector<16xf32>,
        %swap3A_63 = vector.shape_cast %swap3A_62 : vector<16xf32> to vector<16xf32>
        %swap3A_64 = vector.shape_cast %get3A_56 : vector<16xf32> to vector<16xf32>
        tpu.vector_store %arg9[%swap3A_61], %swap3A_64 {strides = array<i32>} : memref<30720xf32, #tpu.memory_space<vmem>>, vector<16xf32>,
        %get3A_65 = arith.index_cast %scan3A_17 : i32 to index
        %get3A_66 = arith.constant 64 : index
        %get3A_67 = tpu.vector_load %arg8[%get3A_65, %get3A_66] {strides = array<i32>} : memref<32x768xf32, #tpu.memory_space<vmem>>, vector<1x16xf32>,
        %get3A_68 = vector.shape_cast %get3A_67 : vector<1x16xf32> to vector<16xf32>
        %mul3A_69 = arith.constant 768 : i32
        %mul3A_70 = arith.muli %scan3A_17, %mul3A_69 : i32
        %add3A_71 = arith.constant 64 : i32
        %add3A_72 = arith.addi %mul3A_70, %add3A_71 : i32
        %swap3A_73 = arith.index_cast %add3A_72 : i32 to index
        %swap3A_74 = tpu.vector_load %arg9[%swap3A_73] {strides = array<i32>} : memref<30720xf32, #tpu.memory_space<vmem>>, vector<16xf32>,
        %swap3A_75 = vector.shape_cast %swap3A_74 : vector<16xf32> to vector<16xf32>
        %swap3A_76 = vector.shape_cast %get3A_68 : vector<16xf32> to vector<16xf32>
        tpu.vector_store %arg9[%swap3A_73], %swap3A_76 {strides = array<i32>} : memref<30720xf32, #tpu.memory_space<vmem>>, vector<16xf32>,
        %get3A_77 = arith.index_cast %scan3A_17 : i32 to index
        %get3A_78 = arith.constant 80 : index
        %get3A_79 = tpu.vector_load %arg8[%get3A_77, %get3A_78] {strides = array<i32>} : memref<32x768xf32, #tpu.memory_space<vmem>>, vector<1x16xf32>,
        %get3A_80 = vector.shape_cast %get3A_79 : vector<1x16xf32> to vector<16xf32>
        %mul3A_81 = arith.constant 768 : i32
        %mul3A_82 = arith.muli %scan3A_17, %mul3A_81 : i32
        %add3A_83 = arith.constant 80 : i32
        %add3A_84 = arith.addi %mul3A_82, %add3A_83 : i32
        %swap3A_85 = arith.index_cast %add3A_84 : i32 to index
        %swap3A_86 = tpu.vector_load %arg9[%swap3A_85] {strides = array<i32>} : memref<30720xf32, #tpu.memory_space<vmem>>, vector<16xf32>,
        %swap3A_87 = vector.shape_cast %swap3A_86 : vector<16xf32> to vector<16xf32>
        %swap3A_88 = vector.shape_cast %get3A_80 : vector<16xf32> to vector<16xf32>
        tpu.vector_store %arg9[%swap3A_85], %swap3A_88 {strides = array<i32>} : memref<30720xf32, #tpu.memory_space<vmem>>, vector<16xf32>,
        %get3A_89 = arith.index_cast %scan3A_17 : i32 to index
        %get3A_90 = arith.constant 96 : index
        %get3A_91 = tpu.vector_load %arg8[%get3A_89, %get3A_90] {strides = array<i32>} : memref<32x768xf32, #tpu.memory_space<vmem>>, vector<1x16xf32>,
        %get3A_92 = vector.shape_cast %get3A_91 : vector<1x16xf32> to vector<16xf32>
        %mul3A_93 = arith.constant 768 : i32
        %mul3A_94 = arith.muli %scan3A_17, %mul3A_93 : i32
        %add3A_95 = arith.constant 96 : i32
        %add3A_96 = arith.addi %mul3A_94, %add3A_95 : i32
        %swap3A_97 = arith.index_cast %add3A_96 : i32 to index
        %swap3A_98 = tpu.vector_load %arg9[%swap3A_97] {strides = array<i32>} : memref<30720xf32, #tpu.memory_space<vmem>>, vector<16xf32>,
        %swap3A_99 = vector.shape_cast %swap3A_98 : vector<16xf32> to vector<16xf32>
        %swap3A_100 = vector.shape_cast %get3A_92 : vector<16xf32> to vector<16xf32>
        tpu.vector_store %arg9[%swap3A_97], %swap3A_100 {strides = array<i32>} : memref<30720xf32, #tpu.memory_space<vmem>>, vector<16xf32>,
        %get3A_101 = arith.index_cast %scan3A_17 : i32 to index
        %get3A_102 = arith.constant 112 : index
        %get3A_103 = tpu.vector_load %arg8[%get3A_101, %get3A_102] {strides = array<i32>} : memref<32x768xf32, #tpu.memory_space<vmem>>, vector<1x16xf32>,
        %get3A_104 = vector.shape_cast %get3A_103 : vector<1x16xf32> to vector<16xf32>
        %mul3A_105 = arith.constant 768 : i32
        %mul3A_106 = arith.muli %scan3A_17, %mul3A_105 : i32
        %add3A_107 = arith.constant 112 : i32
        %add3A_108 = arith.addi %mul3A_106, %add3A_107 : i32
        %swap3A_109 = arith.index_cast %add3A_108 : i32 to index
        %swap3A_110 = tpu.vector_load %arg9[%swap3A_109] {strides = array<i32>} : memref<30720xf32, #tpu.memory_space<vmem>>, vector<16xf32>,
        %swap3A_111 = vector.shape_cast %swap3A_110 : vector<16xf32> to vector<16xf32>
        %swap3A_112 = vector.shape_cast %get3A_104 : vector<16xf32> to vector<16xf32>
        tpu.vector_store %arg9[%swap3A_109], %swap3A_112 {strides = array<i32>} : memref<30720xf32, #tpu.memory_space<vmem>>, vector<16xf32>,
        %get3A_113 = arith.index_cast %scan3A_17 : i32 to index
        %get3A_114 = arith.constant 128 : index
        %get3A_115 = tpu.vector_load %arg8[%get3A_113, %get3A_114] {strides = array<i32>} : memref<32x768xf32, #tpu.memory_space<vmem>>, vector<1x16xf32>,
        %get3A_116 = vector.shape_cast %get3A_115 : vector<1x16xf32> to vector<16xf32>
        %mul3A_117 = arith.constant 768 : i32
        %mul3A_118 = arith.muli %scan3A_17, %mul3A_117 : i32
        %add3A_119 = arith.constant 128 : i32
        %add3A_120 = arith.addi %mul3A_118, %add3A_119 : i32
        %swap3A_121 = arith.index_cast %add3A_120 : i32 to index
        %swap3A_122 = tpu.vector_load %arg9[%swap3A_121] {strides = array<i32>} : memref<30720xf32, #tpu.memory_space<vmem>>, vector<16xf32>,
        %swap3A_123 = vector.shape_cast %swap3A_122 : vector<16xf32> to vector<16xf32>
        %swap3A_124 = vector.shape_cast %get3A_116 : vector<16xf32> to vector<16xf32>
        tpu.vector_store %arg9[%swap3A_121], %swap3A_124 {strides = array<i32>} : memref<30720xf32, #tpu.memory_space<vmem>>, vector<16xf32>,
        %get3A_125 = arith.index_cast %scan3A_17 : i32 to index
        %get3A_126 = arith.constant 144 : index
        %get3A_127 = tpu.vector_load %arg8[%get3A_125, %get3A_126] {strides = array<i32>} : memref<32x768xf32, #tpu.memory_space<vmem>>, vector<1x16xf32>,
        %get3A_128 = vector.shape_cast %get3A_127 : vector<1x16xf32> to vector<16xf32>
        %mul3A_129 = arith.constant 768 : i32
        %mul3A_130 = arith.muli %scan3A_17, %mul3A_129 : i32
        %add3A_131 = arith.constant 144 : i32
        %add3A_132 = arith.addi %mul3A_130, %add3A_131 : i32
        %swap3A_133 = arith.index_cast %add3A_132 : i32 to index
        %swap3A_134 = tpu.vector_load %arg9[%swap3A_133] {strides = array<i32>} : memref<30720xf32, #tpu.memory_space<vmem>>, vector<16xf32>,
        %swap3A_135 = vector.shape_cast %swap3A_134 : vector<16xf32> to vector<16xf32>
        %swap3A_136 = vector.shape_cast %get3A_128 : vector<16xf32> to vector<16xf32>
        tpu.vector_store %arg9[%swap3A_133], %swap3A_136 {strides = array<i32>} : memref<30720xf32, #tpu.memory_space<vmem>>, vector<16xf32>,
        %get3A_137 = arith.index_cast %scan3A_17 : i32 to index
        %get3A_138 = arith.constant 160 : index
        %get3A_139 = tpu.vector_load %arg8[%get3A_137, %get3A_138] {strides = array<i32>} : memref<32x768xf32, #tpu.memory_space<vmem>>, vector<1x16xf32>,
        %get3A_140 = vector.shape_cast %get3A_139 : vector<1x16xf32> to vector<16xf32>
        %mul3A_141 = arith.constant 768 : i32
        %mul3A_142 = arith.muli %scan3A_17, %mul3A_141 : i32
        %add3A_143 = arith.constant 160 : i32
        %add3A_144 = arith.addi %mul3A_142, %add3A_143 : i32
        %swap3A_145 = arith.index_cast %add3A_144 : i32 to index
        %swap3A_146 = tpu.vector_load %arg9[%swap3A_145] {strides = array<i32>} : memref<30720xf32, #tpu.memory_space<vmem>>, vector<16xf32>,
        %swap3A_147 = vector.shape_cast %swap3A_146 : vector<16xf32> to vector<16xf32>
        %swap3A_148 = vector.shape_cast %get3A_140 : vector<16xf32> to vector<16xf32>
        tpu.vector_store %arg9[%swap3A_145], %swap3A_148 {strides = array<i32>} : memref<30720xf32, #tpu.memory_space<vmem>>, vector<16xf32>,
        %get3A_149 = arith.index_cast %scan3A_17 : i32 to index
        %get3A_150 = arith.constant 176 : index
        %get3A_151 = tpu.vector_load %arg8[%get3A_149, %get3A_150] {strides = array<i32>} : memref<32x768xf32, #tpu.memory_space<vmem>>, vector<1x16xf32>,
        %get3A_152 = vector.shape_cast %get3A_151 : vector<1x16xf32> to vector<16xf32>
        %mul3A_153 = arith.constant 768 : i32
        %mul3A_154 = arith.muli %scan3A_17, %mul3A_153 : i32
        %add3A_155 = arith.constant 176 : i32
        %add3A_156 = arith.addi %mul3A_154, %add3A_155 : i32
        %swap3A_157 = arith.index_cast %add3A_156 : i32 to index
        %swap3A_158 = tpu.vector_load %arg9[%swap3A_157] {strides = array<i32>} : memref<30720xf32, #tpu.memory_space<vmem>>, vector<16xf32>,
        %swap3A_159 = vector.shape_cast %swap3A_158 : vector<16xf32> to vector<16xf32>
        %swap3A_160 = vector.shape_cast %get3A_152 : vector<16xf32> to vector<16xf32>
        tpu.vector_store %arg9[%swap3A_157], %swap3A_160 {strides = array<i32>} : memref<30720xf32, #tpu.memory_space<vmem>>, vector<16xf32>,
        %get3A_161 = arith.index_cast %scan3A_17 : i32 to index
        %get3A_162 = arith.constant 192 : index
        %get3A_163 = tpu.vector_load %arg8[%get3A_161, %get3A_162] {strides = array<i32>} : memref<32x768xf32, #tpu.memory_space<vmem>>, vector<1x16xf32>,
        %get3A_164 = vector.shape_cast %get3A_163 : vector<1x16xf32> to vector<16xf32>
        %mul3A_165 = arith.constant 768 : i32
        %mul3A_166 = arith.muli %scan3A_17, %mul3A_165 : i32
        %add3A_167 = arith.constant 192 : i32
        %add3A_168 = arith.addi %mul3A_166, %add3A_167 : i32
        %swap3A_169 = arith.index_cast %add3A_168 : i32 to index
        %swap3A_170 = tpu.vector_load %arg9[%swap3A_169] {strides = array<i32>} : memref<30720xf32, #tpu.memory_space<vmem>>, vector<16xf32>,
        %swap3A_171 = vector.shape_cast %swap3A_170 : vector<16xf32> to vector<16xf32>
        %swap3A_172 = vector.shape_cast %get3A_164 : vector<16xf32> to vector<16xf32>
        tpu.vector_store %arg9[%swap3A_169], %swap3A_172 {strides = array<i32>} : memref<30720xf32, #tpu.memory_space<vmem>>, vector<16xf32>,
        %get3A_173 = arith.index_cast %scan3A_17 : i32 to index
        %get3A_174 = arith.constant 208 : index
        %get3A_175 = tpu.vector_load %arg8[%get3A_173, %get3A_174] {strides = array<i32>} : memref<32x768xf32, #tpu.memory_space<vmem>>, vector<1x16xf32>,
        %get3A_176 = vector.shape_cast %get3A_175 : vector<1x16xf32> to vector<16xf32>
        %mul3A_177 = arith.constant 768 : i32
        %mul3A_178 = arith.muli %scan3A_17, %mul3A_177 : i32
        %add3A_179 = arith.constant 208 : i32
        %add3A_180 = arith.addi %mul3A_178, %add3A_179 : i32
        %swap3A_181 = arith.index_cast %add3A_180 : i32 to index
        %swap3A_182 = tpu.vector_load %arg9[%swap3A_181] {strides = array<i32>} : memref<30720xf32, #tpu.memory_space<vmem>>, vector<16xf32>,
        %swap3A_183 = vector.shape_cast %swap3A_182 : vector<16xf32> to vector<16xf32>
        %swap3A_184 = vector.shape_cast %get3A_176 : vector<16xf32> to vector<16xf32>
        tpu.vector_store %arg9[%swap3A_181], %swap3A_184 {strides = array<i32>} : memref<30720xf32, #tpu.memory_space<vmem>>, vector<16xf32>,
        %get3A_185 = arith.index_cast %scan3A_17 : i32 to index
        %get3A_186 = arith.constant 224 : index
        %get3A_187 = tpu.vector_load %arg8[%get3A_185, %get3A_186] {strides = array<i32>} : memref<32x768xf32, #tpu.memory_space<vmem>>, vector<1x16xf32>,
        %get3A_188 = vector.shape_cast %get3A_187 : vector<1x16xf32> to vector<16xf32>
        %mul3A_189 = arith.constant 768 : i32
        %mul3A_190 = arith.muli %scan3A_17, %mul3A_189 : i32
        %add3A_191 = arith.constant 224 : i32
        %add3A_192 = arith.addi %mul3A_190, %add3A_191 : i32
        %swap3A_193 = arith.index_cast %add3A_192 : i32 to index
        %swap3A_194 = tpu.vector_load %arg9[%swap3A_193] {strides = array<i32>} : memref<30720xf32, #tpu.memory_space<vmem>>, vector<16xf32>,
        %swap3A_195 = vector.shape_cast %swap3A_194 : vector<16xf32> to vector<16xf32>
        %swap3A_196 = vector.shape_cast %get3A_188 : vector<16xf32> to vector<16xf32>
        tpu.vector_store %arg9[%swap3A_193], %swap3A_196 {strides = array<i32>} : memref<30720xf32, #tpu.memory_space<vmem>>, vector<16xf32>,
        %get3A_197 = arith.index_cast %scan3A_17 : i32 to index
        %get3A_198 = arith.constant 240 : index
        %get3A_199 = tpu.vector_load %arg8[%get3A_197, %get3A_198] {strides = array<i32>} : memref<32x768xf32, #tpu.memory_space<vmem>>, vector<1x16xf32>,
        %get3A_200 = vector.shape_cast %get3A_199 : vector<1x16xf32> to vector<16xf32>
        %mul3A_201 = arith.constant 768 : i32
        %mul3A_202 = arith.muli %scan3A_17, %mul3A_201 : i32
        %add3A_203 = arith.constant 240 : i32
        %add3A_204 = arith.addi %mul3A_202, %add3A_203 : i32
        %swap3A_205 = arith.index_cast %add3A_204 : i32 to index
        %swap3A_206 = tpu.vector_load %arg9[%swap3A_205] {strides = array<i32>} : memref<30720xf32, #tpu.memory_space<vmem>>, vector<16xf32>,
        %swap3A_207 = vector.shape_cast %swap3A_206 : vector<16xf32> to vector<16xf32>
        %swap3A_208 = vector.shape_cast %get3A_200 : vector<16xf32> to vector<16xf32>
        tpu.vector_store %arg9[%swap3A_205], %swap3A_208 {strides = array<i32>} : memref<30720xf32, #tpu.memory_space<vmem>>, vector<16xf32>,
        %get3A_209 = arith.index_cast %scan3A_17 : i32 to index
        %get3A_210 = arith.constant 256 : index
        %get3A_211 = tpu.vector_load %arg8[%get3A_209, %get3A_210] {strides = array<i32>} : memref<32x768xf32, #tpu.memory_space<vmem>>, vector<1x16xf32>,
        %get3A_212 = vector.shape_cast %get3A_211 : vector<1x16xf32> to vector<16xf32>
        %mul3A_213 = arith.constant 768 : i32
        %mul3A_214 = arith.muli %scan3A_17, %mul3A_213 : i32
        %add3A_215 = arith.constant 256 : i32
        %add3A_216 = arith.addi %mul3A_214, %add3A_215 : i32
        %swap3A_217 = arith.index_cast %add3A_216 : i32 to index
        %swap3A_218 = tpu.vector_load %arg9[%swap3A_217] {strides = array<i32>} : memref<30720xf32, #tpu.memory_space<vmem>>, vector<16xf32>,
        %swap3A_219 = vector.shape_cast %swap3A_218 : vector<16xf32> to vector<16xf32>
        %swap3A_220 = vector.shape_cast %get3A_212 : vector<16xf32> to vector<16xf32>
        tpu.vector_store %arg9[%swap3A_217], %swap3A_220 {strides = array<i32>} : memref<30720xf32, #tpu.memory_space<vmem>>, vector<16xf32>,
        %get3A_221 = arith.index_cast %scan3A_17 : i32 to index
        %get3A_222 = arith.constant 272 : index
        %get3A_223 = tpu.vector_load %arg8[%get3A_221, %get3A_222] {strides = array<i32>} : memref<32x768xf32, #tpu.memory_space<vmem>>, vector<1x16xf32>,
        %get3A_224 = vector.shape_cast %get3A_223 : vector<1x16xf32> to vector<16xf32>
        %mul3A_225 = arith.constant 768 : i32
        %mul3A_226 = arith.muli %scan3A_17, %mul3A_225 : i32
        %add3A_227 = arith.constant 272 : i32
        %add3A_228 = arith.addi %mul3A_226, %add3A_227 : i32
        %swap3A_229 = arith.index_cast %add3A_228 : i32 to index
        %swap3A_230 = tpu.vector_load %arg9[%swap3A_229] {strides = array<i32>} : memref<30720xf32, #tpu.memory_space<vmem>>, vector<16xf32>,
        %swap3A_231 = vector.shape_cast %swap3A_230 : vector<16xf32> to vector<16xf32>
        %swap3A_232 = vector.shape_cast %get3A_224 : vector<16xf32> to vector<16xf32>
        tpu.vector_store %arg9[%swap3A_229], %swap3A_232 {strides = array<i32>} : memref<30720xf32, #tpu.memory_space<vmem>>, vector<16xf32>,
        %get3A_233 = arith.index_cast %scan3A_17 : i32 to index
        %get3A_234 = arith.constant 288 : index
        %get3A_235 = tpu.vector_load %arg8[%get3A_233, %get3A_234] {strides = array<i32>} : memref<32x768xf32, #tpu.memory_space<vmem>>, vector<1x16xf32>,
        %get3A_236 = vector.shape_cast %get3A_235 : vector<1x16xf32> to vector<16xf32>
        %mul3A_237 = arith.constant 768 : i32
        %mul3A_238 = arith.muli %scan3A_17, %mul3A_237 : i32
        %add3A_239 = arith.constant 288 : i32
        %add3A_240 = arith.addi %mul3A_238, %add3A_239 : i32
        %swap3A_241 = arith.index_cast %add3A_240 : i32 to index
        %swap3A_242 = tpu.vector_load %arg9[%swap3A_241] {strides = array<i32>} : memref<30720xf32, #tpu.memory_space<vmem>>, vector<16xf32>,
        %swap3A_243 = vector.shape_cast %swap3A_242 : vector<16xf32> to vector<16xf32>
        %swap3A_244 = vector.shape_cast %get3A_236 : vector<16xf32> to vector<16xf32>
        tpu.vector_store %arg9[%swap3A_241], %swap3A_244 {strides = array<i32>} : memref<30720xf32, #tpu.memory_space<vmem>>, vector<16xf32>,
        %get3A_245 = arith.index_cast %scan3A_17 : i32 to index
        %get3A_246 = arith.constant 304 : index
        %get3A_247 = tpu.vector_load %arg8[%get3A_245, %get3A_246] {strides = array<i32>} : memref<32x768xf32, #tpu.memory_space<vmem>>, vector<1x16xf32>,
        %get3A_248 = vector.shape_cast %get3A_247 : vector<1x16xf32> to vector<16xf32>
        %mul3A_249 = arith.constant 768 : i32
        %mul3A_250 = arith.muli %scan3A_17, %mul3A_249 : i32
        %add3A_251 = arith.constant 304 : i32
        %add3A_252 = arith.addi %mul3A_250, %add3A_251 : i32
        %swap3A_253 = arith.index_cast %add3A_252 : i32 to index
        %swap3A_254 = tpu.vector_load %arg9[%swap3A_253] {strides = array<i32>} : memref<30720xf32, #tpu.memory_space<vmem>>, vector<16xf32>,
        %swap3A_255 = vector.shape_cast %swap3A_254 : vector<16xf32> to vector<16xf32>
        %swap3A_256 = vector.shape_cast %get3A_248 : vector<16xf32> to vector<16xf32>
        tpu.vector_store %arg9[%swap3A_253], %swap3A_256 {strides = array<i32>} : memref<30720xf32, #tpu.memory_space<vmem>>, vector<16xf32>,
        %get3A_257 = arith.index_cast %scan3A_17 : i32 to index
        %get3A_258 = arith.constant 320 : index
        %get3A_259 = tpu.vector_load %arg8[%get3A_257, %get3A_258] {strides = array<i32>} : memref<32x768xf32, #tpu.memory_space<vmem>>, vector<1x16xf32>,
        %get3A_260 = vector.shape_cast %get3A_259 : vector<1x16xf32> to vector<16xf32>
        %mul3A_261 = arith.constant 768 : i32
        %mul3A_262 = arith.muli %scan3A_17, %mul3A_261 : i32
        %add3A_263 = arith.constant 320 : i32
        %add3A_264 = arith.addi %mul3A_262, %add3A_263 : i32
        %swap3A_265 = arith.index_cast %add3A_264 : i32 to index
        %swap3A_266 = tpu.vector_load %arg9[%swap3A_265] {strides = array<i32>} : memref<30720xf32, #tpu.memory_space<vmem>>, vector<16xf32>,
        %swap3A_267 = vector.shape_cast %swap3A_266 : vector<16xf32> to vector<16xf32>
        %swap3A_268 = vector.shape_cast %get3A_260 : vector<16xf32> to vector<16xf32>
        tpu.vector_store %arg9[%swap3A_265], %swap3A_268 {strides = array<i32>} : memref<30720xf32, #tpu.memory_space<vmem>>, vector<16xf32>,
        %get3A_269 = arith.index_cast %scan3A_17 : i32 to index
        %get3A_270 = arith.constant 336 : index
        %get3A_271 = tpu.vector_load %arg8[%get3A_269, %get3A_270] {strides = array<i32>} : memref<32x768xf32, #tpu.memory_space<vmem>>, vector<1x16xf32>,
        %get3A_272 = vector.shape_cast %get3A_271 : vector<1x16xf32> to vector<16xf32>
        %mul3A_273 = arith.constant 768 : i32
        %mul3A_274 = arith.muli %scan3A_17, %mul3A_273 : i32
        %add3A_275 = arith.constant 336 : i32
        %add3A_276 = arith.addi %mul3A_274, %add3A_275 : i32
        %swap3A_277 = arith.index_cast %add3A_276 : i32 to index
        %swap3A_278 = tpu.vector_load %arg9[%swap3A_277] {strides = array<i32>} : memref<30720xf32, #tpu.memory_space<vmem>>, vector<16xf32>,
        %swap3A_279 = vector.shape_cast %swap3A_278 : vector<16xf32> to vector<16xf32>
        %swap3A_280 = vector.shape_cast %get3A_272 : vector<16xf32> to vector<16xf32>
        tpu.vector_store %arg9[%swap3A_277], %swap3A_280 {strides = array<i32>} : memref<30720xf32, #tpu.memory_space<vmem>>, vector<16xf32>,
        %get3A_281 = arith.index_cast %scan3A_17 : i32 to index
        %get3A_282 = arith.constant 352 : index
        %get3A_283 = tpu.vector_load %arg8[%get3A_281, %get3A_282] {strides = array<i32>} : memref<32x768xf32, #tpu.memory_space<vmem>>, vector<1x16xf32>,
        %get3A_284 = vector.shape_cast %get3A_283 : vector<1x16xf32> to vector<16xf32>
        %mul3A_285 = arith.constant 768 : i32
        %mul3A_286 = arith.muli %scan3A_17, %mul3A_285 : i32
        %add3A_287 = arith.constant 352 : i32
        %add3A_288 = arith.addi %mul3A_286, %add3A_287 : i32
        %swap3A_289 = arith.index_cast %add3A_288 : i32 to index
        %swap3A_290 = tpu.vector_load %arg9[%swap3A_289] {strides = array<i32>} : memref<30720xf32, #tpu.memory_space<vmem>>, vector<16xf32>,
        %swap3A_291 = vector.shape_cast %swap3A_290 : vector<16xf32> to vector<16xf32>
        %swap3A_292 = vector.shape_cast %get3A_284 : vector<16xf32> to vector<16xf32>
        tpu.vector_store %arg9[%swap3A_289], %swap3A_292 {strides = array<i32>} : memref<30720xf32, #tpu.memory_space<vmem>>, vector<16xf32>,
        %get3A_293 = arith.index_cast %scan3A_17 : i32 to index
        %get3A_294 = arith.constant 368 : index
        %get3A_295 = tpu.vector_load %arg8[%get3A_293, %get3A_294] {strides = array<i32>} : memref<32x768xf32, #tpu.memory_space<vmem>>, vector<1x16xf32>,
        %get3A_296 = vector.shape_cast %get3A_295 : vector<1x16xf32> to vector<16xf32>
        %mul3A_297 = arith.constant 768 : i32
        %mul3A_298 = arith.muli %scan3A_17, %mul3A_297 : i32
        %add3A_299 = arith.constant 368 : i32
        %add3A_300 = arith.addi %mul3A_298, %add3A_299 : i32
        %swap3A_301 = arith.index_cast %add3A_300 : i32 to index
        %swap3A_302 = tpu.vector_load %arg9[%swap3A_301] {strides = array<i32>} : memref<30720xf32, #tpu.memory_space<vmem>>, vector<16xf32>,
        %swap3A_303 = vector.shape_cast %swap3A_302 : vector<16xf32> to vector<16xf32>
        %swap3A_304 = vector.shape_cast %get3A_296 : vector<16xf32> to vector<16xf32>
        tpu.vector_store %arg9[%swap3A_301], %swap3A_304 {strides = array<i32>} : memref<30720xf32, #tpu.memory_space<vmem>>, vector<16xf32>,
        %get3A_305 = arith.index_cast %scan3A_17 : i32 to index
        %get3A_306 = arith.constant 384 : index
        %get3A_307 = tpu.vector_load %arg8[%get3A_305, %get3A_306] {strides = array<i32>} : memref<32x768xf32, #tpu.memory_space<vmem>>, vector<1x16xf32>,
        %get3A_308 = vector.shape_cast %get3A_307 : vector<1x16xf32> to vector<16xf32>
        %mul3A_309 = arith.constant 768 : i32
        %mul3A_310 = arith.muli %scan3A_17, %mul3A_309 : i32
        %add3A_311 = arith.constant 384 : i32
        %add3A_312 = arith.addi %mul3A_310, %add3A_311 : i32
        %swap3A_313 = arith.index_cast %add3A_312 : i32 to index
        %swap3A_314 = tpu.vector_load %arg9[%swap3A_313] {strides = array<i32>} : memref<30720xf32, #tpu.memory_space<vmem>>, vector<16xf32>,
        %swap3A_315 = vector.shape_cast %swap3A_314 : vector<16xf32> to vector<16xf32>
        %swap3A_316 = vector.shape_cast %get3A_308 : vector<16xf32> to vector<16xf32>
        tpu.vector_store %arg9[%swap3A_313], %swap3A_316 {strides = array<i32>} : memref<30720xf32, #tpu.memory_space<vmem>>, vector<16xf32>,
        %get3A_317 = arith.index_cast %scan3A_17 : i32 to index
        %get3A_318 = arith.constant 400 : index
        %get3A_319 = tpu.vector_load %arg8[%get3A_317, %get3A_318] {strides = array<i32>} : memref<32x768xf32, #tpu.memory_space<vmem>>, vector<1x16xf32>,
        %get3A_320 = vector.shape_cast %get3A_319 : vector<1x16xf32> to vector<16xf32>
        %mul3A_321 = arith.constant 768 : i32
        %mul3A_322 = arith.muli %scan3A_17, %mul3A_321 : i32
        %add3A_323 = arith.constant 400 : i32
        %add3A_324 = arith.addi %mul3A_322, %add3A_323 : i32
        %swap3A_325 = arith.index_cast %add3A_324 : i32 to index
        %swap3A_326 = tpu.vector_load %arg9[%swap3A_325] {strides = array<i32>} : memref<30720xf32, #tpu.memory_space<vmem>>, vector<16xf32>,
        %swap3A_327 = vector.shape_cast %swap3A_326 : vector<16xf32> to vector<16xf32>
        %swap3A_328 = vector.shape_cast %get3A_320 : vector<16xf32> to vector<16xf32>
        tpu.vector_store %arg9[%swap3A_325], %swap3A_328 {strides = array<i32>} : memref<30720xf32, #tpu.memory_space<vmem>>, vector<16xf32>,
        %get3A_329 = arith.index_cast %scan3A_17 : i32 to index
        %get3A_330 = arith.constant 416 : index
        %get3A_331 = tpu.vector_load %arg8[%get3A_329, %get3A_330] {strides = array<i32>} : memref<32x768xf32, #tpu.memory_space<vmem>>, vector<1x16xf32>,
        %get3A_332 = vector.shape_cast %get3A_331 : vector<1x16xf32> to vector<16xf32>
        %mul3A_333 = arith.constant 768 : i32
        %mul3A_334 = arith.muli %scan3A_17, %mul3A_333 : i32
        %add3A_335 = arith.constant 416 : i32
        %add3A_336 = arith.addi %mul3A_334, %add3A_335 : i32
        %swap3A_337 = arith.index_cast %add3A_336 : i32 to index
        %swap3A_338 = tpu.vector_load %arg9[%swap3A_337] {strides = array<i32>} : memref<30720xf32, #tpu.memory_space<vmem>>, vector<16xf32>,
        %swap3A_339 = vector.shape_cast %swap3A_338 : vector<16xf32> to vector<16xf32>
        %swap3A_340 = vector.shape_cast %get3A_332 : vector<16xf32> to vector<16xf32>
        tpu.vector_store %arg9[%swap3A_337], %swap3A_340 {strides = array<i32>} : memref<30720xf32, #tpu.memory_space<vmem>>, vector<16xf32>,
        %get3A_341 = arith.index_cast %scan3A_17 : i32 to index
        %get3A_342 = arith.constant 432 : index
        %get3A_343 = tpu.vector_load %arg8[%get3A_341, %get3A_342] {strides = array<i32>} : memref<32x768xf32, #tpu.memory_space<vmem>>, vector<1x16xf32>,
        %get3A_344 = vector.shape_cast %get3A_343 : vector<1x16xf32> to vector<16xf32>
        %mul3A_345 = arith.constant 768 : i32
        %mul3A_346 = arith.muli %scan3A_17, %mul3A_345 : i32
        %add3A_347 = arith.constant 432 : i32
        %add3A_348 = arith.addi %mul3A_346, %add3A_347 : i32
        %swap3A_349 = arith.index_cast %add3A_348 : i32 to index
        %swap3A_350 = tpu.vector_load %arg9[%swap3A_349] {strides = array<i32>} : memref<30720xf32, #tpu.memory_space<vmem>>, vector<16xf32>,
        %swap3A_351 = vector.shape_cast %swap3A_350 : vector<16xf32> to vector<16xf32>
        %swap3A_352 = vector.shape_cast %get3A_344 : vector<16xf32> to vector<16xf32>
        tpu.vector_store %arg9[%swap3A_349], %swap3A_352 {strides = array<i32>} : memref<30720xf32, #tpu.memory_space<vmem>>, vector<16xf32>,
        %get3A_353 = arith.index_cast %scan3A_17 : i32 to index
        %get3A_354 = arith.constant 448 : index
        %get3A_355 = tpu.vector_load %arg8[%get3A_353, %get3A_354] {strides = array<i32>} : memref<32x768xf32, #tpu.memory_space<vmem>>, vector<1x16xf32>,
        %get3A_356 = vector.shape_cast %get3A_355 : vector<1x16xf32> to vector<16xf32>
        %mul3A_357 = arith.constant 768 : i32
        %mul3A_358 = arith.muli %scan3A_17, %mul3A_357 : i32
        %add3A_359 = arith.constant 448 : i32
        %add3A_360 = arith.addi %mul3A_358, %add3A_359 : i32
        %swap3A_361 = arith.index_cast %add3A_360 : i32 to index
        %swap3A_362 = tpu.vector_load %arg9[%swap3A_361] {strides = array<i32>} : memref<30720xf32, #tpu.memory_space<vmem>>, vector<16xf32>,
        %swap3A_363 = vector.shape_cast %swap3A_362 : vector<16xf32> to vector<16xf32>
        %swap3A_364 = vector.shape_cast %get3A_356 : vector<16xf32> to vector<16xf32>
        tpu.vector_store %arg9[%swap3A_361], %swap3A_364 {strides = array<i32>} : memref<30720xf32, #tpu.memory_space<vmem>>, vector<16xf32>,
        %get3A_365 = arith.index_cast %scan3A_17 : i32 to index
        %get3A_366 = arith.constant 464 : index
        %get3A_367 = tpu.vector_load %arg8[%get3A_365, %get3A_366] {strides = array<i32>} : memref<32x768xf32, #tpu.memory_space<vmem>>, vector<1x16xf32>,
        %get3A_368 = vector.shape_cast %get3A_367 : vector<1x16xf32> to vector<16xf32>
        %mul3A_369 = arith.constant 768 : i32
        %mul3A_370 = arith.muli %scan3A_17, %mul3A_369 : i32
        %add3A_371 = arith.constant 464 : i32
        %add3A_372 = arith.addi %mul3A_370, %add3A_371 : i32
        %swap3A_373 = arith.index_cast %add3A_372 : i32 to index
        %swap3A_374 = tpu.vector_load %arg9[%swap3A_373] {strides = array<i32>} : memref<30720xf32, #tpu.memory_space<vmem>>, vector<16xf32>,
        %swap3A_375 = vector.shape_cast %swap3A_374 : vector<16xf32> to vector<16xf32>
        %swap3A_376 = vector.shape_cast %get3A_368 : vector<16xf32> to vector<16xf32>
        tpu.vector_store %arg9[%swap3A_373], %swap3A_376 {strides = array<i32>} : memref<30720xf32, #tpu.memory_space<vmem>>, vector<16xf32>,
        %get3A_377 = arith.index_cast %scan3A_17 : i32 to index
        %get3A_378 = arith.constant 480 : index
        %get3A_379 = tpu.vector_load %arg8[%get3A_377, %get3A_378] {strides = array<i32>} : memref<32x768xf32, #tpu.memory_space<vmem>>, vector<1x16xf32>,
        %get3A_380 = vector.shape_cast %get3A_379 : vector<1x16xf32> to vector<16xf32>
        %mul3A_381 = arith.constant 768 : i32
        %mul3A_382 = arith.muli %scan3A_17, %mul3A_381 : i32
        %add3A_383 = arith.constant 480 : i32
        %add3A_384 = arith.addi %mul3A_382, %add3A_383 : i32
        %swap3A_385 = arith.index_cast %add3A_384 : i32 to index
        %swap3A_386 = tpu.vector_load %arg9[%swap3A_385] {strides = array<i32>} : memref<30720xf32, #tpu.memory_space<vmem>>, vector<16xf32>,
        %swap3A_387 = vector.shape_cast %swap3A_386 : vector<16xf32> to vector<16xf32>
        %swap3A_388 = vector.shape_cast %get3A_380 : vector<16xf32> to vector<16xf32>
        tpu.vector_store %arg9[%swap3A_385], %swap3A_388 {strides = array<i32>} : memref<30720xf32, #tpu.memory_space<vmem>>, vector<16xf32>,
        %get3A_389 = arith.index_cast %scan3A_17 : i32 to index
        %get3A_390 = arith.constant 496 : index
        %get3A_391 = tpu.vector_load %arg8[%get3A_389, %get3A_390] {strides = array<i32>} : memref<32x768xf32, #tpu.memory_space<vmem>>, vector<1x16xf32>,
        %get3A_392 = vector.shape_cast %get3A_391 : vector<1x16xf32> to vector<16xf32>
        %mul3A_393 = arith.constant 768 : i32
        %mul3A_394 = arith.muli %scan3A_17, %mul3A_393 : i32
        %add3A_395 = arith.constant 496 : i32
        %add3A_396 = arith.addi %mul3A_394, %add3A_395 : i32
        %swap3A_397 = arith.index_cast %add3A_396 : i32 to index
        %swap3A_398 = tpu.vector_load %arg9[%swap3A_397] {strides = array<i32>} : memref<30720xf32, #tpu.memory_space<vmem>>, vector<16xf32>,
        %swap3A_399 = vector.shape_cast %swap3A_398 : vector<16xf32> to vector<16xf32>
        %swap3A_400 = vector.shape_cast %get3A_392 : vector<16xf32> to vector<16xf32>
        tpu.vector_store %arg9[%swap3A_397], %swap3A_400 {strides = array<i32>} : memref<30720xf32, #tpu.memory_space<vmem>>, vector<16xf32>,
        %get3A_401 = arith.index_cast %scan3A_17 : i32 to index
        %get3A_402 = arith.constant 512 : index
        %get3A_403 = tpu.vector_load %arg8[%get3A_401, %get3A_402] {strides = array<i32>} : memref<32x768xf32, #tpu.memory_space<vmem>>, vector<1x16xf32>,
        %get3A_404 = vector.shape_cast %get3A_403 : vector<1x16xf32> to vector<16xf32>
        %mul3A_405 = arith.constant 768 : i32
        %mul3A_406 = arith.muli %scan3A_17, %mul3A_405 : i32
        %add3A_407 = arith.constant 512 : i32
        %add3A_408 = arith.addi %mul3A_406, %add3A_407 : i32
        %swap3A_409 = arith.index_cast %add3A_408 : i32 to index
        %swap3A_410 = tpu.vector_load %arg9[%swap3A_409] {strides = array<i32>} : memref<30720xf32, #tpu.memory_space<vmem>>, vector<16xf32>,
        %swap3A_411 = vector.shape_cast %swap3A_410 : vector<16xf32> to vector<16xf32>
        %swap3A_412 = vector.shape_cast %get3A_404 : vector<16xf32> to vector<16xf32>
        tpu.vector_store %arg9[%swap3A_409], %swap3A_412 {strides = array<i32>} : memref<30720xf32, #tpu.memory_space<vmem>>, vector<16xf32>,
        %get3A_413 = arith.index_cast %scan3A_17 : i32 to index
        %get3A_414 = arith.constant 528 : index
        %get3A_415 = tpu.vector_load %arg8[%get3A_413, %get3A_414] {strides = array<i32>} : memref<32x768xf32, #tpu.memory_space<vmem>>, vector<1x16xf32>,
        %get3A_416 = vector.shape_cast %get3A_415 : vector<1x16xf32> to vector<16xf32>
        %mul3A_417 = arith.constant 768 : i32
        %mul3A_418 = arith.muli %scan3A_17, %mul3A_417 : i32
        %add3A_419 = arith.constant 528 : i32
        %add3A_420 = arith.addi %mul3A_418, %add3A_419 : i32
        %swap3A_421 = arith.index_cast %add3A_420 : i32 to index
        %swap3A_422 = tpu.vector_load %arg9[%swap3A_421] {strides = array<i32>} : memref<30720xf32, #tpu.memory_space<vmem>>, vector<16xf32>,
        %swap3A_423 = vector.shape_cast %swap3A_422 : vector<16xf32> to vector<16xf32>
        %swap3A_424 = vector.shape_cast %get3A_416 : vector<16xf32> to vector<16xf32>
        tpu.vector_store %arg9[%swap3A_421], %swap3A_424 {strides = array<i32>} : memref<30720xf32, #tpu.memory_space<vmem>>, vector<16xf32>,
        %get3A_425 = arith.index_cast %scan3A_17 : i32 to index
        %get3A_426 = arith.constant 544 : index
        %get3A_427 = tpu.vector_load %arg8[%get3A_425, %get3A_426] {strides = array<i32>} : memref<32x768xf32, #tpu.memory_space<vmem>>, vector<1x16xf32>,
        %get3A_428 = vector.shape_cast %get3A_427 : vector<1x16xf32> to vector<16xf32>
        %mul3A_429 = arith.constant 768 : i32
        %mul3A_430 = arith.muli %scan3A_17, %mul3A_429 : i32
        %add3A_431 = arith.constant 544 : i32
        %add3A_432 = arith.addi %mul3A_430, %add3A_431 : i32
        %swap3A_433 = arith.index_cast %add3A_432 : i32 to index
        %swap3A_434 = tpu.vector_load %arg9[%swap3A_433] {strides = array<i32>} : memref<30720xf32, #tpu.memory_space<vmem>>, vector<16xf32>,
        %swap3A_435 = vector.shape_cast %swap3A_434 : vector<16xf32> to vector<16xf32>
        %swap3A_436 = vector.shape_cast %get3A_428 : vector<16xf32> to vector<16xf32>
        tpu.vector_store %arg9[%swap3A_433], %swap3A_436 {strides = array<i32>} : memref<30720xf32, #tpu.memory_space<vmem>>, vector<16xf32>,
        %get3A_437 = arith.index_cast %scan3A_17 : i32 to index
        %get3A_438 = arith.constant 560 : index
        %get3A_439 = tpu.vector_load %arg8[%get3A_437, %get3A_438] {strides = array<i32>} : memref<32x768xf32, #tpu.memory_space<vmem>>, vector<1x16xf32>,
        %get3A_440 = vector.shape_cast %get3A_439 : vector<1x16xf32> to vector<16xf32>
        %mul3A_441 = arith.constant 768 : i32
        %mul3A_442 = arith.muli %scan3A_17, %mul3A_441 : i32
        %add3A_443 = arith.constant 560 : i32
        %add3A_444 = arith.addi %mul3A_442, %add3A_443 : i32
        %swap3A_445 = arith.index_cast %add3A_444 : i32 to index
        %swap3A_446 = tpu.vector_load %arg9[%swap3A_445] {strides = array<i32>} : memref<30720xf32, #tpu.memory_space<vmem>>, vector<16xf32>,
        %swap3A_447 = vector.shape_cast %swap3A_446 : vector<16xf32> to vector<16xf32>
        %swap3A_448 = vector.shape_cast %get3A_440 : vector<16xf32> to vector<16xf32>
        tpu.vector_store %arg9[%swap3A_445], %swap3A_448 {strides = array<i32>} : memref<30720xf32, #tpu.memory_space<vmem>>, vector<16xf32>,
        %get3A_449 = arith.index_cast %scan3A_17 : i32 to index
        %get3A_450 = arith.constant 576 : index
        %get3A_451 = tpu.vector_load %arg8[%get3A_449, %get3A_450] {strides = array<i32>} : memref<32x768xf32, #tpu.memory_space<vmem>>, vector<1x16xf32>,
        %get3A_452 = vector.shape_cast %get3A_451 : vector<1x16xf32> to vector<16xf32>
        %mul3A_453 = arith.constant 768 : i32
        %mul3A_454 = arith.muli %scan3A_17, %mul3A_453 : i32
        %add3A_455 = arith.constant 576 : i32
        %add3A_456 = arith.addi %mul3A_454, %add3A_455 : i32
        %swap3A_457 = arith.index_cast %add3A_456 : i32 to index
        %swap3A_458 = tpu.vector_load %arg9[%swap3A_457] {strides = array<i32>} : memref<30720xf32, #tpu.memory_space<vmem>>, vector<16xf32>,
        %swap3A_459 = vector.shape_cast %swap3A_458 : vector<16xf32> to vector<16xf32>
        %swap3A_460 = vector.shape_cast %get3A_452 : vector<16xf32> to vector<16xf32>
        tpu.vector_store %arg9[%swap3A_457], %swap3A_460 {strides = array<i32>} : memref<30720xf32, #tpu.memory_space<vmem>>, vector<16xf32>,
        %get3A_461 = arith.index_cast %scan3A_17 : i32 to index
        %get3A_462 = arith.constant 592 : index
        %get3A_463 = tpu.vector_load %arg8[%get3A_461, %get3A_462] {strides = array<i32>} : memref<32x768xf32, #tpu.memory_space<vmem>>, vector<1x16xf32>,
        %get3A_464 = vector.shape_cast %get3A_463 : vector<1x16xf32> to vector<16xf32>
        %mul3A_465 = arith.constant 768 : i32
        %mul3A_466 = arith.muli %scan3A_17, %mul3A_465 : i32
        %add3A_467 = arith.constant 592 : i32
        %add3A_468 = arith.addi %mul3A_466, %add3A_467 : i32
        %swap3A_469 = arith.index_cast %add3A_468 : i32 to index
        %swap3A_470 = tpu.vector_load %arg9[%swap3A_469] {strides = array<i32>} : memref<30720xf32, #tpu.memory_space<vmem>>, vector<16xf32>,
        %swap3A_471 = vector.shape_cast %swap3A_470 : vector<16xf32> to vector<16xf32>
        %swap3A_472 = vector.shape_cast %get3A_464 : vector<16xf32> to vector<16xf32>
        tpu.vector_store %arg9[%swap3A_469], %swap3A_472 {strides = array<i32>} : memref<30720xf32, #tpu.memory_space<vmem>>, vector<16xf32>,
        %get3A_473 = arith.index_cast %scan3A_17 : i32 to index
        %get3A_474 = arith.constant 608 : index
        %get3A_475 = tpu.vector_load %arg8[%get3A_473, %get3A_474] {strides = array<i32>} : memref<32x768xf32, #tpu.memory_space<vmem>>, vector<1x16xf32>,
        %get3A_476 = vector.shape_cast %get3A_475 : vector<1x16xf32> to vector<16xf32>
        %mul3A_477 = arith.constant 768 : i32
        %mul3A_478 = arith.muli %scan3A_17, %mul3A_477 : i32
        %add3A_479 = arith.constant 608 : i32
        %add3A_480 = arith.addi %mul3A_478, %add3A_479 : i32
        %swap3A_481 = arith.index_cast %add3A_480 : i32 to index
        %swap3A_482 = tpu.vector_load %arg9[%swap3A_481] {strides = array<i32>} : memref<30720xf32, #tpu.memory_space<vmem>>, vector<16xf32>,
        %swap3A_483 = vector.shape_cast %swap3A_482 : vector<16xf32> to vector<16xf32>
        %swap3A_484 = vector.shape_cast %get3A_476 : vector<16xf32> to vector<16xf32>
        tpu.vector_store %arg9[%swap3A_481], %swap3A_484 {strides = array<i32>} : memref<30720xf32, #tpu.memory_space<vmem>>, vector<16xf32>,
        %get3A_485 = arith.index_cast %scan3A_17 : i32 to index
        %get3A_486 = arith.constant 624 : index
        %get3A_487 = tpu.vector_load %arg8[%get3A_485, %get3A_486] {strides = array<i32>} : memref<32x768xf32, #tpu.memory_space<vmem>>, vector<1x16xf32>,
        %get3A_488 = vector.shape_cast %get3A_487 : vector<1x16xf32> to vector<16xf32>
        %mul3A_489 = arith.constant 768 : i32
        %mul3A_490 = arith.muli %scan3A_17, %mul3A_489 : i32
        %add3A_491 = arith.constant 624 : i32
        %add3A_492 = arith.addi %mul3A_490, %add3A_491 : i32
        %swap3A_493 = arith.index_cast %add3A_492 : i32 to index
        %swap3A_494 = tpu.vector_load %arg9[%swap3A_493] {strides = array<i32>} : memref<30720xf32, #tpu.memory_space<vmem>>, vector<16xf32>,
        %swap3A_495 = vector.shape_cast %swap3A_494 : vector<16xf32> to vector<16xf32>
        %swap3A_496 = vector.shape_cast %get3A_488 : vector<16xf32> to vector<16xf32>
        tpu.vector_store %arg9[%swap3A_493], %swap3A_496 {strides = array<i32>} : memref<30720xf32, #tpu.memory_space<vmem>>, vector<16xf32>,
        %get3A_497 = arith.index_cast %scan3A_17 : i32 to index
        %get3A_498 = arith.constant 640 : index
        %get3A_499 = tpu.vector_load %arg8[%get3A_497, %get3A_498] {strides = array<i32>} : memref<32x768xf32, #tpu.memory_space<vmem>>, vector<1x16xf32>,
        %get3A_500 = vector.shape_cast %get3A_499 : vector<1x16xf32> to vector<16xf32>
        %mul3A_501 = arith.constant 768 : i32
        %mul3A_502 = arith.muli %scan3A_17, %mul3A_501 : i32
        %add3A_503 = arith.constant 640 : i32
        %add3A_504 = arith.addi %mul3A_502, %add3A_503 : i32
        %swap3A_505 = arith.index_cast %add3A_504 : i32 to index
        %swap3A_506 = tpu.vector_load %arg9[%swap3A_505] {strides = array<i32>} : memref<30720xf32, #tpu.memory_space<vmem>>, vector<16xf32>,
        %swap3A_507 = vector.shape_cast %swap3A_506 : vector<16xf32> to vector<16xf32>
        %swap3A_508 = vector.shape_cast %get3A_500 : vector<16xf32> to vector<16xf32>
        tpu.vector_store %arg9[%swap3A_505], %swap3A_508 {strides = array<i32>} : memref<30720xf32, #tpu.memory_space<vmem>>, vector<16xf32>,
        %get3A_509 = arith.index_cast %scan3A_17 : i32 to index
        %get3A_510 = arith.constant 656 : index
        %get3A_511 = tpu.vector_load %arg8[%get3A_509, %get3A_510] {strides = array<i32>} : memref<32x768xf32, #tpu.memory_space<vmem>>, vector<1x16xf32>,
        %get3A_512 = vector.shape_cast %get3A_511 : vector<1x16xf32> to vector<16xf32>
        %mul3A_513 = arith.constant 768 : i32
        %mul3A_514 = arith.muli %scan3A_17, %mul3A_513 : i32
        %add3A_515 = arith.constant 656 : i32
        %add3A_516 = arith.addi %mul3A_514, %add3A_515 : i32
        %swap3A_517 = arith.index_cast %add3A_516 : i32 to index
        %swap3A_518 = tpu.vector_load %arg9[%swap3A_517] {strides = array<i32>} : memref<30720xf32, #tpu.memory_space<vmem>>, vector<16xf32>,
        %swap3A_519 = vector.shape_cast %swap3A_518 : vector<16xf32> to vector<16xf32>
        %swap3A_520 = vector.shape_cast %get3A_512 : vector<16xf32> to vector<16xf32>
        tpu.vector_store %arg9[%swap3A_517], %swap3A_520 {strides = array<i32>} : memref<30720xf32, #tpu.memory_space<vmem>>, vector<16xf32>,
        %get3A_521 = arith.index_cast %scan3A_17 : i32 to index
        %get3A_522 = arith.constant 672 : index
        %get3A_523 = tpu.vector_load %arg8[%get3A_521, %get3A_522] {strides = array<i32>} : memref<32x768xf32, #tpu.memory_space<vmem>>, vector<1x16xf32>,
        %get3A_524 = vector.shape_cast %get3A_523 : vector<1x16xf32> to vector<16xf32>
        %mul3A_525 = arith.constant 768 : i32
        %mul3A_526 = arith.muli %scan3A_17, %mul3A_525 : i32
        %add3A_527 = arith.constant 672 : i32
        %add3A_528 = arith.addi %mul3A_526, %add3A_527 : i32
        %swap3A_529 = arith.index_cast %add3A_528 : i32 to index
        %swap3A_530 = tpu.vector_load %arg9[%swap3A_529] {strides = array<i32>} : memref<30720xf32, #tpu.memory_space<vmem>>, vector<16xf32>,
        %swap3A_531 = vector.shape_cast %swap3A_530 : vector<16xf32> to vector<16xf32>
        %swap3A_532 = vector.shape_cast %get3A_524 : vector<16xf32> to vector<16xf32>
        tpu.vector_store %arg9[%swap3A_529], %swap3A_532 {strides = array<i32>} : memref<30720xf32, #tpu.memory_space<vmem>>, vector<16xf32>,
        %get3A_533 = arith.index_cast %scan3A_17 : i32 to index
        %get3A_534 = arith.constant 688 : index
        %get3A_535 = tpu.vector_load %arg8[%get3A_533, %get3A_534] {strides = array<i32>} : memref<32x768xf32, #tpu.memory_space<vmem>>, vector<1x16xf32>,
        %get3A_536 = vector.shape_cast %get3A_535 : vector<1x16xf32> to vector<16xf32>
        %mul3A_537 = arith.constant 768 : i32
        %mul3A_538 = arith.muli %scan3A_17, %mul3A_537 : i32
        %add3A_539 = arith.constant 688 : i32
        %add3A_540 = arith.addi %mul3A_538, %add3A_539 : i32
        %swap3A_541 = arith.index_cast %add3A_540 : i32 to index
        %swap3A_542 = tpu.vector_load %arg9[%swap3A_541] {strides = array<i32>} : memref<30720xf32, #tpu.memory_space<vmem>>, vector<16xf32>,
        %swap3A_543 = vector.shape_cast %swap3A_542 : vector<16xf32> to vector<16xf32>
        %swap3A_544 = vector.shape_cast %get3A_536 : vector<16xf32> to vector<16xf32>
        tpu.vector_store %arg9[%swap3A_541], %swap3A_544 {strides = array<i32>} : memref<30720xf32, #tpu.memory_space<vmem>>, vector<16xf32>,
        %get3A_545 = arith.index_cast %scan3A_17 : i32 to index
        %get3A_546 = arith.constant 704 : index
        %get3A_547 = tpu.vector_load %arg8[%get3A_545, %get3A_546] {strides = array<i32>} : memref<32x768xf32, #tpu.memory_space<vmem>>, vector<1x16xf32>,
        %get3A_548 = vector.shape_cast %get3A_547 : vector<1x16xf32> to vector<16xf32>
        %mul3A_549 = arith.constant 768 : i32
        %mul3A_550 = arith.muli %scan3A_17, %mul3A_549 : i32
        %add3A_551 = arith.constant 704 : i32
        %add3A_552 = arith.addi %mul3A_550, %add3A_551 : i32
        %swap3A_553 = arith.index_cast %add3A_552 : i32 to index
        %swap3A_554 = tpu.vector_load %arg9[%swap3A_553] {strides = array<i32>} : memref<30720xf32, #tpu.memory_space<vmem>>, vector<16xf32>,
        %swap3A_555 = vector.shape_cast %swap3A_554 : vector<16xf32> to vector<16xf32>
        %swap3A_556 = vector.shape_cast %get3A_548 : vector<16xf32> to vector<16xf32>
        tpu.vector_store %arg9[%swap3A_553], %swap3A_556 {strides = array<i32>} : memref<30720xf32, #tpu.memory_space<vmem>>, vector<16xf32>,
        %get3A_557 = arith.index_cast %scan3A_17 : i32 to index
        %get3A_558 = arith.constant 720 : index
        %get3A_559 = tpu.vector_load %arg8[%get3A_557, %get3A_558] {strides = array<i32>} : memref<32x768xf32, #tpu.memory_space<vmem>>, vector<1x16xf32>,
        %get3A_560 = vector.shape_cast %get3A_559 : vector<1x16xf32> to vector<16xf32>
        %mul3A_561 = arith.constant 768 : i32
        %mul3A_562 = arith.muli %scan3A_17, %mul3A_561 : i32
        %add3A_563 = arith.constant 720 : i32
        %add3A_564 = arith.addi %mul3A_562, %add3A_563 : i32
        %swap3A_565 = arith.index_cast %add3A_564 : i32 to index
        %swap3A_566 = tpu.vector_load %arg9[%swap3A_565] {strides = array<i32>} : memref<30720xf32, #tpu.memory_space<vmem>>, vector<16xf32>,
        %swap3A_567 = vector.shape_cast %swap3A_566 : vector<16xf32> to vector<16xf32>
        %swap3A_568 = vector.shape_cast %get3A_560 : vector<16xf32> to vector<16xf32>
        tpu.vector_store %arg9[%swap3A_565], %swap3A_568 {strides = array<i32>} : memref<30720xf32, #tpu.memory_space<vmem>>, vector<16xf32>,
        %get3A_569 = arith.index_cast %scan3A_17 : i32 to index
        %get3A_570 = arith.constant 736 : index
        %get3A_571 = tpu.vector_load %arg8[%get3A_569, %get3A_570] {strides = array<i32>} : memref<32x768xf32, #tpu.memory_space<vmem>>, vector<1x16xf32>,
        %get3A_572 = vector.shape_cast %get3A_571 : vector<1x16xf32> to vector<16xf32>
        %mul3A_573 = arith.constant 768 : i32
        %mul3A_574 = arith.muli %scan3A_17, %mul3A_573 : i32
        %add3A_575 = arith.constant 736 : i32
        %add3A_576 = arith.addi %mul3A_574, %add3A_575 : i32
        %swap3A_577 = arith.index_cast %add3A_576 : i32 to index
        %swap3A_578 = tpu.vector_load %arg9[%swap3A_577] {strides = array<i32>} : memref<30720xf32, #tpu.memory_space<vmem>>, vector<16xf32>,
        %swap3A_579 = vector.shape_cast %swap3A_578 : vector<16xf32> to vector<16xf32>
        %swap3A_580 = vector.shape_cast %get3A_572 : vector<16xf32> to vector<16xf32>
        tpu.vector_store %arg9[%swap3A_577], %swap3A_580 {strides = array<i32>} : memref<30720xf32, #tpu.memory_space<vmem>>, vector<16xf32>,
        %get3A_581 = arith.index_cast %scan3A_17 : i32 to index
        %get3A_582 = arith.constant 752 : index
        %get3A_583 = tpu.vector_load %arg8[%get3A_581, %get3A_582] {strides = array<i32>} : memref<32x768xf32, #tpu.memory_space<vmem>>, vector<1x16xf32>,
        %get3A_584 = vector.shape_cast %get3A_583 : vector<1x16xf32> to vector<16xf32>
        %mul3A_585 = arith.constant 768 : i32
        %mul3A_586 = arith.muli %scan3A_17, %mul3A_585 : i32
        %add3A_587 = arith.constant 752 : i32
        %add3A_588 = arith.addi %mul3A_586, %add3A_587 : i32
        %swap3A_589 = arith.index_cast %add3A_588 : i32 to index
        %swap3A_590 = tpu.vector_load %arg9[%swap3A_589] {strides = array<i32>} : memref<30720xf32, #tpu.memory_space<vmem>>, vector<16xf32>,
        %swap3A_591 = vector.shape_cast %swap3A_590 : vector<16xf32> to vector<16xf32>
        %swap3A_592 = vector.shape_cast %get3A_584 : vector<16xf32> to vector<16xf32>
        tpu.vector_store %arg9[%swap3A_589], %swap3A_592 {strides = array<i32>} : memref<30720xf32, #tpu.memory_space<vmem>>, vector<16xf32>,
        %scan3A_593 = arith.constant 0 : i32
        scf.yield %scan3A_593 : i32
      }
      %scan3A_16 = arith.constant 29 : i32
      "tpu.region"() ({
        %run_scoped3A = tpu.sem_alloc : memref<!tpu.dma_semaphore, #tpu.memory_space<semaphore_mem>>
        %dma_start3A_17 = arith.constant 0 : i32
        %dma_start3A_18 = tpu.memref_slice %arg9[%dma_start3A_17] : memref<30720xf32, #tpu.memory_space<vmem>> -> memref<22272xf32, #tpu.memory_space<vmem>>
        %dma_start3A_19 = arith.constant 921600 : i32
        %dma_start3A_20 = tpu.memref_slice %arg4[%dma_start3A_19] : memref<943872xf32, #tpu.memory_space<hbm>> -> memref<22272xf32, #tpu.memory_space<hbm>>
        %dma_start3A_21 = arith.constant 921600 : i32
        %dma_start3A_22 = tpu.memref_slice %arg4[%dma_start3A_21] : memref<943872xf32, #tpu.memory_space<hbm>> -> memref<22272xf32, #tpu.memory_space<hbm>>
        %dma_start3A_23 = arith.constant 0 : i32
        %dma_start3A_24 = tpu.memref_slice %arg9[%dma_start3A_23] : memref<30720xf32, #tpu.memory_space<vmem>> -> memref<22272xf32, #tpu.memory_space<vmem>>
        tpu.enqueue_dma source(%dma_start3A_24 : memref<22272xf32, #tpu.memory_space<vmem>>) target(%dma_start3A_22 : memref<22272xf32, #tpu.memory_space<hbm>>) target_semaphore(%run_scoped3A : memref<!tpu.dma_semaphore, #tpu.memory_space<semaphore_mem>>)
        %dma_wait3A_25 = arith.constant 0 : i32
        %dma_wait3A_26 = tpu.memref_slice %arg9[%dma_wait3A_25] : memref<30720xf32, #tpu.memory_space<vmem>> -> memref<22272xf32, #tpu.memory_space<vmem>>
        %dma_wait3A_27 = arith.constant 921600 : i32
        %dma_wait3A_28 = tpu.memref_slice %arg4[%dma_wait3A_27] : memref<943872xf32, #tpu.memory_space<hbm>> -> memref<22272xf32, #tpu.memory_space<hbm>>
        %dma_wait3A_29 = arith.constant 921600 : i32
        %dma_wait3A_30 = tpu.memref_slice %arg4[%dma_wait3A_29] : memref<943872xf32, #tpu.memory_space<hbm>> -> memref<22272xf32, #tpu.memory_space<hbm>>
        %dma_wait3A_31 = arith.constant 0 : i32
        %dma_wait3A_32 = tpu.memref_slice %arg9[%dma_wait3A_31] : memref<30720xf32, #tpu.memory_space<vmem>> -> memref<22272xf32, #tpu.memory_space<vmem>>
        tpu.wait_dma2 semaphore(%run_scoped3A : memref<!tpu.dma_semaphore, #tpu.memory_space<semaphore_mem>>) src(%dma_wait3A_32 : memref<22272xf32, #tpu.memory_space<vmem>>) dst(%dma_wait3A_30 : memref<22272xf32, #tpu.memory_space<hbm>>)
        tpu.yield
      }) : () -> ()
    } else {
    }
    return
  }
}

module attributes {stable_mosaic.version = 14 : i64} {
  func.func @_topk_body(%arg0: i32, %arg1: memref<1x12x8x2048xf32, #tpu.memory_space<vmem>>, %arg2: memref<1x1228xi32, #tpu.memory_space<vmem>>, %arg3: memref<1280xi32, #tpu.memory_space<vmem>>) attributes {dimension_semantics = [#tpu.dimension_semantics<arbitrary>], iteration_bounds = array<i64: 1>, scalar_prefetch = 0 : i64, scratch_operands = 0 : i64, tpu.core_type = #tpu.core_type<tc>, window_params = [{transform_indices = @transform_0, window_bounds = array<i64: 1, 12, 8, 2048>}, {pipeline_mode = #tpu.pipeline_mode<synchronous>, transform_indices = @transform_1, window_bounds = array<i64: 1, 1228>}, {pipeline_mode = #tpu.pipeline_mode<synchronous>, transform_indices = @transform_2, window_bounds = array<i64: 1280>}]} {
    %get3A = arith.constant 0 : index
    %get3A_0 = arith.constant 0 : index
    %get3A_1 = arith.constant 0 : index
    %get3A_2 = arith.constant 0 : index
    %get3A_3 = vector.load %arg1[%get3A, %get3A_0, %get3A_1, %get3A_2] : memref<1x12x8x2048xf32, #tpu.memory_space<vmem>>, vector<1x12x1x2048xf32>
    %get3A_4 = vector.shape_cast %get3A_3 : vector<1x12x1x2048xf32> to vector<12x2048xf32>
    %slice3A = vector.extract_strided_slice %get3A_4 {offsets = [0, 0], sizes = [1, 2048], strides = [1, 1]} : vector<12x2048xf32> to vector<1x2048xf32>
    %slice3A_5 = vector.extract_strided_slice %get3A_4 {offsets = [1, 0], sizes = [1, 2048], strides = [1, 1]} : vector<12x2048xf32> to vector<1x2048xf32>
    %add3A = arith.addf %slice3A, %slice3A_5 : vector<1x2048xf32>
    %slice3A_6 = vector.extract_strided_slice %get3A_4 {offsets = [2, 0], sizes = [1, 2048], strides = [1, 1]} : vector<12x2048xf32> to vector<1x2048xf32>
    %add3A_7 = arith.addf %add3A, %slice3A_6 : vector<1x2048xf32>
    %slice3A_8 = vector.extract_strided_slice %get3A_4 {offsets = [3, 0], sizes = [1, 2048], strides = [1, 1]} : vector<12x2048xf32> to vector<1x2048xf32>
    %add3A_9 = arith.addf %add3A_7, %slice3A_8 : vector<1x2048xf32>
    %slice3A_10 = vector.extract_strided_slice %get3A_4 {offsets = [4, 0], sizes = [1, 2048], strides = [1, 1]} : vector<12x2048xf32> to vector<1x2048xf32>
    %add3A_11 = arith.addf %add3A_9, %slice3A_10 : vector<1x2048xf32>
    %slice3A_12 = vector.extract_strided_slice %get3A_4 {offsets = [5, 0], sizes = [1, 2048], strides = [1, 1]} : vector<12x2048xf32> to vector<1x2048xf32>
    %add3A_13 = arith.addf %add3A_11, %slice3A_12 : vector<1x2048xf32>
    %slice3A_14 = vector.extract_strided_slice %get3A_4 {offsets = [6, 0], sizes = [1, 2048], strides = [1, 1]} : vector<12x2048xf32> to vector<1x2048xf32>
    %add3A_15 = arith.addf %add3A_13, %slice3A_14 : vector<1x2048xf32>
    %slice3A_16 = vector.extract_strided_slice %get3A_4 {offsets = [7, 0], sizes = [1, 2048], strides = [1, 1]} : vector<12x2048xf32> to vector<1x2048xf32>
    %add3A_17 = arith.addf %add3A_15, %slice3A_16 : vector<1x2048xf32>
    %slice3A_18 = vector.extract_strided_slice %get3A_4 {offsets = [8, 0], sizes = [1, 2048], strides = [1, 1]} : vector<12x2048xf32> to vector<1x2048xf32>
    %add3A_19 = arith.addf %add3A_17, %slice3A_18 : vector<1x2048xf32>
    %slice3A_20 = vector.extract_strided_slice %get3A_4 {offsets = [9, 0], sizes = [1, 2048], strides = [1, 1]} : vector<12x2048xf32> to vector<1x2048xf32>
    %add3A_21 = arith.addf %add3A_19, %slice3A_20 : vector<1x2048xf32>
    %slice3A_22 = vector.extract_strided_slice %get3A_4 {offsets = [10, 0], sizes = [1, 2048], strides = [1, 1]} : vector<12x2048xf32> to vector<1x2048xf32>
    %add3A_23 = arith.addf %add3A_21, %slice3A_22 : vector<1x2048xf32>
    %slice3A_24 = vector.extract_strided_slice %get3A_4 {offsets = [11, 0], sizes = [1, 2048], strides = [1, 1]} : vector<12x2048xf32> to vector<1x2048xf32>
    %add3A_25 = arith.addf %add3A_23, %slice3A_24 : vector<1x2048xf32>
    %div3A = arith.constant 1.200000e+01 : f32
    %div3A_26 = vector.broadcast %div3A : f32 to vector<1x2048xf32>
    %div3A_27 = arith.divf %add3A_25, %div3A_26 : vector<1x2048xf32>
    %iota3A = tpu.iota {dimensions = array<i32: 1>} : vector<1x2048xi32>
    %eq3A = arith.constant 0 : i32
    %eq3A_28 = vector.broadcast %eq3A : i32 to vector<1x2048xi32>
    %eq3A_29 = arith.cmpi eq, %iota3A, %eq3A_28 : vector<1x2048xi32>
    %jit3A = arith.constant -3.000000e+38 : f32
    %broadcast_in_dim3A = vector.broadcast %jit3A : f32 to vector<1x2048xf32>
    %select_n3A = arith.select %eq3A_29, %broadcast_in_dim3A, %div3A_27 : vector<1x2048xi1>, vector<1x2048xf32>
    %broadcast_in_dim3A_30 = vector.shape_cast %select_n3A : vector<1x2048xf32> to vector<1x2048xf32>
    %broadcast_in_dim3A_31 = vector.broadcast %broadcast_in_dim3A_30 : vector<1x2048xf32> to vector<8x2048xf32>
    %transpose3A = tpu.transpose %broadcast_in_dim3A_31, [1, 0] : vector<8x2048xf32> -> vector<2048x8xf32>
    %slice3A_32 = vector.extract_strided_slice %transpose3A {offsets = [0, 0], sizes = [2048, 1], strides = [1, 1]} : vector<2048x8xf32> to vector<2048x1xf32>
    %iota3A_33 = tpu.iota {dimensions = array<i32: 1>} : vector<128x2048xi32>
    %broadcast_in_dim3A_34 = arith.constant 0 : i32
    %broadcast_in_dim3A_35 = vector.broadcast %broadcast_in_dim3A_34 : i32 to vector<1x2048xi32>
    %slice3A_36 = vector.extract_strided_slice %slice3A_32 {offsets = [0, 0], sizes = [128, 1], strides = [1, 1]} : vector<2048x1xf32> to vector<128x1xf32>
    %iota3A_37 = tpu.iota {dimensions = array<i32: 0>} : vector<128x2048xi32>
    %add3A_38 = arith.constant 0 : i32
    %add3A_39 = vector.broadcast %add3A_38 : i32 to vector<128x2048xi32>
    %add3A_40 = arith.addi %iota3A_37, %add3A_39 : vector<128x2048xi32>
    %gt3A = vector.broadcast %slice3A_36 : vector<128x1xf32> to vector<128x2048xf32>
    %gt3A_41 = vector.broadcast %select_n3A : vector<1x2048xf32> to vector<128x2048xf32>
    %gt3A_42 = arith.cmpf ogt, %gt3A, %gt3A_41 : vector<128x2048xf32>
    %eq3A_43 = vector.broadcast %slice3A_36 : vector<128x1xf32> to vector<128x2048xf32>
    %eq3A_44 = vector.broadcast %select_n3A : vector<1x2048xf32> to vector<128x2048xf32>
    %eq3A_45 = arith.cmpf oeq, %eq3A_43, %eq3A_44 : vector<128x2048xf32>
    %lt3A = arith.cmpi slt, %add3A_40, %iota3A_33 : vector<128x2048xi32>
    %and3A = arith.andi %eq3A_45, %lt3A : vector<128x2048xi1>
    %or3A = arith.ori %gt3A_42, %and3A : vector<128x2048xi1>
    %convert_element_type3A = arith.extui %or3A : vector<128x2048xi1> to vector<128x2048xi32>
    %reduce_sum3A = arith.constant dense<0> : vector<2048xi32>
    %reduce_sum3A_46 = vector.multi_reduction <add>, %convert_element_type3A, %reduce_sum3A [0] : vector<128x2048xi32> to vector<2048xi32>
    %broadcast_in_dim3A_47 = vector.shape_cast %reduce_sum3A_46 : vector<2048xi32> to vector<1x2048xi32>
    %add3A_48 = arith.addi %broadcast_in_dim3A_35, %broadcast_in_dim3A_47 : vector<1x2048xi32>
    %slice3A_49 = vector.extract_strided_slice %slice3A_32 {offsets = [128, 0], sizes = [128, 1], strides = [1, 1]} : vector<2048x1xf32> to vector<128x1xf32>
    %iota3A_50 = tpu.iota {dimensions = array<i32: 0>} : vector<128x2048xi32>
    %add3A_51 = arith.constant 128 : i32
    %add3A_52 = vector.broadcast %add3A_51 : i32 to vector<128x2048xi32>
    %add3A_53 = arith.addi %iota3A_50, %add3A_52 : vector<128x2048xi32>
    %gt3A_54 = vector.broadcast %slice3A_49 : vector<128x1xf32> to vector<128x2048xf32>
    %gt3A_55 = vector.broadcast %select_n3A : vector<1x2048xf32> to vector<128x2048xf32>
    %gt3A_56 = arith.cmpf ogt, %gt3A_54, %gt3A_55 : vector<128x2048xf32>
    %eq3A_57 = vector.broadcast %slice3A_49 : vector<128x1xf32> to vector<128x2048xf32>
    %eq3A_58 = vector.broadcast %select_n3A : vector<1x2048xf32> to vector<128x2048xf32>
    %eq3A_59 = arith.cmpf oeq, %eq3A_57, %eq3A_58 : vector<128x2048xf32>
    %lt3A_60 = arith.cmpi slt, %add3A_53, %iota3A_33 : vector<128x2048xi32>
    %and3A_61 = arith.andi %eq3A_59, %lt3A_60 : vector<128x2048xi1>
    %or3A_62 = arith.ori %gt3A_56, %and3A_61 : vector<128x2048xi1>
    %convert_element_type3A_63 = arith.extui %or3A_62 : vector<128x2048xi1> to vector<128x2048xi32>
    %reduce_sum3A_64 = arith.constant dense<0> : vector<2048xi32>
    %reduce_sum3A_65 = vector.multi_reduction <add>, %convert_element_type3A_63, %reduce_sum3A_64 [0] : vector<128x2048xi32> to vector<2048xi32>
    %broadcast_in_dim3A_66 = vector.shape_cast %reduce_sum3A_65 : vector<2048xi32> to vector<1x2048xi32>
    %add3A_67 = arith.addi %add3A_48, %broadcast_in_dim3A_66 : vector<1x2048xi32>
    %slice3A_68 = vector.extract_strided_slice %slice3A_32 {offsets = [256, 0], sizes = [128, 1], strides = [1, 1]} : vector<2048x1xf32> to vector<128x1xf32>
    %iota3A_69 = tpu.iota {dimensions = array<i32: 0>} : vector<128x2048xi32>
    %add3A_70 = arith.constant 256 : i32
    %add3A_71 = vector.broadcast %add3A_70 : i32 to vector<128x2048xi32>
    %add3A_72 = arith.addi %iota3A_69, %add3A_71 : vector<128x2048xi32>
    %gt3A_73 = vector.broadcast %slice3A_68 : vector<128x1xf32> to vector<128x2048xf32>
    %gt3A_74 = vector.broadcast %select_n3A : vector<1x2048xf32> to vector<128x2048xf32>
    %gt3A_75 = arith.cmpf ogt, %gt3A_73, %gt3A_74 : vector<128x2048xf32>
    %eq3A_76 = vector.broadcast %slice3A_68 : vector<128x1xf32> to vector<128x2048xf32>
    %eq3A_77 = vector.broadcast %select_n3A : vector<1x2048xf32> to vector<128x2048xf32>
    %eq3A_78 = arith.cmpf oeq, %eq3A_76, %eq3A_77 : vector<128x2048xf32>
    %lt3A_79 = arith.cmpi slt, %add3A_72, %iota3A_33 : vector<128x2048xi32>
    %and3A_80 = arith.andi %eq3A_78, %lt3A_79 : vector<128x2048xi1>
    %or3A_81 = arith.ori %gt3A_75, %and3A_80 : vector<128x2048xi1>
    %convert_element_type3A_82 = arith.extui %or3A_81 : vector<128x2048xi1> to vector<128x2048xi32>
    %reduce_sum3A_83 = arith.constant dense<0> : vector<2048xi32>
    %reduce_sum3A_84 = vector.multi_reduction <add>, %convert_element_type3A_82, %reduce_sum3A_83 [0] : vector<128x2048xi32> to vector<2048xi32>
    %broadcast_in_dim3A_85 = vector.shape_cast %reduce_sum3A_84 : vector<2048xi32> to vector<1x2048xi32>
    %add3A_86 = arith.addi %add3A_67, %broadcast_in_dim3A_85 : vector<1x2048xi32>
    %slice3A_87 = vector.extract_strided_slice %slice3A_32 {offsets = [384, 0], sizes = [128, 1], strides = [1, 1]} : vector<2048x1xf32> to vector<128x1xf32>
    %iota3A_88 = tpu.iota {dimensions = array<i32: 0>} : vector<128x2048xi32>
    %add3A_89 = arith.constant 384 : i32
    %add3A_90 = vector.broadcast %add3A_89 : i32 to vector<128x2048xi32>
    %add3A_91 = arith.addi %iota3A_88, %add3A_90 : vector<128x2048xi32>
    %gt3A_92 = vector.broadcast %slice3A_87 : vector<128x1xf32> to vector<128x2048xf32>
    %gt3A_93 = vector.broadcast %select_n3A : vector<1x2048xf32> to vector<128x2048xf32>
    %gt3A_94 = arith.cmpf ogt, %gt3A_92, %gt3A_93 : vector<128x2048xf32>
    %eq3A_95 = vector.broadcast %slice3A_87 : vector<128x1xf32> to vector<128x2048xf32>
    %eq3A_96 = vector.broadcast %select_n3A : vector<1x2048xf32> to vector<128x2048xf32>
    %eq3A_97 = arith.cmpf oeq, %eq3A_95, %eq3A_96 : vector<128x2048xf32>
    %lt3A_98 = arith.cmpi slt, %add3A_91, %iota3A_33 : vector<128x2048xi32>
    %and3A_99 = arith.andi %eq3A_97, %lt3A_98 : vector<128x2048xi1>
    %or3A_100 = arith.ori %gt3A_94, %and3A_99 : vector<128x2048xi1>
    %convert_element_type3A_101 = arith.extui %or3A_100 : vector<128x2048xi1> to vector<128x2048xi32>
    %reduce_sum3A_102 = arith.constant dense<0> : vector<2048xi32>
    %reduce_sum3A_103 = vector.multi_reduction <add>, %convert_element_type3A_101, %reduce_sum3A_102 [0] : vector<128x2048xi32> to vector<2048xi32>
    %broadcast_in_dim3A_104 = vector.shape_cast %reduce_sum3A_103 : vector<2048xi32> to vector<1x2048xi32>
    %add3A_105 = arith.addi %add3A_86, %broadcast_in_dim3A_104 : vector<1x2048xi32>
    %slice3A_106 = vector.extract_strided_slice %slice3A_32 {offsets = [512, 0], sizes = [128, 1], strides = [1, 1]} : vector<2048x1xf32> to vector<128x1xf32>
    %iota3A_107 = tpu.iota {dimensions = array<i32: 0>} : vector<128x2048xi32>
    %add3A_108 = arith.constant 512 : i32
    %add3A_109 = vector.broadcast %add3A_108 : i32 to vector<128x2048xi32>
    %add3A_110 = arith.addi %iota3A_107, %add3A_109 : vector<128x2048xi32>
    %gt3A_111 = vector.broadcast %slice3A_106 : vector<128x1xf32> to vector<128x2048xf32>
    %gt3A_112 = vector.broadcast %select_n3A : vector<1x2048xf32> to vector<128x2048xf32>
    %gt3A_113 = arith.cmpf ogt, %gt3A_111, %gt3A_112 : vector<128x2048xf32>
    %eq3A_114 = vector.broadcast %slice3A_106 : vector<128x1xf32> to vector<128x2048xf32>
    %eq3A_115 = vector.broadcast %select_n3A : vector<1x2048xf32> to vector<128x2048xf32>
    %eq3A_116 = arith.cmpf oeq, %eq3A_114, %eq3A_115 : vector<128x2048xf32>
    %lt3A_117 = arith.cmpi slt, %add3A_110, %iota3A_33 : vector<128x2048xi32>
    %and3A_118 = arith.andi %eq3A_116, %lt3A_117 : vector<128x2048xi1>
    %or3A_119 = arith.ori %gt3A_113, %and3A_118 : vector<128x2048xi1>
    %convert_element_type3A_120 = arith.extui %or3A_119 : vector<128x2048xi1> to vector<128x2048xi32>
    %reduce_sum3A_121 = arith.constant dense<0> : vector<2048xi32>
    %reduce_sum3A_122 = vector.multi_reduction <add>, %convert_element_type3A_120, %reduce_sum3A_121 [0] : vector<128x2048xi32> to vector<2048xi32>
    %broadcast_in_dim3A_123 = vector.shape_cast %reduce_sum3A_122 : vector<2048xi32> to vector<1x2048xi32>
    %add3A_124 = arith.addi %add3A_105, %broadcast_in_dim3A_123 : vector<1x2048xi32>
    %slice3A_125 = vector.extract_strided_slice %slice3A_32 {offsets = [640, 0], sizes = [128, 1], strides = [1, 1]} : vector<2048x1xf32> to vector<128x1xf32>
    %iota3A_126 = tpu.iota {dimensions = array<i32: 0>} : vector<128x2048xi32>
    %add3A_127 = arith.constant 640 : i32
    %add3A_128 = vector.broadcast %add3A_127 : i32 to vector<128x2048xi32>
    %add3A_129 = arith.addi %iota3A_126, %add3A_128 : vector<128x2048xi32>
    %gt3A_130 = vector.broadcast %slice3A_125 : vector<128x1xf32> to vector<128x2048xf32>
    %gt3A_131 = vector.broadcast %select_n3A : vector<1x2048xf32> to vector<128x2048xf32>
    %gt3A_132 = arith.cmpf ogt, %gt3A_130, %gt3A_131 : vector<128x2048xf32>
    %eq3A_133 = vector.broadcast %slice3A_125 : vector<128x1xf32> to vector<128x2048xf32>
    %eq3A_134 = vector.broadcast %select_n3A : vector<1x2048xf32> to vector<128x2048xf32>
    %eq3A_135 = arith.cmpf oeq, %eq3A_133, %eq3A_134 : vector<128x2048xf32>
    %lt3A_136 = arith.cmpi slt, %add3A_129, %iota3A_33 : vector<128x2048xi32>
    %and3A_137 = arith.andi %eq3A_135, %lt3A_136 : vector<128x2048xi1>
    %or3A_138 = arith.ori %gt3A_132, %and3A_137 : vector<128x2048xi1>
    %convert_element_type3A_139 = arith.extui %or3A_138 : vector<128x2048xi1> to vector<128x2048xi32>
    %reduce_sum3A_140 = arith.constant dense<0> : vector<2048xi32>
    %reduce_sum3A_141 = vector.multi_reduction <add>, %convert_element_type3A_139, %reduce_sum3A_140 [0] : vector<128x2048xi32> to vector<2048xi32>
    %broadcast_in_dim3A_142 = vector.shape_cast %reduce_sum3A_141 : vector<2048xi32> to vector<1x2048xi32>
    %add3A_143 = arith.addi %add3A_124, %broadcast_in_dim3A_142 : vector<1x2048xi32>
    %slice3A_144 = vector.extract_strided_slice %slice3A_32 {offsets = [768, 0], sizes = [128, 1], strides = [1, 1]} : vector<2048x1xf32> to vector<128x1xf32>
    %iota3A_145 = tpu.iota {dimensions = array<i32: 0>} : vector<128x2048xi32>
    %add3A_146 = arith.constant 768 : i32
    %add3A_147 = vector.broadcast %add3A_146 : i32 to vector<128x2048xi32>
    %add3A_148 = arith.addi %iota3A_145, %add3A_147 : vector<128x2048xi32>
    %gt3A_149 = vector.broadcast %slice3A_144 : vector<128x1xf32> to vector<128x2048xf32>
    %gt3A_150 = vector.broadcast %select_n3A : vector<1x2048xf32> to vector<128x2048xf32>
    %gt3A_151 = arith.cmpf ogt, %gt3A_149, %gt3A_150 : vector<128x2048xf32>
    %eq3A_152 = vector.broadcast %slice3A_144 : vector<128x1xf32> to vector<128x2048xf32>
    %eq3A_153 = vector.broadcast %select_n3A : vector<1x2048xf32> to vector<128x2048xf32>
    %eq3A_154 = arith.cmpf oeq, %eq3A_152, %eq3A_153 : vector<128x2048xf32>
    %lt3A_155 = arith.cmpi slt, %add3A_148, %iota3A_33 : vector<128x2048xi32>
    %and3A_156 = arith.andi %eq3A_154, %lt3A_155 : vector<128x2048xi1>
    %or3A_157 = arith.ori %gt3A_151, %and3A_156 : vector<128x2048xi1>
    %convert_element_type3A_158 = arith.extui %or3A_157 : vector<128x2048xi1> to vector<128x2048xi32>
    %reduce_sum3A_159 = arith.constant dense<0> : vector<2048xi32>
    %reduce_sum3A_160 = vector.multi_reduction <add>, %convert_element_type3A_158, %reduce_sum3A_159 [0] : vector<128x2048xi32> to vector<2048xi32>
    %broadcast_in_dim3A_161 = vector.shape_cast %reduce_sum3A_160 : vector<2048xi32> to vector<1x2048xi32>
    %add3A_162 = arith.addi %add3A_143, %broadcast_in_dim3A_161 : vector<1x2048xi32>
    %slice3A_163 = vector.extract_strided_slice %slice3A_32 {offsets = [896, 0], sizes = [128, 1], strides = [1, 1]} : vector<2048x1xf32> to vector<128x1xf32>
    %iota3A_164 = tpu.iota {dimensions = array<i32: 0>} : vector<128x2048xi32>
    %add3A_165 = arith.constant 896 : i32
    %add3A_166 = vector.broadcast %add3A_165 : i32 to vector<128x2048xi32>
    %add3A_167 = arith.addi %iota3A_164, %add3A_166 : vector<128x2048xi32>
    %gt3A_168 = vector.broadcast %slice3A_163 : vector<128x1xf32> to vector<128x2048xf32>
    %gt3A_169 = vector.broadcast %select_n3A : vector<1x2048xf32> to vector<128x2048xf32>
    %gt3A_170 = arith.cmpf ogt, %gt3A_168, %gt3A_169 : vector<128x2048xf32>
    %eq3A_171 = vector.broadcast %slice3A_163 : vector<128x1xf32> to vector<128x2048xf32>
    %eq3A_172 = vector.broadcast %select_n3A : vector<1x2048xf32> to vector<128x2048xf32>
    %eq3A_173 = arith.cmpf oeq, %eq3A_171, %eq3A_172 : vector<128x2048xf32>
    %lt3A_174 = arith.cmpi slt, %add3A_167, %iota3A_33 : vector<128x2048xi32>
    %and3A_175 = arith.andi %eq3A_173, %lt3A_174 : vector<128x2048xi1>
    %or3A_176 = arith.ori %gt3A_170, %and3A_175 : vector<128x2048xi1>
    %convert_element_type3A_177 = arith.extui %or3A_176 : vector<128x2048xi1> to vector<128x2048xi32>
    %reduce_sum3A_178 = arith.constant dense<0> : vector<2048xi32>
    %reduce_sum3A_179 = vector.multi_reduction <add>, %convert_element_type3A_177, %reduce_sum3A_178 [0] : vector<128x2048xi32> to vector<2048xi32>
    %broadcast_in_dim3A_180 = vector.shape_cast %reduce_sum3A_179 : vector<2048xi32> to vector<1x2048xi32>
    %add3A_181 = arith.addi %add3A_162, %broadcast_in_dim3A_180 : vector<1x2048xi32>
    %slice3A_182 = vector.extract_strided_slice %slice3A_32 {offsets = [1024, 0], sizes = [128, 1], strides = [1, 1]} : vector<2048x1xf32> to vector<128x1xf32>
    %iota3A_183 = tpu.iota {dimensions = array<i32: 0>} : vector<128x2048xi32>
    %add3A_184 = arith.constant 1024 : i32
    %add3A_185 = vector.broadcast %add3A_184 : i32 to vector<128x2048xi32>
    %add3A_186 = arith.addi %iota3A_183, %add3A_185 : vector<128x2048xi32>
    %gt3A_187 = vector.broadcast %slice3A_182 : vector<128x1xf32> to vector<128x2048xf32>
    %gt3A_188 = vector.broadcast %select_n3A : vector<1x2048xf32> to vector<128x2048xf32>
    %gt3A_189 = arith.cmpf ogt, %gt3A_187, %gt3A_188 : vector<128x2048xf32>
    %eq3A_190 = vector.broadcast %slice3A_182 : vector<128x1xf32> to vector<128x2048xf32>
    %eq3A_191 = vector.broadcast %select_n3A : vector<1x2048xf32> to vector<128x2048xf32>
    %eq3A_192 = arith.cmpf oeq, %eq3A_190, %eq3A_191 : vector<128x2048xf32>
    %lt3A_193 = arith.cmpi slt, %add3A_186, %iota3A_33 : vector<128x2048xi32>
    %and3A_194 = arith.andi %eq3A_192, %lt3A_193 : vector<128x2048xi1>
    %or3A_195 = arith.ori %gt3A_189, %and3A_194 : vector<128x2048xi1>
    %convert_element_type3A_196 = arith.extui %or3A_195 : vector<128x2048xi1> to vector<128x2048xi32>
    %reduce_sum3A_197 = arith.constant dense<0> : vector<2048xi32>
    %reduce_sum3A_198 = vector.multi_reduction <add>, %convert_element_type3A_196, %reduce_sum3A_197 [0] : vector<128x2048xi32> to vector<2048xi32>
    %broadcast_in_dim3A_199 = vector.shape_cast %reduce_sum3A_198 : vector<2048xi32> to vector<1x2048xi32>
    %add3A_200 = arith.addi %add3A_181, %broadcast_in_dim3A_199 : vector<1x2048xi32>
    %slice3A_201 = vector.extract_strided_slice %slice3A_32 {offsets = [1152, 0], sizes = [128, 1], strides = [1, 1]} : vector<2048x1xf32> to vector<128x1xf32>
    %iota3A_202 = tpu.iota {dimensions = array<i32: 0>} : vector<128x2048xi32>
    %add3A_203 = arith.constant 1152 : i32
    %add3A_204 = vector.broadcast %add3A_203 : i32 to vector<128x2048xi32>
    %add3A_205 = arith.addi %iota3A_202, %add3A_204 : vector<128x2048xi32>
    %gt3A_206 = vector.broadcast %slice3A_201 : vector<128x1xf32> to vector<128x2048xf32>
    %gt3A_207 = vector.broadcast %select_n3A : vector<1x2048xf32> to vector<128x2048xf32>
    %gt3A_208 = arith.cmpf ogt, %gt3A_206, %gt3A_207 : vector<128x2048xf32>
    %eq3A_209 = vector.broadcast %slice3A_201 : vector<128x1xf32> to vector<128x2048xf32>
    %eq3A_210 = vector.broadcast %select_n3A : vector<1x2048xf32> to vector<128x2048xf32>
    %eq3A_211 = arith.cmpf oeq, %eq3A_209, %eq3A_210 : vector<128x2048xf32>
    %lt3A_212 = arith.cmpi slt, %add3A_205, %iota3A_33 : vector<128x2048xi32>
    %and3A_213 = arith.andi %eq3A_211, %lt3A_212 : vector<128x2048xi1>
    %or3A_214 = arith.ori %gt3A_208, %and3A_213 : vector<128x2048xi1>
    %convert_element_type3A_215 = arith.extui %or3A_214 : vector<128x2048xi1> to vector<128x2048xi32>
    %reduce_sum3A_216 = arith.constant dense<0> : vector<2048xi32>
    %reduce_sum3A_217 = vector.multi_reduction <add>, %convert_element_type3A_215, %reduce_sum3A_216 [0] : vector<128x2048xi32> to vector<2048xi32>
    %broadcast_in_dim3A_218 = vector.shape_cast %reduce_sum3A_217 : vector<2048xi32> to vector<1x2048xi32>
    %add3A_219 = arith.addi %add3A_200, %broadcast_in_dim3A_218 : vector<1x2048xi32>
    %slice3A_220 = vector.extract_strided_slice %slice3A_32 {offsets = [1280, 0], sizes = [128, 1], strides = [1, 1]} : vector<2048x1xf32> to vector<128x1xf32>
    %iota3A_221 = tpu.iota {dimensions = array<i32: 0>} : vector<128x2048xi32>
    %add3A_222 = arith.constant 1280 : i32
    %add3A_223 = vector.broadcast %add3A_222 : i32 to vector<128x2048xi32>
    %add3A_224 = arith.addi %iota3A_221, %add3A_223 : vector<128x2048xi32>
    %gt3A_225 = vector.broadcast %slice3A_220 : vector<128x1xf32> to vector<128x2048xf32>
    %gt3A_226 = vector.broadcast %select_n3A : vector<1x2048xf32> to vector<128x2048xf32>
    %gt3A_227 = arith.cmpf ogt, %gt3A_225, %gt3A_226 : vector<128x2048xf32>
    %eq3A_228 = vector.broadcast %slice3A_220 : vector<128x1xf32> to vector<128x2048xf32>
    %eq3A_229 = vector.broadcast %select_n3A : vector<1x2048xf32> to vector<128x2048xf32>
    %eq3A_230 = arith.cmpf oeq, %eq3A_228, %eq3A_229 : vector<128x2048xf32>
    %lt3A_231 = arith.cmpi slt, %add3A_224, %iota3A_33 : vector<128x2048xi32>
    %and3A_232 = arith.andi %eq3A_230, %lt3A_231 : vector<128x2048xi1>
    %or3A_233 = arith.ori %gt3A_227, %and3A_232 : vector<128x2048xi1>
    %convert_element_type3A_234 = arith.extui %or3A_233 : vector<128x2048xi1> to vector<128x2048xi32>
    %reduce_sum3A_235 = arith.constant dense<0> : vector<2048xi32>
    %reduce_sum3A_236 = vector.multi_reduction <add>, %convert_element_type3A_234, %reduce_sum3A_235 [0] : vector<128x2048xi32> to vector<2048xi32>
    %broadcast_in_dim3A_237 = vector.shape_cast %reduce_sum3A_236 : vector<2048xi32> to vector<1x2048xi32>
    %add3A_238 = arith.addi %add3A_219, %broadcast_in_dim3A_237 : vector<1x2048xi32>
    %slice3A_239 = vector.extract_strided_slice %slice3A_32 {offsets = [1408, 0], sizes = [128, 1], strides = [1, 1]} : vector<2048x1xf32> to vector<128x1xf32>
    %iota3A_240 = tpu.iota {dimensions = array<i32: 0>} : vector<128x2048xi32>
    %add3A_241 = arith.constant 1408 : i32
    %add3A_242 = vector.broadcast %add3A_241 : i32 to vector<128x2048xi32>
    %add3A_243 = arith.addi %iota3A_240, %add3A_242 : vector<128x2048xi32>
    %gt3A_244 = vector.broadcast %slice3A_239 : vector<128x1xf32> to vector<128x2048xf32>
    %gt3A_245 = vector.broadcast %select_n3A : vector<1x2048xf32> to vector<128x2048xf32>
    %gt3A_246 = arith.cmpf ogt, %gt3A_244, %gt3A_245 : vector<128x2048xf32>
    %eq3A_247 = vector.broadcast %slice3A_239 : vector<128x1xf32> to vector<128x2048xf32>
    %eq3A_248 = vector.broadcast %select_n3A : vector<1x2048xf32> to vector<128x2048xf32>
    %eq3A_249 = arith.cmpf oeq, %eq3A_247, %eq3A_248 : vector<128x2048xf32>
    %lt3A_250 = arith.cmpi slt, %add3A_243, %iota3A_33 : vector<128x2048xi32>
    %and3A_251 = arith.andi %eq3A_249, %lt3A_250 : vector<128x2048xi1>
    %or3A_252 = arith.ori %gt3A_246, %and3A_251 : vector<128x2048xi1>
    %convert_element_type3A_253 = arith.extui %or3A_252 : vector<128x2048xi1> to vector<128x2048xi32>
    %reduce_sum3A_254 = arith.constant dense<0> : vector<2048xi32>
    %reduce_sum3A_255 = vector.multi_reduction <add>, %convert_element_type3A_253, %reduce_sum3A_254 [0] : vector<128x2048xi32> to vector<2048xi32>
    %broadcast_in_dim3A_256 = vector.shape_cast %reduce_sum3A_255 : vector<2048xi32> to vector<1x2048xi32>
    %add3A_257 = arith.addi %add3A_238, %broadcast_in_dim3A_256 : vector<1x2048xi32>
    %slice3A_258 = vector.extract_strided_slice %slice3A_32 {offsets = [1536, 0], sizes = [128, 1], strides = [1, 1]} : vector<2048x1xf32> to vector<128x1xf32>
    %iota3A_259 = tpu.iota {dimensions = array<i32: 0>} : vector<128x2048xi32>
    %add3A_260 = arith.constant 1536 : i32
    %add3A_261 = vector.broadcast %add3A_260 : i32 to vector<128x2048xi32>
    %add3A_262 = arith.addi %iota3A_259, %add3A_261 : vector<128x2048xi32>
    %gt3A_263 = vector.broadcast %slice3A_258 : vector<128x1xf32> to vector<128x2048xf32>
    %gt3A_264 = vector.broadcast %select_n3A : vector<1x2048xf32> to vector<128x2048xf32>
    %gt3A_265 = arith.cmpf ogt, %gt3A_263, %gt3A_264 : vector<128x2048xf32>
    %eq3A_266 = vector.broadcast %slice3A_258 : vector<128x1xf32> to vector<128x2048xf32>
    %eq3A_267 = vector.broadcast %select_n3A : vector<1x2048xf32> to vector<128x2048xf32>
    %eq3A_268 = arith.cmpf oeq, %eq3A_266, %eq3A_267 : vector<128x2048xf32>
    %lt3A_269 = arith.cmpi slt, %add3A_262, %iota3A_33 : vector<128x2048xi32>
    %and3A_270 = arith.andi %eq3A_268, %lt3A_269 : vector<128x2048xi1>
    %or3A_271 = arith.ori %gt3A_265, %and3A_270 : vector<128x2048xi1>
    %convert_element_type3A_272 = arith.extui %or3A_271 : vector<128x2048xi1> to vector<128x2048xi32>
    %reduce_sum3A_273 = arith.constant dense<0> : vector<2048xi32>
    %reduce_sum3A_274 = vector.multi_reduction <add>, %convert_element_type3A_272, %reduce_sum3A_273 [0] : vector<128x2048xi32> to vector<2048xi32>
    %broadcast_in_dim3A_275 = vector.shape_cast %reduce_sum3A_274 : vector<2048xi32> to vector<1x2048xi32>
    %add3A_276 = arith.addi %add3A_257, %broadcast_in_dim3A_275 : vector<1x2048xi32>
    %slice3A_277 = vector.extract_strided_slice %slice3A_32 {offsets = [1664, 0], sizes = [128, 1], strides = [1, 1]} : vector<2048x1xf32> to vector<128x1xf32>
    %iota3A_278 = tpu.iota {dimensions = array<i32: 0>} : vector<128x2048xi32>
    %add3A_279 = arith.constant 1664 : i32
    %add3A_280 = vector.broadcast %add3A_279 : i32 to vector<128x2048xi32>
    %add3A_281 = arith.addi %iota3A_278, %add3A_280 : vector<128x2048xi32>
    %gt3A_282 = vector.broadcast %slice3A_277 : vector<128x1xf32> to vector<128x2048xf32>
    %gt3A_283 = vector.broadcast %select_n3A : vector<1x2048xf32> to vector<128x2048xf32>
    %gt3A_284 = arith.cmpf ogt, %gt3A_282, %gt3A_283 : vector<128x2048xf32>
    %eq3A_285 = vector.broadcast %slice3A_277 : vector<128x1xf32> to vector<128x2048xf32>
    %eq3A_286 = vector.broadcast %select_n3A : vector<1x2048xf32> to vector<128x2048xf32>
    %eq3A_287 = arith.cmpf oeq, %eq3A_285, %eq3A_286 : vector<128x2048xf32>
    %lt3A_288 = arith.cmpi slt, %add3A_281, %iota3A_33 : vector<128x2048xi32>
    %and3A_289 = arith.andi %eq3A_287, %lt3A_288 : vector<128x2048xi1>
    %or3A_290 = arith.ori %gt3A_284, %and3A_289 : vector<128x2048xi1>
    %convert_element_type3A_291 = arith.extui %or3A_290 : vector<128x2048xi1> to vector<128x2048xi32>
    %reduce_sum3A_292 = arith.constant dense<0> : vector<2048xi32>
    %reduce_sum3A_293 = vector.multi_reduction <add>, %convert_element_type3A_291, %reduce_sum3A_292 [0] : vector<128x2048xi32> to vector<2048xi32>
    %broadcast_in_dim3A_294 = vector.shape_cast %reduce_sum3A_293 : vector<2048xi32> to vector<1x2048xi32>
    %add3A_295 = arith.addi %add3A_276, %broadcast_in_dim3A_294 : vector<1x2048xi32>
    %slice3A_296 = vector.extract_strided_slice %slice3A_32 {offsets = [1792, 0], sizes = [128, 1], strides = [1, 1]} : vector<2048x1xf32> to vector<128x1xf32>
    %iota3A_297 = tpu.iota {dimensions = array<i32: 0>} : vector<128x2048xi32>
    %add3A_298 = arith.constant 1792 : i32
    %add3A_299 = vector.broadcast %add3A_298 : i32 to vector<128x2048xi32>
    %add3A_300 = arith.addi %iota3A_297, %add3A_299 : vector<128x2048xi32>
    %gt3A_301 = vector.broadcast %slice3A_296 : vector<128x1xf32> to vector<128x2048xf32>
    %gt3A_302 = vector.broadcast %select_n3A : vector<1x2048xf32> to vector<128x2048xf32>
    %gt3A_303 = arith.cmpf ogt, %gt3A_301, %gt3A_302 : vector<128x2048xf32>
    %eq3A_304 = vector.broadcast %slice3A_296 : vector<128x1xf32> to vector<128x2048xf32>
    %eq3A_305 = vector.broadcast %select_n3A : vector<1x2048xf32> to vector<128x2048xf32>
    %eq3A_306 = arith.cmpf oeq, %eq3A_304, %eq3A_305 : vector<128x2048xf32>
    %lt3A_307 = arith.cmpi slt, %add3A_300, %iota3A_33 : vector<128x2048xi32>
    %and3A_308 = arith.andi %eq3A_306, %lt3A_307 : vector<128x2048xi1>
    %or3A_309 = arith.ori %gt3A_303, %and3A_308 : vector<128x2048xi1>
    %convert_element_type3A_310 = arith.extui %or3A_309 : vector<128x2048xi1> to vector<128x2048xi32>
    %reduce_sum3A_311 = arith.constant dense<0> : vector<2048xi32>
    %reduce_sum3A_312 = vector.multi_reduction <add>, %convert_element_type3A_310, %reduce_sum3A_311 [0] : vector<128x2048xi32> to vector<2048xi32>
    %broadcast_in_dim3A_313 = vector.shape_cast %reduce_sum3A_312 : vector<2048xi32> to vector<1x2048xi32>
    %add3A_314 = arith.addi %add3A_295, %broadcast_in_dim3A_313 : vector<1x2048xi32>
    %slice3A_315 = vector.extract_strided_slice %slice3A_32 {offsets = [1920, 0], sizes = [128, 1], strides = [1, 1]} : vector<2048x1xf32> to vector<128x1xf32>
    %iota3A_316 = tpu.iota {dimensions = array<i32: 0>} : vector<128x2048xi32>
    %add3A_317 = arith.constant 1920 : i32
    %add3A_318 = vector.broadcast %add3A_317 : i32 to vector<128x2048xi32>
    %add3A_319 = arith.addi %iota3A_316, %add3A_318 : vector<128x2048xi32>
    %gt3A_320 = vector.broadcast %slice3A_315 : vector<128x1xf32> to vector<128x2048xf32>
    %gt3A_321 = vector.broadcast %select_n3A : vector<1x2048xf32> to vector<128x2048xf32>
    %gt3A_322 = arith.cmpf ogt, %gt3A_320, %gt3A_321 : vector<128x2048xf32>
    %eq3A_323 = vector.broadcast %slice3A_315 : vector<128x1xf32> to vector<128x2048xf32>
    %eq3A_324 = vector.broadcast %select_n3A : vector<1x2048xf32> to vector<128x2048xf32>
    %eq3A_325 = arith.cmpf oeq, %eq3A_323, %eq3A_324 : vector<128x2048xf32>
    %lt3A_326 = arith.cmpi slt, %add3A_319, %iota3A_33 : vector<128x2048xi32>
    %and3A_327 = arith.andi %eq3A_325, %lt3A_326 : vector<128x2048xi1>
    %or3A_328 = arith.ori %gt3A_322, %and3A_327 : vector<128x2048xi1>
    %convert_element_type3A_329 = arith.extui %or3A_328 : vector<128x2048xi1> to vector<128x2048xi32>
    %reduce_sum3A_330 = arith.constant dense<0> : vector<2048xi32>
    %reduce_sum3A_331 = vector.multi_reduction <add>, %convert_element_type3A_329, %reduce_sum3A_330 [0] : vector<128x2048xi32> to vector<2048xi32>
    %broadcast_in_dim3A_332 = vector.shape_cast %reduce_sum3A_331 : vector<2048xi32> to vector<1x2048xi32>
    %add3A_333 = arith.addi %add3A_314, %broadcast_in_dim3A_332 : vector<1x2048xi32>
    %broadcast_in_dim3A_334 = vector.shape_cast %add3A_333 : vector<1x2048xi32> to vector<1x2048xi32>
    %broadcast_in_dim3A_335 = vector.broadcast %broadcast_in_dim3A_334 : vector<1x2048xi32> to vector<8x2048xi32>
    %transpose3A_336 = tpu.transpose %broadcast_in_dim3A_335, [1, 0] : vector<8x2048xi32> -> vector<2048x8xi32>
    %slice3A_337 = vector.extract_strided_slice %transpose3A_336 {offsets = [0, 0], sizes = [2048, 1], strides = [1, 1]} : vector<2048x8xi32> to vector<2048x1xi32>
    %iota3A_338 = tpu.iota {dimensions = array<i32: 1>} : vector<128x1280xi32>
    %broadcast_in_dim3A_339 = arith.constant 0 : i32
    %broadcast_in_dim3A_340 = vector.broadcast %broadcast_in_dim3A_339 : i32 to vector<1x1280xi32>
    %slice3A_341 = vector.extract_strided_slice %slice3A_337 {offsets = [0, 0], sizes = [128, 1], strides = [1, 1]} : vector<2048x1xi32> to vector<128x1xi32>
    %iota3A_342 = tpu.iota {dimensions = array<i32: 0>} : vector<128x1280xi32>
    %add3A_343 = arith.constant 0 : i32
    %add3A_344 = vector.broadcast %add3A_343 : i32 to vector<128x1280xi32>
    %add3A_345 = arith.addi %iota3A_342, %add3A_344 : vector<128x1280xi32>
    %eq3A_346 = vector.broadcast %slice3A_341 : vector<128x1xi32> to vector<128x1280xi32>
    %eq3A_347 = arith.cmpi eq, %eq3A_346, %iota3A_338 : vector<128x1280xi32>
    %jit3A_348 = arith.constant 0 : i32
    %broadcast_in_dim3A_349 = vector.broadcast %jit3A_348 : i32 to vector<128x1280xi32>
    %select_n3A_350 = arith.select %eq3A_347, %add3A_345, %broadcast_in_dim3A_349 : vector<128x1280xi1>, vector<128x1280xi32>
    %reduce_sum3A_351 = arith.constant dense<0> : vector<1280xi32>
    %reduce_sum3A_352 = vector.multi_reduction <add>, %select_n3A_350, %reduce_sum3A_351 [0] : vector<128x1280xi32> to vector<1280xi32>
    %broadcast_in_dim3A_353 = vector.shape_cast %reduce_sum3A_352 : vector<1280xi32> to vector<1x1280xi32>
    %add3A_354 = arith.addi %broadcast_in_dim3A_340, %broadcast_in_dim3A_353 : vector<1x1280xi32>
    %slice3A_355 = vector.extract_strided_slice %slice3A_337 {offsets = [128, 0], sizes = [128, 1], strides = [1, 1]} : vector<2048x1xi32> to vector<128x1xi32>
    %iota3A_356 = tpu.iota {dimensions = array<i32: 0>} : vector<128x1280xi32>
    %add3A_357 = arith.constant 128 : i32
    %add3A_358 = vector.broadcast %add3A_357 : i32 to vector<128x1280xi32>
    %add3A_359 = arith.addi %iota3A_356, %add3A_358 : vector<128x1280xi32>
    %eq3A_360 = vector.broadcast %slice3A_355 : vector<128x1xi32> to vector<128x1280xi32>
    %eq3A_361 = arith.cmpi eq, %eq3A_360, %iota3A_338 : vector<128x1280xi32>
    %jit3A_362 = arith.constant 0 : i32
    %broadcast_in_dim3A_363 = vector.broadcast %jit3A_362 : i32 to vector<128x1280xi32>
    %select_n3A_364 = arith.select %eq3A_361, %add3A_359, %broadcast_in_dim3A_363 : vector<128x1280xi1>, vector<128x1280xi32>
    %reduce_sum3A_365 = arith.constant dense<0> : vector<1280xi32>
    %reduce_sum3A_366 = vector.multi_reduction <add>, %select_n3A_364, %reduce_sum3A_365 [0] : vector<128x1280xi32> to vector<1280xi32>
    %broadcast_in_dim3A_367 = vector.shape_cast %reduce_sum3A_366 : vector<1280xi32> to vector<1x1280xi32>
    %add3A_368 = arith.addi %add3A_354, %broadcast_in_dim3A_367 : vector<1x1280xi32>
    %slice3A_369 = vector.extract_strided_slice %slice3A_337 {offsets = [256, 0], sizes = [128, 1], strides = [1, 1]} : vector<2048x1xi32> to vector<128x1xi32>
    %iota3A_370 = tpu.iota {dimensions = array<i32: 0>} : vector<128x1280xi32>
    %add3A_371 = arith.constant 256 : i32
    %add3A_372 = vector.broadcast %add3A_371 : i32 to vector<128x1280xi32>
    %add3A_373 = arith.addi %iota3A_370, %add3A_372 : vector<128x1280xi32>
    %eq3A_374 = vector.broadcast %slice3A_369 : vector<128x1xi32> to vector<128x1280xi32>
    %eq3A_375 = arith.cmpi eq, %eq3A_374, %iota3A_338 : vector<128x1280xi32>
    %jit3A_376 = arith.constant 0 : i32
    %broadcast_in_dim3A_377 = vector.broadcast %jit3A_376 : i32 to vector<128x1280xi32>
    %select_n3A_378 = arith.select %eq3A_375, %add3A_373, %broadcast_in_dim3A_377 : vector<128x1280xi1>, vector<128x1280xi32>
    %reduce_sum3A_379 = arith.constant dense<0> : vector<1280xi32>
    %reduce_sum3A_380 = vector.multi_reduction <add>, %select_n3A_378, %reduce_sum3A_379 [0] : vector<128x1280xi32> to vector<1280xi32>
    %broadcast_in_dim3A_381 = vector.shape_cast %reduce_sum3A_380 : vector<1280xi32> to vector<1x1280xi32>
    %add3A_382 = arith.addi %add3A_368, %broadcast_in_dim3A_381 : vector<1x1280xi32>
    %slice3A_383 = vector.extract_strided_slice %slice3A_337 {offsets = [384, 0], sizes = [128, 1], strides = [1, 1]} : vector<2048x1xi32> to vector<128x1xi32>
    %iota3A_384 = tpu.iota {dimensions = array<i32: 0>} : vector<128x1280xi32>
    %add3A_385 = arith.constant 384 : i32
    %add3A_386 = vector.broadcast %add3A_385 : i32 to vector<128x1280xi32>
    %add3A_387 = arith.addi %iota3A_384, %add3A_386 : vector<128x1280xi32>
    %eq3A_388 = vector.broadcast %slice3A_383 : vector<128x1xi32> to vector<128x1280xi32>
    %eq3A_389 = arith.cmpi eq, %eq3A_388, %iota3A_338 : vector<128x1280xi32>
    %jit3A_390 = arith.constant 0 : i32
    %broadcast_in_dim3A_391 = vector.broadcast %jit3A_390 : i32 to vector<128x1280xi32>
    %select_n3A_392 = arith.select %eq3A_389, %add3A_387, %broadcast_in_dim3A_391 : vector<128x1280xi1>, vector<128x1280xi32>
    %reduce_sum3A_393 = arith.constant dense<0> : vector<1280xi32>
    %reduce_sum3A_394 = vector.multi_reduction <add>, %select_n3A_392, %reduce_sum3A_393 [0] : vector<128x1280xi32> to vector<1280xi32>
    %broadcast_in_dim3A_395 = vector.shape_cast %reduce_sum3A_394 : vector<1280xi32> to vector<1x1280xi32>
    %add3A_396 = arith.addi %add3A_382, %broadcast_in_dim3A_395 : vector<1x1280xi32>
    %slice3A_397 = vector.extract_strided_slice %slice3A_337 {offsets = [512, 0], sizes = [128, 1], strides = [1, 1]} : vector<2048x1xi32> to vector<128x1xi32>
    %iota3A_398 = tpu.iota {dimensions = array<i32: 0>} : vector<128x1280xi32>
    %add3A_399 = arith.constant 512 : i32
    %add3A_400 = vector.broadcast %add3A_399 : i32 to vector<128x1280xi32>
    %add3A_401 = arith.addi %iota3A_398, %add3A_400 : vector<128x1280xi32>
    %eq3A_402 = vector.broadcast %slice3A_397 : vector<128x1xi32> to vector<128x1280xi32>
    %eq3A_403 = arith.cmpi eq, %eq3A_402, %iota3A_338 : vector<128x1280xi32>
    %jit3A_404 = arith.constant 0 : i32
    %broadcast_in_dim3A_405 = vector.broadcast %jit3A_404 : i32 to vector<128x1280xi32>
    %select_n3A_406 = arith.select %eq3A_403, %add3A_401, %broadcast_in_dim3A_405 : vector<128x1280xi1>, vector<128x1280xi32>
    %reduce_sum3A_407 = arith.constant dense<0> : vector<1280xi32>
    %reduce_sum3A_408 = vector.multi_reduction <add>, %select_n3A_406, %reduce_sum3A_407 [0] : vector<128x1280xi32> to vector<1280xi32>
    %broadcast_in_dim3A_409 = vector.shape_cast %reduce_sum3A_408 : vector<1280xi32> to vector<1x1280xi32>
    %add3A_410 = arith.addi %add3A_396, %broadcast_in_dim3A_409 : vector<1x1280xi32>
    %slice3A_411 = vector.extract_strided_slice %slice3A_337 {offsets = [640, 0], sizes = [128, 1], strides = [1, 1]} : vector<2048x1xi32> to vector<128x1xi32>
    %iota3A_412 = tpu.iota {dimensions = array<i32: 0>} : vector<128x1280xi32>
    %add3A_413 = arith.constant 640 : i32
    %add3A_414 = vector.broadcast %add3A_413 : i32 to vector<128x1280xi32>
    %add3A_415 = arith.addi %iota3A_412, %add3A_414 : vector<128x1280xi32>
    %eq3A_416 = vector.broadcast %slice3A_411 : vector<128x1xi32> to vector<128x1280xi32>
    %eq3A_417 = arith.cmpi eq, %eq3A_416, %iota3A_338 : vector<128x1280xi32>
    %jit3A_418 = arith.constant 0 : i32
    %broadcast_in_dim3A_419 = vector.broadcast %jit3A_418 : i32 to vector<128x1280xi32>
    %select_n3A_420 = arith.select %eq3A_417, %add3A_415, %broadcast_in_dim3A_419 : vector<128x1280xi1>, vector<128x1280xi32>
    %reduce_sum3A_421 = arith.constant dense<0> : vector<1280xi32>
    %reduce_sum3A_422 = vector.multi_reduction <add>, %select_n3A_420, %reduce_sum3A_421 [0] : vector<128x1280xi32> to vector<1280xi32>
    %broadcast_in_dim3A_423 = vector.shape_cast %reduce_sum3A_422 : vector<1280xi32> to vector<1x1280xi32>
    %add3A_424 = arith.addi %add3A_410, %broadcast_in_dim3A_423 : vector<1x1280xi32>
    %slice3A_425 = vector.extract_strided_slice %slice3A_337 {offsets = [768, 0], sizes = [128, 1], strides = [1, 1]} : vector<2048x1xi32> to vector<128x1xi32>
    %iota3A_426 = tpu.iota {dimensions = array<i32: 0>} : vector<128x1280xi32>
    %add3A_427 = arith.constant 768 : i32
    %add3A_428 = vector.broadcast %add3A_427 : i32 to vector<128x1280xi32>
    %add3A_429 = arith.addi %iota3A_426, %add3A_428 : vector<128x1280xi32>
    %eq3A_430 = vector.broadcast %slice3A_425 : vector<128x1xi32> to vector<128x1280xi32>
    %eq3A_431 = arith.cmpi eq, %eq3A_430, %iota3A_338 : vector<128x1280xi32>
    %jit3A_432 = arith.constant 0 : i32
    %broadcast_in_dim3A_433 = vector.broadcast %jit3A_432 : i32 to vector<128x1280xi32>
    %select_n3A_434 = arith.select %eq3A_431, %add3A_429, %broadcast_in_dim3A_433 : vector<128x1280xi1>, vector<128x1280xi32>
    %reduce_sum3A_435 = arith.constant dense<0> : vector<1280xi32>
    %reduce_sum3A_436 = vector.multi_reduction <add>, %select_n3A_434, %reduce_sum3A_435 [0] : vector<128x1280xi32> to vector<1280xi32>
    %broadcast_in_dim3A_437 = vector.shape_cast %reduce_sum3A_436 : vector<1280xi32> to vector<1x1280xi32>
    %add3A_438 = arith.addi %add3A_424, %broadcast_in_dim3A_437 : vector<1x1280xi32>
    %slice3A_439 = vector.extract_strided_slice %slice3A_337 {offsets = [896, 0], sizes = [128, 1], strides = [1, 1]} : vector<2048x1xi32> to vector<128x1xi32>
    %iota3A_440 = tpu.iota {dimensions = array<i32: 0>} : vector<128x1280xi32>
    %add3A_441 = arith.constant 896 : i32
    %add3A_442 = vector.broadcast %add3A_441 : i32 to vector<128x1280xi32>
    %add3A_443 = arith.addi %iota3A_440, %add3A_442 : vector<128x1280xi32>
    %eq3A_444 = vector.broadcast %slice3A_439 : vector<128x1xi32> to vector<128x1280xi32>
    %eq3A_445 = arith.cmpi eq, %eq3A_444, %iota3A_338 : vector<128x1280xi32>
    %jit3A_446 = arith.constant 0 : i32
    %broadcast_in_dim3A_447 = vector.broadcast %jit3A_446 : i32 to vector<128x1280xi32>
    %select_n3A_448 = arith.select %eq3A_445, %add3A_443, %broadcast_in_dim3A_447 : vector<128x1280xi1>, vector<128x1280xi32>
    %reduce_sum3A_449 = arith.constant dense<0> : vector<1280xi32>
    %reduce_sum3A_450 = vector.multi_reduction <add>, %select_n3A_448, %reduce_sum3A_449 [0] : vector<128x1280xi32> to vector<1280xi32>
    %broadcast_in_dim3A_451 = vector.shape_cast %reduce_sum3A_450 : vector<1280xi32> to vector<1x1280xi32>
    %add3A_452 = arith.addi %add3A_438, %broadcast_in_dim3A_451 : vector<1x1280xi32>
    %slice3A_453 = vector.extract_strided_slice %slice3A_337 {offsets = [1024, 0], sizes = [128, 1], strides = [1, 1]} : vector<2048x1xi32> to vector<128x1xi32>
    %iota3A_454 = tpu.iota {dimensions = array<i32: 0>} : vector<128x1280xi32>
    %add3A_455 = arith.constant 1024 : i32
    %add3A_456 = vector.broadcast %add3A_455 : i32 to vector<128x1280xi32>
    %add3A_457 = arith.addi %iota3A_454, %add3A_456 : vector<128x1280xi32>
    %eq3A_458 = vector.broadcast %slice3A_453 : vector<128x1xi32> to vector<128x1280xi32>
    %eq3A_459 = arith.cmpi eq, %eq3A_458, %iota3A_338 : vector<128x1280xi32>
    %jit3A_460 = arith.constant 0 : i32
    %broadcast_in_dim3A_461 = vector.broadcast %jit3A_460 : i32 to vector<128x1280xi32>
    %select_n3A_462 = arith.select %eq3A_459, %add3A_457, %broadcast_in_dim3A_461 : vector<128x1280xi1>, vector<128x1280xi32>
    %reduce_sum3A_463 = arith.constant dense<0> : vector<1280xi32>
    %reduce_sum3A_464 = vector.multi_reduction <add>, %select_n3A_462, %reduce_sum3A_463 [0] : vector<128x1280xi32> to vector<1280xi32>
    %broadcast_in_dim3A_465 = vector.shape_cast %reduce_sum3A_464 : vector<1280xi32> to vector<1x1280xi32>
    %add3A_466 = arith.addi %add3A_452, %broadcast_in_dim3A_465 : vector<1x1280xi32>
    %slice3A_467 = vector.extract_strided_slice %slice3A_337 {offsets = [1152, 0], sizes = [128, 1], strides = [1, 1]} : vector<2048x1xi32> to vector<128x1xi32>
    %iota3A_468 = tpu.iota {dimensions = array<i32: 0>} : vector<128x1280xi32>
    %add3A_469 = arith.constant 1152 : i32
    %add3A_470 = vector.broadcast %add3A_469 : i32 to vector<128x1280xi32>
    %add3A_471 = arith.addi %iota3A_468, %add3A_470 : vector<128x1280xi32>
    %eq3A_472 = vector.broadcast %slice3A_467 : vector<128x1xi32> to vector<128x1280xi32>
    %eq3A_473 = arith.cmpi eq, %eq3A_472, %iota3A_338 : vector<128x1280xi32>
    %jit3A_474 = arith.constant 0 : i32
    %broadcast_in_dim3A_475 = vector.broadcast %jit3A_474 : i32 to vector<128x1280xi32>
    %select_n3A_476 = arith.select %eq3A_473, %add3A_471, %broadcast_in_dim3A_475 : vector<128x1280xi1>, vector<128x1280xi32>
    %reduce_sum3A_477 = arith.constant dense<0> : vector<1280xi32>
    %reduce_sum3A_478 = vector.multi_reduction <add>, %select_n3A_476, %reduce_sum3A_477 [0] : vector<128x1280xi32> to vector<1280xi32>
    %broadcast_in_dim3A_479 = vector.shape_cast %reduce_sum3A_478 : vector<1280xi32> to vector<1x1280xi32>
    %add3A_480 = arith.addi %add3A_466, %broadcast_in_dim3A_479 : vector<1x1280xi32>
    %slice3A_481 = vector.extract_strided_slice %slice3A_337 {offsets = [1280, 0], sizes = [128, 1], strides = [1, 1]} : vector<2048x1xi32> to vector<128x1xi32>
    %iota3A_482 = tpu.iota {dimensions = array<i32: 0>} : vector<128x1280xi32>
    %add3A_483 = arith.constant 1280 : i32
    %add3A_484 = vector.broadcast %add3A_483 : i32 to vector<128x1280xi32>
    %add3A_485 = arith.addi %iota3A_482, %add3A_484 : vector<128x1280xi32>
    %eq3A_486 = vector.broadcast %slice3A_481 : vector<128x1xi32> to vector<128x1280xi32>
    %eq3A_487 = arith.cmpi eq, %eq3A_486, %iota3A_338 : vector<128x1280xi32>
    %jit3A_488 = arith.constant 0 : i32
    %broadcast_in_dim3A_489 = vector.broadcast %jit3A_488 : i32 to vector<128x1280xi32>
    %select_n3A_490 = arith.select %eq3A_487, %add3A_485, %broadcast_in_dim3A_489 : vector<128x1280xi1>, vector<128x1280xi32>
    %reduce_sum3A_491 = arith.constant dense<0> : vector<1280xi32>
    %reduce_sum3A_492 = vector.multi_reduction <add>, %select_n3A_490, %reduce_sum3A_491 [0] : vector<128x1280xi32> to vector<1280xi32>
    %broadcast_in_dim3A_493 = vector.shape_cast %reduce_sum3A_492 : vector<1280xi32> to vector<1x1280xi32>
    %add3A_494 = arith.addi %add3A_480, %broadcast_in_dim3A_493 : vector<1x1280xi32>
    %slice3A_495 = vector.extract_strided_slice %slice3A_337 {offsets = [1408, 0], sizes = [128, 1], strides = [1, 1]} : vector<2048x1xi32> to vector<128x1xi32>
    %iota3A_496 = tpu.iota {dimensions = array<i32: 0>} : vector<128x1280xi32>
    %add3A_497 = arith.constant 1408 : i32
    %add3A_498 = vector.broadcast %add3A_497 : i32 to vector<128x1280xi32>
    %add3A_499 = arith.addi %iota3A_496, %add3A_498 : vector<128x1280xi32>
    %eq3A_500 = vector.broadcast %slice3A_495 : vector<128x1xi32> to vector<128x1280xi32>
    %eq3A_501 = arith.cmpi eq, %eq3A_500, %iota3A_338 : vector<128x1280xi32>
    %jit3A_502 = arith.constant 0 : i32
    %broadcast_in_dim3A_503 = vector.broadcast %jit3A_502 : i32 to vector<128x1280xi32>
    %select_n3A_504 = arith.select %eq3A_501, %add3A_499, %broadcast_in_dim3A_503 : vector<128x1280xi1>, vector<128x1280xi32>
    %reduce_sum3A_505 = arith.constant dense<0> : vector<1280xi32>
    %reduce_sum3A_506 = vector.multi_reduction <add>, %select_n3A_504, %reduce_sum3A_505 [0] : vector<128x1280xi32> to vector<1280xi32>
    %broadcast_in_dim3A_507 = vector.shape_cast %reduce_sum3A_506 : vector<1280xi32> to vector<1x1280xi32>
    %add3A_508 = arith.addi %add3A_494, %broadcast_in_dim3A_507 : vector<1x1280xi32>
    %slice3A_509 = vector.extract_strided_slice %slice3A_337 {offsets = [1536, 0], sizes = [128, 1], strides = [1, 1]} : vector<2048x1xi32> to vector<128x1xi32>
    %iota3A_510 = tpu.iota {dimensions = array<i32: 0>} : vector<128x1280xi32>
    %add3A_511 = arith.constant 1536 : i32
    %add3A_512 = vector.broadcast %add3A_511 : i32 to vector<128x1280xi32>
    %add3A_513 = arith.addi %iota3A_510, %add3A_512 : vector<128x1280xi32>
    %eq3A_514 = vector.broadcast %slice3A_509 : vector<128x1xi32> to vector<128x1280xi32>
    %eq3A_515 = arith.cmpi eq, %eq3A_514, %iota3A_338 : vector<128x1280xi32>
    %jit3A_516 = arith.constant 0 : i32
    %broadcast_in_dim3A_517 = vector.broadcast %jit3A_516 : i32 to vector<128x1280xi32>
    %select_n3A_518 = arith.select %eq3A_515, %add3A_513, %broadcast_in_dim3A_517 : vector<128x1280xi1>, vector<128x1280xi32>
    %reduce_sum3A_519 = arith.constant dense<0> : vector<1280xi32>
    %reduce_sum3A_520 = vector.multi_reduction <add>, %select_n3A_518, %reduce_sum3A_519 [0] : vector<128x1280xi32> to vector<1280xi32>
    %broadcast_in_dim3A_521 = vector.shape_cast %reduce_sum3A_520 : vector<1280xi32> to vector<1x1280xi32>
    %add3A_522 = arith.addi %add3A_508, %broadcast_in_dim3A_521 : vector<1x1280xi32>
    %slice3A_523 = vector.extract_strided_slice %slice3A_337 {offsets = [1664, 0], sizes = [128, 1], strides = [1, 1]} : vector<2048x1xi32> to vector<128x1xi32>
    %iota3A_524 = tpu.iota {dimensions = array<i32: 0>} : vector<128x1280xi32>
    %add3A_525 = arith.constant 1664 : i32
    %add3A_526 = vector.broadcast %add3A_525 : i32 to vector<128x1280xi32>
    %add3A_527 = arith.addi %iota3A_524, %add3A_526 : vector<128x1280xi32>
    %eq3A_528 = vector.broadcast %slice3A_523 : vector<128x1xi32> to vector<128x1280xi32>
    %eq3A_529 = arith.cmpi eq, %eq3A_528, %iota3A_338 : vector<128x1280xi32>
    %jit3A_530 = arith.constant 0 : i32
    %broadcast_in_dim3A_531 = vector.broadcast %jit3A_530 : i32 to vector<128x1280xi32>
    %select_n3A_532 = arith.select %eq3A_529, %add3A_527, %broadcast_in_dim3A_531 : vector<128x1280xi1>, vector<128x1280xi32>
    %reduce_sum3A_533 = arith.constant dense<0> : vector<1280xi32>
    %reduce_sum3A_534 = vector.multi_reduction <add>, %select_n3A_532, %reduce_sum3A_533 [0] : vector<128x1280xi32> to vector<1280xi32>
    %broadcast_in_dim3A_535 = vector.shape_cast %reduce_sum3A_534 : vector<1280xi32> to vector<1x1280xi32>
    %add3A_536 = arith.addi %add3A_522, %broadcast_in_dim3A_535 : vector<1x1280xi32>
    %slice3A_537 = vector.extract_strided_slice %slice3A_337 {offsets = [1792, 0], sizes = [128, 1], strides = [1, 1]} : vector<2048x1xi32> to vector<128x1xi32>
    %iota3A_538 = tpu.iota {dimensions = array<i32: 0>} : vector<128x1280xi32>
    %add3A_539 = arith.constant 1792 : i32
    %add3A_540 = vector.broadcast %add3A_539 : i32 to vector<128x1280xi32>
    %add3A_541 = arith.addi %iota3A_538, %add3A_540 : vector<128x1280xi32>
    %eq3A_542 = vector.broadcast %slice3A_537 : vector<128x1xi32> to vector<128x1280xi32>
    %eq3A_543 = arith.cmpi eq, %eq3A_542, %iota3A_338 : vector<128x1280xi32>
    %jit3A_544 = arith.constant 0 : i32
    %broadcast_in_dim3A_545 = vector.broadcast %jit3A_544 : i32 to vector<128x1280xi32>
    %select_n3A_546 = arith.select %eq3A_543, %add3A_541, %broadcast_in_dim3A_545 : vector<128x1280xi1>, vector<128x1280xi32>
    %reduce_sum3A_547 = arith.constant dense<0> : vector<1280xi32>
    %reduce_sum3A_548 = vector.multi_reduction <add>, %select_n3A_546, %reduce_sum3A_547 [0] : vector<128x1280xi32> to vector<1280xi32>
    %broadcast_in_dim3A_549 = vector.shape_cast %reduce_sum3A_548 : vector<1280xi32> to vector<1x1280xi32>
    %add3A_550 = arith.addi %add3A_536, %broadcast_in_dim3A_549 : vector<1x1280xi32>
    %slice3A_551 = vector.extract_strided_slice %slice3A_337 {offsets = [1920, 0], sizes = [128, 1], strides = [1, 1]} : vector<2048x1xi32> to vector<128x1xi32>
    %iota3A_552 = tpu.iota {dimensions = array<i32: 0>} : vector<128x1280xi32>
    %add3A_553 = arith.constant 1920 : i32
    %add3A_554 = vector.broadcast %add3A_553 : i32 to vector<128x1280xi32>
    %add3A_555 = arith.addi %iota3A_552, %add3A_554 : vector<128x1280xi32>
    %eq3A_556 = vector.broadcast %slice3A_551 : vector<128x1xi32> to vector<128x1280xi32>
    %eq3A_557 = arith.cmpi eq, %eq3A_556, %iota3A_338 : vector<128x1280xi32>
    %jit3A_558 = arith.constant 0 : i32
    %broadcast_in_dim3A_559 = vector.broadcast %jit3A_558 : i32 to vector<128x1280xi32>
    %select_n3A_560 = arith.select %eq3A_557, %add3A_555, %broadcast_in_dim3A_559 : vector<128x1280xi1>, vector<128x1280xi32>
    %reduce_sum3A_561 = arith.constant dense<0> : vector<1280xi32>
    %reduce_sum3A_562 = vector.multi_reduction <add>, %select_n3A_560, %reduce_sum3A_561 [0] : vector<128x1280xi32> to vector<1280xi32>
    %broadcast_in_dim3A_563 = vector.shape_cast %reduce_sum3A_562 : vector<1280xi32> to vector<1x1280xi32>
    %add3A_564 = arith.addi %add3A_550, %broadcast_in_dim3A_563 : vector<1x1280xi32>
    %sub3A = arith.constant 1 : i32
    %sub3A_565 = vector.broadcast %sub3A : i32 to vector<1x1280xi32>
    %sub3A_566 = arith.subi %add3A_564, %sub3A_565 : vector<1x1280xi32>
    %slice3A_567 = vector.extract_strided_slice %sub3A_566 {offsets = [0, 0], sizes = [1, 1228], strides = [1, 1]} : vector<1x1280xi32> to vector<1x1228xi32>
    %swap3A = arith.constant 0 : index
    %swap3A_568 = arith.constant 0 : index
    %swap3A_569 = vector.load %arg2[%swap3A, %swap3A_568] : memref<1x1228xi32, #tpu.memory_space<vmem>>, vector<1x1228xi32>
    tpu.vector_store %arg2[%swap3A, %swap3A_568], %slice3A_567 {strides = array<i32>} : memref<1x1228xi32, #tpu.memory_space<vmem>>, vector<1x1228xi32>,
    %iota3A_570 = tpu.iota {dimensions = array<i32: 1>} : vector<1x1280xi32>
    %eq3A_571 = arith.constant 0 : i32
    %eq3A_572 = vector.broadcast %eq3A_571 : i32 to vector<1x1280xi32>
    %eq3A_573 = arith.cmpi eq, %iota3A_570, %eq3A_572 : vector<1x1280xi32>
    %roll3A = arith.constant 1 : i32
    %roll3A_574 = tpu.dynamic_rotate %add3A_564 by %roll3A dim 1 : vector<1x1280xi32>, i32 -> vector<1x1280xi32>
    %jit3A_575 = arith.constant 0 : i32
    %broadcast_in_dim3A_576 = vector.broadcast %jit3A_575 : i32 to vector<1x1280xi32>
    %select_n3A_577 = arith.select %eq3A_573, %broadcast_in_dim3A_576, %roll3A_574 : vector<1x1280xi1>, vector<1x1280xi32>
    %reshape3A = vector.shape_cast %select_n3A_577 : vector<1x1280xi32> to vector<1280xi32>
    %swap3A_578 = arith.constant 0 : index
    %swap3A_579 = vector.load %arg3[%swap3A_578] : memref<1280xi32, #tpu.memory_space<vmem>>, vector<1280xi32>
    tpu.vector_store %arg3[%swap3A_578], %reshape3A {strides = array<i32>} : memref<1280xi32, #tpu.memory_space<vmem>>, vector<1280xi32>,
    return
  }
  func.func @transform_0(%arg0: i32) -> (i32, i32, i32, i32) {
    %c0_i32 = arith.constant 0 : i32
    %c0_i32_0 = arith.constant 0 : i32
    %c0_i32_1 = arith.constant 0 : i32
    %c0_i32_2 = arith.constant 0 : i32
    %c0_i32_3 = arith.constant 0 : i32
    return %c0_i32, %c0_i32_0, %c0_i32_1, %c0_i32_2 : i32, i32, i32, i32
  }
  func.func @transform_1(%arg0: i32) -> (i32, i32) {
    %c0_i32 = arith.constant 0 : i32
    %c0_i32_0 = arith.constant 0 : i32
    %c0_i32_1 = arith.constant 0 : i32
    return %c0_i32, %c0_i32_0 : i32, i32
  }
  func.func @transform_2(%arg0: i32) -> i32 {
    %c0_i32 = arith.constant 0 : i32
    %c0_i32_0 = arith.constant 0 : i32
    return %c0_i32 : i32
  }
}

</mosaic_0001>

<sc_bundles>
// kernel: kernel.4.cloned.1.call-start
scs
__scs_entry_jumppad:
0x0: {  	(pc) =	sbr.rel $0x88, $3  }
0x1: {  	(tag) =	ssettag $0x0;
	lr =	simm.s32 $0x1  }
0x2: {  	[smem:$0x3F9F] =	sst lr;
	_ =	strace $0xD0000000  }
0x3: {  	_ = 	snop  }
0x4: {  	_ = 	snop  }
0x5: {  	_ = 	snop  }
0x6: {  	_ = 	snop  }
0x7: {  	_ = 	snop  }
__scs_overlays_trampoline_lowered:
0x8: {  	[smem:$0x3FAE] =	sst s0  }
0x9: {  	[smem:$0x3FAF] =	sst s1  }
0xa: {  	[smem:$0x3FB0] =	sst s2  }
0xb: {  	[smem:$0x3FB1] =	sst s3  }
0xc: {  	[smem:$0x3FB2] =	sst s4  }
0xd: {  	[smem:$0x3FB3] =	sst s5  }
0xe: {  	[smem:$0x3FB4] =	sst s6  }
0xf: {  	[smem:$0x3FB5] =	sst s7  }
0x10: {  	[smem:$0x3FB6] =	sst s8  }
0x11: {  	[smem:$0x3FB7] =	sst s9;
	s0 =	simm.s32 @!p0 $0x0  }
0x12: {  	s1 =	sld [smem:$0x3F9D];
	s0 =	simm.s32 @p0 $0x1  }
0x13: {  	[smem:$0x3FB8] =	sst s0;
	s0 =	simm.s32 @!p1 $0x0  }
0x14: {  	s2 =	sld [smem:$0x3F9C];
	s0 =	simm.s32 @p1 $0x1  }
0x15: {  	[smem:$0x3FB9] =	sst s0;
	s0 =	simm.s32 @!p2 $0x0  }
0x16: {  	s3 =	sld [smem:$0x3FDB];
	s0 =	simm.s32 @p2 $0x1  }
0x17: {  	s4 =	simm.s32 $0x1BF5;
	[smem:$0x3FBB] =	sst s0  }
0x18: {  	s0 =	sld [smem:$0x3F9E];
	_ =	swait.ge [sflag:s4], $0x0  }
0x19: {  	s7 =	sld [smem:$0x3F9F]  }
0x1a: {  	s8 =	sadd.s32 $0xFFFFE003, lr  }
0x1b: {  	s9 =	sadd.s32 $0xFFFFFEF7, lr;
	s5 =	simm.s32 $0xFFFFFFFF;
	p2 =	slt.u32 s8, $0xFFFFF086  }
0x1c: {  	p1 =	slt.u32 s9, $0xF7A;
	s5 =	simm.s32 @!p2 $0x0  }
0x1d: {  	s5 =	simm.s32 @p1 $0x1;
	p0 =	seq.s32 s7, s2  }
0x1e: {  	s7 =	smul.u32 @!p0 $0xF7A, s2;
	p2 =	seq.s32 @!p0 s5, $0x0  }
0x1f: {  	s9 =	smul.u32 $0xF7A, s1;
	s8 =	simm.s32 @!p0 $0x1BF5;
	p2 =	por !p2, p0  }
0x20: {  	[sflag:s8] =	ssyncset.s32 @!p0 $0xFFFFF086;
	s6 =	sadd.s32 @!p0 s3, s7;
	s7 =	simm.s32 @!p0 $0x108  }
0x21: {  	s3 =	sadd.s32 s3, s9;
	s6 =	sadd.s32 @!p0 $0x88, s6;
	s7 =	simm.s32 @p2 $0x1082  }
0x22: {  	[simem:s7], [sflag:s8] =	dma.local @!p0 [hbm:s6], $0xF7A  }
0x23: {  	s9 =	sor.u32 $0xD0000000, s2;
	s6 =	simm.s32 $0x108;
	_ =	swait.ge @!p0 [sflag:s8], $0x0  }
0x24: {  	s3 =	sadd.s32 $0x88, s3;
	s6 =	simm.s32 @!p1 $0x1082;
	[sflag:s4] =	ssyncset.s32 $0xFFFFF086  }
0x25: {  	[simem:s6], [sflag:s4] =	dma.local [hbm:s3], $0xF7A  }
0x26: {  	[smem:$0x3F9F] =	sst s1;
	(tag) =	ssettag s2;
	_ =	strace s9  }
0x27: {  	s1 =	sld [smem:$0x3FAF]  }
0x28: {  	s2 =	sld [smem:$0x3FB0]  }
0x29: {  	s4 =	sld [smem:$0x3FB2]  }
0x2a: {  	p0 =	seq.s32 s5, $0x0;
	s5 =	sld [smem:$0x3FB3]  }
0x2b: {  	s6 =	sld [smem:$0x3FB4]  }
0x2c: {  	s7 =	sld [smem:$0x3FB5]  }
0x2d: {  	s3 =	simm.s32 $0x108;
	s8 =	sld [smem:$0x3FB6]  }
0x2e: {  	s3 =	simm.s32 @!p0 $0x1082;
	s9 =	sld [smem:$0x3FB7]  }
0x2f: {  	lr =	sadd.s32 s0, s3;
	s0 =	sld [smem:$0x3FAE]  }
0x30: {  	s3 =	sld [smem:$0x3FB1]  }
0x31: {  	[smem:$0x3FBA] =	sst s10  }
0x32: {  	s10 =	sld [smem:$0x3FB8];
	_ =	sdelay $0x3  }
0x33: {  	p0 =	seq.s32 s10, $0x1;
	s10 =	sld [smem:$0x3FBA];
	_ =	sdelay $0x3  }
0x34: {  	[smem:$0x3FBA] =	sst s10  }
0x35: {  	s10 =	sld [smem:$0x3FB9];
	_ =	sdelay $0x3  }
0x36: {  	p1 =	seq.s32 s10, $0x1;
	s10 =	sld [smem:$0x3FBA];
	_ =	sdelay $0x3  }
0x37: {  	[smem:$0x3FBA] =	sst s10  }
0x38: {  	s10 =	sld [smem:$0x3FBB]  }
0x39: {  	_ = 	snop;
	(pc) =	sbr.ind lr, $3  }
0x3a: {  	_ = 	snop  }
0x3b: {  	_ = 	snop  }
0x3c: {  	p2 =	seq.s32 s10, $0x1;
	s10 =	sld [smem:$0x3FBA]  }
0x3d: {  	_ =	shalt  }
0x3e: {  	_ =	shalt  }
0x3f: {  	_ =	shalt  }
0x40: {  	_ =	shalt  }
0x41: {  	_ =	shalt  }
0x42: {  	_ =	shalt  }
0x43: {  	_ =	shalt  }
0x44: {  	_ =	shalt  }
0x45: {  	_ =	shalt  }
0x46: {  	_ =	shalt  }
0x47: {  	_ =	shalt  }
0x48: {  	_ =	shalt  }
0x49: {  	_ =	shalt  }
0x4a: {  	_ =	shalt  }
0x4b: {  	_ =	shalt  }
0x4c: {  	_ =	shalt  }
0x4d: {  	_ =	shalt  }
0x4e: {  	_ =	shalt  }
0x4f: {  	_ =	shalt  }
0x50: {  	_ =	shalt  }
0x51: {  	_ =	shalt  }
0x52: {  	_ =	shalt  }
0x53: {  	_ =	shalt  }
0x54: {  	_ =	shalt  }
0x55: {  	_ =	shalt  }
0x56: {  	_ =	shalt  }
0x57: {  	_ =	shalt  }
0x58: {  	_ =	shalt  }
0x59: {  	_ =	shalt  }
0x5a: {  	_ =	shalt  }
0x5b: {  	_ =	shalt  }
0x5c: {  	_ =	shalt  }
0x5d: {  	_ =	shalt  }
0x5e: {  	_ =	shalt  }
0x5f: {  	_ =	shalt  }
0x60: {  	_ =	shalt  }
0x61: {  	_ =	shalt  }
0x62: {  	_ =	shalt  }
0x63: {  	_ =	shalt  }
0x64: {  	_ =	shalt  }
0x65: {  	_ =	shalt  }
0x66: {  	_ =	shalt  }
0x67: {  	_ =	shalt  }
0x68: {  	_ =	shalt  }
0x69: {  	_ =	shalt  }
0x6a: {  	_ =	shalt  }
0x6b: {  	_ =	shalt  }
0x6c: {  	_ =	shalt  }
0x6d: {  	_ =	shalt  }
0x6e: {  	_ =	shalt  }
0x6f: {  	_ =	shalt  }
0x70: {  	_ =	shalt  }
0x71: {  	_ =	shalt  }
0x72: {  	_ =	shalt  }
0x73: {  	_ =	shalt  }
0x74: {  	_ =	shalt  }
0x75: {  	_ =	shalt  }
0x76: {  	_ =	shalt  }
0x77: {  	_ =	shalt  }
0x78: {  	_ =	shalt  }
0x79: {  	_ =	shalt  }
0x7a: {  	_ =	shalt  }
0x7b: {  	_ =	shalt  }
0x7c: {  	_ =	shalt  }
0x7d: {  	_ =	shalt  }
0x7e: {  	_ =	shalt  }
0x7f: {  	_ =	shalt  }
0x80: {  	_ =	shalt  }
0x81: {  	_ =	shalt  }
0x82: {  	_ =	shalt  }
0x83: {  	_ =	shalt  }
0x84: {  	_ =	shalt  }
0x85: {  	_ =	shalt  }
0x86: {  	_ =	shalt  }
0x87: {  	_ =	shalt  }
.Lfunc_end0:
.L_simem_size_0:
called_computation_lowered:
.L_overlay_start_0:
0x88: {  	s2 =	sld [smem:$0x3FD9]  }
0x89: {  	s3 =	sld [smem:$0x3FFE];
	_ =	sdelay $0x1  }
0x8a: {  	s1 =	srdreg.scid  }
0x8b: {  	s0 =	sand.u32 $0x1, s1  }
0x8c: {  	s14 =	sshll.u32 s0, $0xA;
	s2 =	sadd.s32 s3, s2  }
0x8d: {  	s2 =	sadd.s32 s2, s14  }
0x8e: {  	[smem:$0x3FC6] =	sst s2  }
0x8f: {  	_ = 	snop  }
0x90: {  	s2 =	sld [smem:$0x3FD0];
	_ =	sdelay $0x2  }
0x91: {  	s4 =	simm.s32 $0xA;
	s5 =	simm.s32 $0x10;
	s15 =	sld [smem:$0x3FC8]  }
0x92: {  	[smem:s5], [sflag:s4] =	dma.local [hbm:s2], $0x1  }
0x93: {  	_ =	swait.eq [sflag:s4], $0x1  }
0x94: {  	[sflag:s4] =	ssyncset.done $0x0  }
0x95: {  	[sflag:s4] =	ssyncadd.s32 $0xFFFFFFFF  }
0x96: {  	s16 =	sld [smem:$0x10];
	(tm) =	ssettm $0x1  }
0x97: {  	s17 =	sld [smem:$0x3FFB];
	_ =	sdelay $0x3  }
0x98: {  	_ =	strace s17  }
0x99: {  	s4 =	sld [smem:$0x3FFC];
	_ =	sdelay $0x3  }
0x9a: {  	_ =	strace s4  }
0x9b: {  	s4 =	sld [smem:$0x3FFD];
	_ =	sdelay $0x3  }
0x9c: {  	_ =	strace s4  }
0x9d: {  	_ =	strace $0x8FFFFFFF  }
0x9e: {  	s18 =	sld [smem:$0x3FDB];
	_ =	sdelay $0x1  }
0x9f: {  	s19 =	simm.s32 $_scs_section_size  }
0xa0: {  	s6 =	simm.s32 $_size__tile_overlayer_lowered;
	s7 =	simm.s32 $_tile_overlayer_lowered  }
0xa1: {  	s22 =	simm.s32 $0x1BFF;
	s21 =	sshll.u32 s7, $0x1;
	s4 =	sadd.s32 s19, s18  }
0xa2: {  	s8 =	simm.s32 $0x0;
	s20 =	sshll.u32 s6, $0x1;
	s6 =	sadd.s32 s21, s4  }
0xa3: {  	[timem:s8], [sflag:s22] =	dma.local [hbm:s6], s20  }
0xa4: {  	_ =	swait.ge [sflag:s22], s20  }
0xa5: {  	s5 =	ssub.s32 $0x0, s20;
	[sflag:s22] =	ssyncset.done $0x0  }
0xa6: {  	[sflag:s22] =	ssyncadd.s32 s5;
	_ =	sdelay $0x1  }
0xa7: {  	s23 =	simm.s32 $0x1B8B  }
0xa8: {  	_ =	swait.ge [sflag:s23], $0x1  }
0xa9: {  	[sflag:s23] =	ssyncset.done $0x0  }
0xaa: {  	s25 =	simm.s32 $0x1B8E;
	s24 =	sld [smem:$0x3FFE];
	[sflag:s23] =	ssyncadd.s32 $0xFFFFFFFF  }
0xab: {  	s26 =	simm.s32 $execute0_lowered;
	[smem:$0x3FD2] =	sst s25  }
0xac: {  	s6 =	sshll.u32 s26, $0x1;
	_ =	strace $0x80000046;
	[dreg:$0x1] =	wrdreg $0xFFFFFFFF  }
0xad: {  	s28 =	simm.s32 $_size_execute0_lowered;
	s4 =	sadd.s32 s4, s6;
	[dreg:$0x0] =	wrdreg $0x0  }
0xae: {  	s6 =	sshll.u32 s28, $0x1;
	[dreg:$0x2] =	wrdreg s4  }
0xaf: {  	[dreg:$0x3] =	wrdreg s6  }
0xb0: {  	[dreg:$0x4] =	wrdreg $0xC0  }
0xb1: {  	_ =	task [dreg:s8], $0x5FFFF  }
0xb2: {  	[dreg:$0x1] =	wrdreg $0xFFFFFFFF  }
0xb3: {  	[dreg:$0x0] =	wrdreg $0x60  }
0xb4: {  	[dreg:$0x2] =	wrdreg s15  }
0xb5: {  	[dreg:$0x3] =	wrdreg s16  }
0xb6: {  	[dreg:$0x4] =	wrdreg s24  }
0xb7: {  	[dreg:$0x5] =	wrdreg $0x9  }
0xb8: {  	_ =	task.clear_ibuf [dreg:s8], $0x6FFFF;
	_ =	strace $0x90000046  }
0xb9: {  	s29 =	simm.s32 $0x9;
	_ =	strace $0x80000048  }
0xba: {  	_ =	swait.ge [sflag:s29], $0x1  }
0xbb: {  	[sflag:s29] =	ssyncadd.s32 $0xFFFFFFFF  }
0xbc: {  	_ =	strace $0x90000048  }
0xbd: {  	_ =	sfence  }
0xbe: {  	s30 =	sld [smem:$0x0];
	_ =	sdelay $0x2  }
0xbf: {  	s31 =	sshll.u32 s1, $0xD;
	s1 =	sshrl.u32 s1, $0x2  }
0xc0: {  	s3 =	sand.u32 $0x4000, s31;
	s1 =	sadd.s32 s1, s30  }
0xc1: {  	s0 =	sor.u32 s3, s0;
	s1 =	sshll.u32 s1, $0x11  }
0xc2: {  	s0 =	sor.u32 s1, s0  }
0xc3: {  	s0 =	sadd.s32 $0x8F2B, s0  }
0xc4: {  	[sflag:s0] =	ssyncadd.remote.s32 $0x1  }
0xc5: {  	_ =	sfence.sel $0xFFFF  }
0xc6: {  	[dreg:$0x0] =	wrdreg $0xFFFFFFFF;
	(pc) =	sbr.abs _section_cstart, $3  }
0xc7: {  	[dreg:$0x1] =	wrdreg $0xFFFFFFFF  }
0xc8: {  	_ =	task.clear_ibuf [dreg:s8], $0x2FFFF;
	_ =	strace $0x9FFFFFFF  }
0xc9: {  	(tm) =	ssettm $0x7FFFFFFF  }
tec
execute0_lowered:
.L_overlay_start_1:
0x0: {  	(tag) =	ssettag $0x1  }
0x1: {  	s1 =	rddreg [dreg:$0x0]  }
0x2: {  	s0 =	srdreg.scid;
	s2 =	rddreg [dreg:$0x1]  }
0x3: {  	s12 =	stileid.u32;
	s9 =	rddreg [dreg:$0x2]  }
0x4: {  	s25 =	simm.s32 $0x1;
	s26 =	simm.s32 $0xD900;
	s30 =	simm.s32 $0x1080  }
0x5: {  	s31 =	simm.s32 $0x1880;
	s13 =	simm.s32 $0x3880;
	s14 =	simm.s32 $0x4080  }
0x6: {  	s15 =	simm.s32 $0x4880;
	s16 =	simm.s32 $0x5080;
	s17 =	simm.s32 $0x5880  }
0x7: {  	s18 =	simm.s32 $0x6080;
	s19 =	simm.s32 $0x6880;
	s20 =	simm.s32 $0x7080  }
0x8: {  	s21 =	simm.s32 $0x0;
	s0 =	sand.u32 $0x1, s0;
	s3 =	sshll.u32 s12, $0x1  }
0x9: {  	s6 =	sadd.s32 $0x200, s1;
	s8 =	sadd.s32 $0x96, s2;
	s11 =	sor.u32 s0, s3  }
0xa: {  	p0 =	seq.s32 s12, $0xF;
	s12 =	simm.s32 $0x2;
	s4 =	smul.u32 $0xF00, s11  }
0xb: {  	s3 =	simm.s32 $0x0;
	s0 =	ssub.s32 $0x2, s0;
	s5 =	smul.u32 $0x5, s11  }
.Ltmp0:
0xc: {  	[smem:$0x7FF] =	sst s3;
	s29 =	sshrl.u32 s0, $0x1;
	(pc) =	sbr.rel .LBB2_1-.Ltmp0, $4  }
0xd: {  	p1 =	sne.s32 s11, $0x1E;
	s11 =	simm.s32 $0x3080;
	_ =	strace $0x80000047  }
0xe: {  	v2 =	vlaneseq.u32;
	s0 =	ssub.s32 s0, s29;
	s7 =	sadd.s32 s4, s9;
	s4 =	sadd.s32 s2, s5  }
0xf: {  	vm0 =	vmmov $0xffff;
	v1 =	vshrl.u32 v2, $0x3;
	s5 =	sadd.s32 $0x100, s1;
	s9 =	sadd.s32 $0x1CA00, s9;
	s10 =	smax.u32 s0, $0x1  }
0x10: {  	v0 =	vand.u32 $0x7, v2;
	v2 =	vor.u32 $0x8, v2;
	v1 =	vmul.u32 $0x8, v1;
	s2 =	simm.s32 $0x2080;
	s0 =	simm.s32 $0x2880;
	s7 =	sadd.s32 $0x800, s7  }
.LBB2_8:
0x11: {  	s24 =	smul.u32 $0x6000, s28  }
0x12: {  	s22 =	sadd.s32 $0x80, s22  }
0x13: {  	s22 =	sand.u32 $0x380, s22;
	s24 =	sshra.s32 s24, $0x2  }
0x14: {  	[tilespmem:s23+$0x170] =	vst v3;
	s22 =	sor.u32 s22, s24  }
0x15: {  	v3 =	vld [tilespmem:s22+$0x7900];
	_ =	sdelay $0x3  }
0x16: {  	s29 =	sadd.s32 $0x300, s23  }
0x17: {  	[tilespmem:s29+$0xFFFFFE80] =	vst v3  }
0x18: {  	v3 =	vld [tilespmem:s22+$0x7910];
	_ =	sdelay $0x4  }
0x19: {  	[tilespmem:s29+$0xFFFFFE90] =	vst v3  }
0x1a: {  	v3 =	vld [tilespmem:s22+$0x7920];
	_ =	sdelay $0x4  }
0x1b: {  	[tilespmem:s29+$0xFFFFFEA0] =	vst v3  }
0x1c: {  	v3 =	vld [tilespmem:s22+$0x7930];
	_ =	sdelay $0x4  }
0x1d: {  	[tilespmem:s29+$0xFFFFFEB0] =	vst v3  }
0x1e: {  	v3 =	vld [tilespmem:s22+$0x7940];
	_ =	sdelay $0x4  }
0x1f: {  	[tilespmem:s29+$0xFFFFFEC0] =	vst v3  }
0x20: {  	v3 =	vld [tilespmem:s22+$0x7950];
	_ =	sdelay $0x4  }
0x21: {  	[tilespmem:s29+$0xFFFFFED0] =	vst v3  }
0x22: {  	v3 =	vld [tilespmem:s22+$0x7960];
	_ =	sdelay $0x4  }
0x23: {  	[tilespmem:s29+$0xFFFFFEE0] =	vst v3  }
0x24: {  	v3 =	vld [tilespmem:s22+$0x7970];
	_ =	sdelay $0x4  }
0x25: {  	[tilespmem:s29+$0xFFFFFEF0] =	vst v3  }
0x26: {  	v3 =	vld [tilespmem:s22+$0x7D00];
	_ =	sdelay $0x4  }
0x27: {  	[tilespmem:s29+$0xFFFFFF00] =	vst v3  }
0x28: {  	v3 =	vld [tilespmem:s22+$0x7D10];
	_ =	sdelay $0x4  }
0x29: {  	[tilespmem:s29+$0xFFFFFF10] =	vst v3  }
0x2a: {  	v3 =	vld [tilespmem:s22+$0x7D20];
	_ =	sdelay $0x4  }
0x2b: {  	[tilespmem:s29+$0xFFFFFF20] =	vst v3  }
0x2c: {  	v3 =	vld [tilespmem:s22+$0x7D30];
	_ =	sdelay $0x4  }
0x2d: {  	[tilespmem:s29+$0xFFFFFF30] =	vst v3  }
0x2e: {  	v3 =	vld [tilespmem:s22+$0x7D40];
	_ =	sdelay $0x4  }
0x2f: {  	[tilespmem:s29+$0xFFFFFF40] =	vst v3  }
0x30: {  	v3 =	vld [tilespmem:s22+$0x7D50];
	_ =	sdelay $0x4  }
0x31: {  	[tilespmem:s29+$0xFFFFFF50] =	vst v3  }
0x32: {  	v3 =	vld [tilespmem:s22+$0x7D60];
	_ =	sdelay $0x4  }
0x33: {  	[tilespmem:s29+$0xFFFFFF60] =	vst v3  }
0x34: {  	v3 =	vld [tilespmem:s22+$0x7D70];
	_ =	sdelay $0x4  }
0x35: {  	[tilespmem:s29+$0xFFFFFF70] =	vst v3  }
0x36: {  	v3 =	vld [tilespmem:s22+$0x8100];
	_ =	sdelay $0x4  }
0x37: {  	[tilespmem:s29+$0xFFFFFF80] =	vst v3  }
0x38: {  	v3 =	vld [tilespmem:s22+$0x8110];
	_ =	sdelay $0x4  }
0x39: {  	[tilespmem:s29+$0xFFFFFF90] =	vst v3  }
0x3a: {  	v3 =	vld [tilespmem:s22+$0x8120];
	_ =	sdelay $0x4  }
0x3b: {  	[tilespmem:s29+$0xFFFFFFA0] =	vst v3  }
0x3c: {  	v3 =	vld [tilespmem:s22+$0x8130];
	_ =	sdelay $0x4  }
0x3d: {  	[tilespmem:s29+$0xFFFFFFB0] =	vst v3  }
0x3e: {  	v3 =	vld [tilespmem:s22+$0x8140];
	_ =	sdelay $0x4  }
0x3f: {  	[tilespmem:s29+$0xFFFFFFC0] =	vst v3  }
0x40: {  	v3 =	vld [tilespmem:s22+$0x8150];
	_ =	sdelay $0x4  }
0x41: {  	[tilespmem:s29+$0xFFFFFFD0] =	vst v3  }
0x42: {  	v3 =	vld [tilespmem:s22+$0x8160];
	_ =	sdelay $0x4  }
0x43: {  	[tilespmem:s29+$0xFFFFFFE0] =	vst v3  }
0x44: {  	v3 =	vld [tilespmem:s22+$0x8170];
	_ =	sdelay $0x4  }
0x45: {  	[tilespmem:s29+$0xFFFFFFF0] =	vst v3  }
0x46: {  	v3 =	vld [tilespmem:s22+$0x8500];
	_ =	sdelay $0x4  }
0x47: {  	[tilespmem:s29+$0x0] =	vst v3  }
0x48: {  	v3 =	vld [tilespmem:s22+$0x8510];
	_ =	sdelay $0x4  }
0x49: {  	[tilespmem:s29+$0x10] =	vst v3  }
0x4a: {  	v3 =	vld [tilespmem:s22+$0x8520];
	_ =	sdelay $0x4  }
0x4b: {  	[tilespmem:s29+$0x20] =	vst v3  }
0x4c: {  	v3 =	vld [tilespmem:s22+$0x8530];
	_ =	sdelay $0x4  }
0x4d: {  	[tilespmem:s29+$0x30] =	vst v3  }
0x4e: {  	v3 =	vld [tilespmem:s22+$0x8540];
	_ =	sdelay $0x4  }
0x4f: {  	[tilespmem:s29+$0x40] =	vst v3  }
0x50: {  	v3 =	vld [tilespmem:s22+$0x8550];
	_ =	sdelay $0x4  }
0x51: {  	[tilespmem:s29+$0x50] =	vst v3  }
0x52: {  	v3 =	vld [tilespmem:s22+$0x8560];
	_ =	sdelay $0x4  }
0x53: {  	[tilespmem:s29+$0x60] =	vst v3  }
0x54: {  	v3 =	vld [tilespmem:s22+$0x8570];
	_ =	sdelay $0x4  }
0x55: {  	[tilespmem:s29+$0x70] =	vst v3  }
0x56: {  	v3 =	vld [tilespmem:s22+$0x8900];
	_ =	sdelay $0x4  }
0x57: {  	[tilespmem:s29+$0x80] =	vst v3  }
0x58: {  	v3 =	vld [tilespmem:s22+$0x8910];
	_ =	sdelay $0x4  }
0x59: {  	[tilespmem:s29+$0x90] =	vst v3  }
0x5a: {  	v3 =	vld [tilespmem:s22+$0x8920];
	_ =	sdelay $0x4  }
0x5b: {  	[tilespmem:s29+$0xA0] =	vst v3  }
0x5c: {  	v3 =	vld [tilespmem:s22+$0x8930];
	_ =	sdelay $0x4  }
0x5d: {  	[tilespmem:s29+$0xB0] =	vst v3  }
0x5e: {  	v3 =	vld [tilespmem:s22+$0x8940];
	_ =	sdelay $0x4  }
0x5f: {  	[tilespmem:s29+$0xC0] =	vst v3  }
0x60: {  	v3 =	vld [tilespmem:s22+$0x8950];
	_ =	sdelay $0x4  }
0x61: {  	[tilespmem:s29+$0xD0] =	vst v3  }
0x62: {  	v3 =	vld [tilespmem:s22+$0x8960];
	_ =	sdelay $0x4  }
0x63: {  	[tilespmem:s29+$0xE0] =	vst v3  }
0x64: {  	v3 =	vld [tilespmem:s22+$0x8970];
	_ =	sdelay $0x4  }
0x65: {  	[tilespmem:s29+$0xF0] =	vst v3  }
0x66: {  	v3 =	vld [tilespmem:s22+$0x8D00];
	_ =	sdelay $0x4  }
0x67: {  	[tilespmem:s29+$0x100] =	vst v3  }
0x68: {  	v3 =	vld [tilespmem:s22+$0x8D10];
	_ =	sdelay $0x4  }
0x69: {  	[tilespmem:s29+$0x110] =	vst v3  }
0x6a: {  	v3 =	vld [tilespmem:s22+$0x8D20];
	_ =	sdelay $0x4  }
0x6b: {  	[tilespmem:s29+$0x120] =	vst v3  }
0x6c: {  	v3 =	vld [tilespmem:s22+$0x8D30];
	_ =	sdelay $0x4  }
0x6d: {  	[tilespmem:s29+$0x130] =	vst v3  }
0x6e: {  	v3 =	vld [tilespmem:s22+$0x8D40];
	_ =	sdelay $0x4  }
0x6f: {  	[tilespmem:s29+$0x140] =	vst v3  }
0x70: {  	v3 =	vld [tilespmem:s22+$0x8D50];
	_ =	sdelay $0x4  }
0x71: {  	[tilespmem:s29+$0x150] =	vst v3  }
0x72: {  	v3 =	vld [tilespmem:s22+$0x8D60];
	_ =	sdelay $0x4  }
0x73: {  	[tilespmem:s29+$0x160] =	vst v3  }
0x74: {  	v3 =	vld [tilespmem:s22+$0x8D70];
	_ =	sdelay $0x4  }
0x75: {  	[tilespmem:s29+$0x170] =	vst v3  }
0x76: {  	[hbm4b:s9+s3] =	stream.linear.scatter [tilespmem:s26], [sflag:$0x2], $0x5700, $0x38;
	[tilespmem:$0x15100] =	vst v63  }
0x77: {  	_ =	swait.ge [sflag:s12], $0x5700  }
0x78: {  	[sflag:s12] =	ssyncset.done $0x0  }
0x79: {  	[sflag:s12] =	ssyncadd.s32 $0xFFFFA900  }
.LBB2_9:
0x7a: {  	s21 =	sadd.s32 $0x1, s21  }
0x7b: {  	p2 =	sne.s32 s21, s10  }
.Ltmp1:
0x7c: {  	_ = 	snop;
	(pc) =	sbr.rel @!p2 .LBB2_10-.Ltmp1, $1  }
0x7d: {  	_ =	sdelay $0x3  }
.LBB2_1:
.Ltmp2:
0x7e: {  	(pc) =	sbr.rel @p0 .LBB2_5-.Ltmp2, $1  }
0x7f: {  	_ =	sdelay $0x3  }
0x80: {  	s22 =	simm.s32 $0x0  }
0x81: {  	[tilespmem:s22], [sflag:$0x2] =	stream.linear.gather [hbm4b:s4+s22], $0x28, $0x38;
	[tilespmem:$0x15100] =	vst v63  }
0x82: {  	_ =	swait.ge [sflag:s12], $0x28  }
0x83: {  	[sflag:s12] =	ssyncset.done $0x0  }
0x84: {  	[sflag:s12] =	ssyncadd.s32 $0xFFFFFFD8  }
0x85: {  	v3 =	vld [tilespmem:$0x0];
	_ =	sdelay $0x4  }
0x86: {  	v4 =	vshrl.u32 v3, $0x3  }
0x87: {  	v4 =	vmul.u32 $0x30, v4  }
0x88: {  	v3 =	vand.u32 $0x7, v3  }
0x89: {  	v3 =	vor.u32 v3, v4  }
0x8a: {  	v4 =	vperm.xlane v3, v0;
	_ =	sdelay $0x1  }
0x8b: {  	v4 =	vadd.s32 v1, v4;
	_ =	sdelay $0x3  }
0x8c: {  	s23 =	simm.s32 $0x80;
	v3 =	vperm.xlane v3, v2  }
0x8d: {  	[tilespmem:s23], [sflag:$0x1] =	stream.indirect_vreg.gather [hbm4b:s1+s22], $0x80, v4, vm0, $0xb8;
	[tilespmem:$0x15100] =	vst v63  }
0x8e: {  	s24 =	simm.s32 $0x880;
	v3 =	vadd.s32 v1, v3  }
0x8f: {  	[tilespmem:s24], [sflag:$0x1] =	stream.indirect_vreg.gather [hbm4b:s5+s22], $0x80, v4, vm0, $0xb8;
	[tilespmem:$0x15100] =	vst v63  }
0x90: {  	_ = 	snop  }
0x91: {  	[tilespmem:s30], [sflag:$0x1] =	stream.indirect_vreg.gather [hbm4b:s6+s22], $0x80, v4, vm0, $0xb8;
	[tilespmem:$0x15100] =	vst v63  }
0x92: {  	_ = 	snop  }
0x93: {  	[tilespmem:s31], [sflag:$0x1] =	stream.indirect_vreg.gather [hbm4b:s1+s22], $0x80, v3, vm0, $0xb8;
	[tilespmem:$0x15100] =	vst v63  }
0x94: {  	_ = 	snop  }
0x95: {  	[tilespmem:s2], [sflag:$0x1] =	stream.indirect_vreg.gather [hbm4b:s5+s22], $0x80, v3, vm0, $0xb8;
	[tilespmem:$0x15100] =	vst v63  }
0x96: {  	_ = 	snop  }
0x97: {  	[tilespmem:s0], [sflag:$0x1] =	stream.indirect_vreg.gather [hbm4b:s6+s22], $0x80, v3, vm0, $0xb8;
	[tilespmem:$0x15100] =	vst v63  }
0x98: {  	v3 =	vld [tilespmem:$0x10];
	_ =	sdelay $0x4  }
0x99: {  	v4 =	vshrl.u32 v3, $0x3  }
0x9a: {  	v4 =	vmul.u32 $0x30, v4  }
0x9b: {  	v3 =	vand.u32 $0x7, v3  }
0x9c: {  	v3 =	vor.u32 v3, v4  }
0x9d: {  	v4 =	vperm.xlane v3, v0;
	_ =	sdelay $0x1  }
0x9e: {  	v4 =	vadd.s32 v1, v4;
	_ =	sdelay $0x3  }
0x9f: {  	v3 =	vperm.xlane v3, v2  }
0xa0: {  	[tilespmem:s11], [sflag:$0x1] =	stream.indirect_vreg.gather [hbm4b:s1+s22], $0x80, v4, vm0, $0xb8;
	[tilespmem:$0x15100] =	vst v63  }
0xa1: {  	v3 =	vadd.s32 v1, v3  }
0xa2: {  	[tilespmem:s13], [sflag:$0x1] =	stream.indirect_vreg.gather [hbm4b:s5+s22], $0x80, v4, vm0, $0xb8;
	[tilespmem:$0x15100] =	vst v63  }
0xa3: {  	_ = 	snop  }
0xa4: {  	[tilespmem:s14], [sflag:$0x1] =	stream.indirect_vreg.gather [hbm4b:s6+s22], $0x80, v4, vm0, $0xb8;
	[tilespmem:$0x15100] =	vst v63  }
0xa5: {  	_ = 	snop  }
0xa6: {  	[tilespmem:s15], [sflag:$0x1] =	stream.indirect_vreg.gather [hbm4b:s1+s22], $0x80, v3, vm0, $0xb8;
	[tilespmem:$0x15100] =	vst v63  }
0xa7: {  	_ = 	snop  }
0xa8: {  	[tilespmem:s16], [sflag:$0x1] =	stream.indirect_vreg.gather [hbm4b:s5+s22], $0x80, v3, vm0, $0xb8;
	[tilespmem:$0x15100] =	vst v63  }
0xa9: {  	_ = 	snop  }
0xaa: {  	[tilespmem:s17], [sflag:$0x1] =	stream.indirect_vreg.gather [hbm4b:s6+s22], $0x80, v3, vm0, $0xb8;
	[tilespmem:$0x15100] =	vst v63  }
0xab: {  	v3 =	vld.msk [tilespmem:$0x20], $0xff;
	_ =	sdelay $0x4  }
0xac: {  	v4 =	vshrl.u32 v3, $0x3  }
0xad: {  	v4 =	vmul.u32 $0x30, v4  }
0xae: {  	v3 =	vand.u32 $0x7, v3  }
0xaf: {  	v3 =	vor.u32 v3, v4  }
0xb0: {  	v3 =	vperm.xlane v3, v0;
	_ =	sdelay $0x1  }
0xb1: {  	v3 =	vadd.s32 v1, v3;
	_ =	sdelay $0x4  }
0xb2: {  	[tilespmem:s18], [sflag:$0x1] =	stream.indirect_vreg.gather [hbm4b:s1+s22], $0x80, v3, vm0, $0xb8;
	[tilespmem:$0x15100] =	vst v63  }
0xb3: {  	s29 =	simm.s32 $0x0  }
0xb4: {  	[tilespmem:s19], [sflag:$0x1] =	stream.indirect_vreg.gather [hbm4b:s5+s22], $0x80, v3, vm0, $0xb8;
	[tilespmem:$0x15100] =	vst v63  }
0xb5: {  	s23 =	smul.u32 $0x6000, s29  }
0xb6: {  	[tilespmem:s20], [sflag:$0x1] =	stream.indirect_vreg.gather [hbm4b:s6+s22], $0x80, v3, vm0, $0xb8;
	[tilespmem:$0x15100] =	vst v63  }
0xb7: {  	_ =	swait.ge [sflag:s25], $0x7800  }
0xb8: {  	s24 =	sand.u32 $0x380, s22;
	s23 =	sshra.s32 s23, $0x2;
	[sflag:s25] =	ssyncset.done $0x0  }
0xb9: {  	s24 =	sor.u32 s24, s23;
	[sflag:s25] =	ssyncadd.s32 $0xFFFF8800  }
0xba: {  	v3 =	vld [tilespmem:s24+$0x80];
	_ =	sdelay $0x3  }
0xbb: {  	s23 =	simm.s32 $0xDA80  }
0xbc: {  	[tilespmem:s23+$0xFFFFFE80] =	vst v3  }
0xbd: {  	v3 =	vld [tilespmem:s24+$0x90];
	_ =	sdelay $0x4  }
0xbe: {  	[tilespmem:s23+$0xFFFFFE90] =	vst v3  }
0xbf: {  	v3 =	vld [tilespmem:s24+$0xA0];
	_ =	sdelay $0x4  }
0xc0: {  	[tilespmem:s23+$0xFFFFFEA0] =	vst v3  }
0xc1: {  	v3 =	vld [tilespmem:s24+$0xB0];
	_ =	sdelay $0x4  }
0xc2: {  	[tilespmem:s23+$0xFFFFFEB0] =	vst v3  }
0xc3: {  	v3 =	vld [tilespmem:s24+$0xC0];
	_ =	sdelay $0x4  }
0xc4: {  	[tilespmem:s23+$0xFFFFFEC0] =	vst v3  }
0xc5: {  	v3 =	vld [tilespmem:s24+$0xD0];
	_ =	sdelay $0x4  }
0xc6: {  	[tilespmem:s23+$0xFFFFFED0] =	vst v3  }
0xc7: {  	v3 =	vld [tilespmem:s24+$0xE0];
	_ =	sdelay $0x4  }
0xc8: {  	[tilespmem:s23+$0xFFFFFEE0] =	vst v3  }
0xc9: {  	v3 =	vld [tilespmem:s24+$0xF0];
	_ =	sdelay $0x4  }
0xca: {  	[tilespmem:s23+$0xFFFFFEF0] =	vst v3  }
0xcb: {  	v3 =	vld [tilespmem:s24+$0x480];
	_ =	sdelay $0x4  }
0xcc: {  	[tilespmem:s23+$0xFFFFFF00] =	vst v3  }
0xcd: {  	v3 =	vld [tilespmem:s24+$0x490];
	_ =	sdelay $0x4  }
0xce: {  	[tilespmem:s23+$0xFFFFFF10] =	vst v3  }
0xcf: {  	v3 =	vld [tilespmem:s24+$0x4A0];
	_ =	sdelay $0x4  }
0xd0: {  	[tilespmem:s23+$0xFFFFFF20] =	vst v3  }
0xd1: {  	v3 =	vld [tilespmem:s24+$0x4B0];
	_ =	sdelay $0x4  }
0xd2: {  	[tilespmem:s23+$0xFFFFFF30] =	vst v3  }
0xd3: {  	v3 =	vld [tilespmem:s24+$0x4C0];
	_ =	sdelay $0x4  }
0xd4: {  	[tilespmem:s23+$0xFFFFFF40] =	vst v3  }
0xd5: {  	v3 =	vld [tilespmem:s24+$0x4D0];
	_ =	sdelay $0x4  }
0xd6: {  	[tilespmem:s23+$0xFFFFFF50] =	vst v3  }
0xd7: {  	v3 =	vld [tilespmem:s24+$0x4E0];
	_ =	sdelay $0x4  }
0xd8: {  	[tilespmem:s23+$0xFFFFFF60] =	vst v3  }
0xd9: {  	v3 =	vld [tilespmem:s24+$0x4F0];
	_ =	sdelay $0x4  }
0xda: {  	[tilespmem:s23+$0xFFFFFF70] =	vst v3  }
0xdb: {  	v3 =	vld [tilespmem:s24+$0x880];
	_ =	sdelay $0x4  }
0xdc: {  	[tilespmem:s23+$0xFFFFFF80] =	vst v3  }
0xdd: {  	v3 =	vld [tilespmem:s24+$0x890];
	_ =	sdelay $0x4  }
0xde: {  	[tilespmem:s23+$0xFFFFFF90] =	vst v3  }
0xdf: {  	v3 =	vld [tilespmem:s24+$0x8A0];
	_ =	sdelay $0x4  }
0xe0: {  	[tilespmem:s23+$0xFFFFFFA0] =	vst v3  }
0xe1: {  	v3 =	vld [tilespmem:s24+$0x8B0];
	_ =	sdelay $0x4  }
0xe2: {  	[tilespmem:s23+$0xFFFFFFB0] =	vst v3  }
0xe3: {  	v3 =	vld [tilespmem:s24+$0x8C0];
	_ =	sdelay $0x4  }
0xe4: {  	[tilespmem:s23+$0xFFFFFFC0] =	vst v3  }
0xe5: {  	v3 =	vld [tilespmem:s24+$0x8D0];
	_ =	sdelay $0x4  }
0xe6: {  	[tilespmem:s23+$0xFFFFFFD0] =	vst v3  }
0xe7: {  	v3 =	vld [tilespmem:s24+$0x8E0];
	_ =	sdelay $0x4  }
0xe8: {  	[tilespmem:s23+$0xFFFFFFE0] =	vst v3  }
0xe9: {  	v3 =	vld [tilespmem:s24+$0x8F0];
	_ =	sdelay $0x4  }
0xea: {  	[tilespmem:s23+$0xFFFFFFF0] =	vst v3  }
0xeb: {  	v3 =	vld [tilespmem:s24+$0xC80];
	_ =	sdelay $0x4  }
0xec: {  	[tilespmem:s23+$0x0] =	vst v3  }
0xed: {  	v3 =	vld [tilespmem:s24+$0xC90];
	_ =	sdelay $0x4  }
0xee: {  	[tilespmem:s23+$0x10] =	vst v3  }
0xef: {  	v3 =	vld [tilespmem:s24+$0xCA0];
	_ =	sdelay $0x4  }
0xf0: {  	[tilespmem:s23+$0x20] =	vst v3  }
0xf1: {  	v3 =	vld [tilespmem:s24+$0xCB0];
	_ =	sdelay $0x4  }
0xf2: {  	[tilespmem:s23+$0x30] =	vst v3  }
0xf3: {  	v3 =	vld [tilespmem:s24+$0xCC0];
	_ =	sdelay $0x4  }
0xf4: {  	[tilespmem:s23+$0x40] =	vst v3  }
0xf5: {  	v3 =	vld [tilespmem:s24+$0xCD0];
	_ =	sdelay $0x4  }
0xf6: {  	[tilespmem:s23+$0x50] =	vst v3  }
0xf7: {  	v3 =	vld [tilespmem:s24+$0xCE0];
	_ =	sdelay $0x4  }
0xf8: {  	[tilespmem:s23+$0x60] =	vst v3  }
0xf9: {  	v3 =	vld [tilespmem:s24+$0xCF0];
	_ =	sdelay $0x4  }
0xfa: {  	[tilespmem:s23+$0x70] =	vst v3  }
0xfb: {  	v3 =	vld [tilespmem:s24+$0x1080];
	_ =	sdelay $0x4  }
0xfc: {  	[tilespmem:s23+$0x80] =	vst v3  }
0xfd: {  	v3 =	vld [tilespmem:s24+$0x1090];
	_ =	sdelay $0x4  }
0xfe: {  	[tilespmem:s23+$0x90] =	vst v3  }
0xff: {  	v3 =	vld [tilespmem:s24+$0x10A0];
	_ =	sdelay $0x4  }
0x100: {  	[tilespmem:s23+$0xA0] =	vst v3  }
0x101: {  	v3 =	vld [tilespmem:s24+$0x10B0];
	_ =	sdelay $0x4  }
0x102: {  	[tilespmem:s23+$0xB0] =	vst v3  }
0x103: {  	v3 =	vld [tilespmem:s24+$0x10C0];
	_ =	sdelay $0x4  }
0x104: {  	[tilespmem:s23+$0xC0] =	vst v3  }
0x105: {  	v3 =	vld [tilespmem:s24+$0x10D0];
	_ =	sdelay $0x4  }
0x106: {  	[tilespmem:s23+$0xD0] =	vst v3  }
0x107: {  	v3 =	vld [tilespmem:s24+$0x10E0];
	_ =	sdelay $0x4  }
0x108: {  	[tilespmem:s23+$0xE0] =	vst v3  }
0x109: {  	v3 =	vld [tilespmem:s24+$0x10F0];
	_ =	sdelay $0x4  }
0x10a: {  	[tilespmem:s23+$0xF0] =	vst v3  }
0x10b: {  	v3 =	vld [tilespmem:s24+$0x1480];
	_ =	sdelay $0x4  }
0x10c: {  	[tilespmem:s23+$0x100] =	vst v3  }
0x10d: {  	v3 =	vld [tilespmem:s24+$0x1490];
	_ =	sdelay $0x4  }
0x10e: {  	[tilespmem:s23+$0x110] =	vst v3  }
0x10f: {  	v3 =	vld [tilespmem:s24+$0x14A0];
	_ =	sdelay $0x4  }
0x110: {  	[tilespmem:s23+$0x120] =	vst v3  }
0x111: {  	v3 =	vld [tilespmem:s24+$0x14B0];
	_ =	sdelay $0x4  }
0x112: {  	[tilespmem:s23+$0x130] =	vst v3  }
0x113: {  	v3 =	vld [tilespmem:s24+$0x14C0];
	_ =	sdelay $0x4  }
0x114: {  	[tilespmem:s23+$0x140] =	vst v3  }
0x115: {  	v3 =	vld [tilespmem:s24+$0x14D0];
	_ =	sdelay $0x4  }
0x116: {  	[tilespmem:s23+$0x150] =	vst v3  }
0x117: {  	v3 =	vld [tilespmem:s24+$0x14E0];
	_ =	sdelay $0x4  }
0x118: {  	[tilespmem:s23+$0x160] =	vst v3  }
0x119: {  	v3 =	vld [tilespmem:s24+$0x14F0]  }
0x11a: {  	s28 =	simm.s32 $0x0;
	s24 =	simm.s32 $0x2  }
.LBB2_3:
0x11b: {  	p2 =	sne.s32 s24, $0x27;
	s28 =	smul.u32 $0x6000, s28  }
0x11c: {  	s22 =	sadd.s32 $0x80, s22  }
0x11d: {  	s29 =	sand.u32 $0x380, s22;
	s28 =	sshra.s32 s28, $0x2  }
0x11e: {  	s28 =	sor.u32 s29, s28;
	[tilespmem:s23+$0x170] =	vst v3  }
0x11f: {  	v3 =	vld [tilespmem:s28+$0x80];
	_ =	sdelay $0x3  }
0x120: {  	s23 =	sadd.s32 $0x300, s23  }
0x121: {  	[tilespmem:s23+$0xFFFFFE80] =	vst v3  }
0x122: {  	v3 =	vld [tilespmem:s28+$0x90];
	_ =	sdelay $0x4  }
0x123: {  	[tilespmem:s23+$0xFFFFFE90] =	vst v3  }
0x124: {  	v3 =	vld [tilespmem:s28+$0xA0];
	_ =	sdelay $0x4  }
0x125: {  	[tilespmem:s23+$0xFFFFFEA0] =	vst v3  }
0x126: {  	v3 =	vld [tilespmem:s28+$0xB0];
	_ =	sdelay $0x4  }
0x127: {  	[tilespmem:s23+$0xFFFFFEB0] =	vst v3  }
0x128: {  	v3 =	vld [tilespmem:s28+$0xC0];
	_ =	sdelay $0x4  }
0x129: {  	[tilespmem:s23+$0xFFFFFEC0] =	vst v3  }
0x12a: {  	v3 =	vld [tilespmem:s28+$0xD0];
	_ =	sdelay $0x4  }
0x12b: {  	[tilespmem:s23+$0xFFFFFED0] =	vst v3  }
0x12c: {  	v3 =	vld [tilespmem:s28+$0xE0];
	_ =	sdelay $0x4  }
0x12d: {  	[tilespmem:s23+$0xFFFFFEE0] =	vst v3  }
0x12e: {  	v3 =	vld [tilespmem:s28+$0xF0];
	_ =	sdelay $0x4  }
0x12f: {  	[tilespmem:s23+$0xFFFFFEF0] =	vst v3  }
0x130: {  	v3 =	vld [tilespmem:s28+$0x480];
	_ =	sdelay $0x4  }
0x131: {  	[tilespmem:s23+$0xFFFFFF00] =	vst v3  }
0x132: {  	v3 =	vld [tilespmem:s28+$0x490];
	_ =	sdelay $0x4  }
0x133: {  	[tilespmem:s23+$0xFFFFFF10] =	vst v3  }
0x134: {  	v3 =	vld [tilespmem:s28+$0x4A0];
	_ =	sdelay $0x4  }
0x135: {  	[tilespmem:s23+$0xFFFFFF20] =	vst v3  }
0x136: {  	v3 =	vld [tilespmem:s28+$0x4B0];
	_ =	sdelay $0x4  }
0x137: {  	[tilespmem:s23+$0xFFFFFF30] =	vst v3  }
0x138: {  	v3 =	vld [tilespmem:s28+$0x4C0];
	_ =	sdelay $0x4  }
0x139: {  	[tilespmem:s23+$0xFFFFFF40] =	vst v3  }
0x13a: {  	v3 =	vld [tilespmem:s28+$0x4D0];
	_ =	sdelay $0x4  }
0x13b: {  	[tilespmem:s23+$0xFFFFFF50] =	vst v3  }
0x13c: {  	v3 =	vld [tilespmem:s28+$0x4E0];
	_ =	sdelay $0x4  }
0x13d: {  	[tilespmem:s23+$0xFFFFFF60] =	vst v3  }
0x13e: {  	v3 =	vld [tilespmem:s28+$0x4F0];
	_ =	sdelay $0x4  }
0x13f: {  	[tilespmem:s23+$0xFFFFFF70] =	vst v3  }
0x140: {  	v3 =	vld [tilespmem:s28+$0x880];
	_ =	sdelay $0x4  }
0x141: {  	[tilespmem:s23+$0xFFFFFF80] =	vst v3  }
0x142: {  	v3 =	vld [tilespmem:s28+$0x890];
	_ =	sdelay $0x4  }
0x143: {  	[tilespmem:s23+$0xFFFFFF90] =	vst v3  }
0x144: {  	v3 =	vld [tilespmem:s28+$0x8A0];
	_ =	sdelay $0x4  }
0x145: {  	[tilespmem:s23+$0xFFFFFFA0] =	vst v3  }
0x146: {  	v3 =	vld [tilespmem:s28+$0x8B0];
	_ =	sdelay $0x4  }
0x147: {  	[tilespmem:s23+$0xFFFFFFB0] =	vst v3  }
0x148: {  	v3 =	vld [tilespmem:s28+$0x8C0];
	_ =	sdelay $0x4  }
0x149: {  	[tilespmem:s23+$0xFFFFFFC0] =	vst v3  }
0x14a: {  	v3 =	vld [tilespmem:s28+$0x8D0];
	_ =	sdelay $0x4  }
0x14b: {  	[tilespmem:s23+$0xFFFFFFD0] =	vst v3  }
0x14c: {  	v3 =	vld [tilespmem:s28+$0x8E0];
	_ =	sdelay $0x4  }
0x14d: {  	[tilespmem:s23+$0xFFFFFFE0] =	vst v3  }
0x14e: {  	v3 =	vld [tilespmem:s28+$0x8F0];
	_ =	sdelay $0x4  }
0x14f: {  	[tilespmem:s23+$0xFFFFFFF0] =	vst v3  }
0x150: {  	v3 =	vld [tilespmem:s28+$0xC80];
	_ =	sdelay $0x4  }
0x151: {  	[tilespmem:s23+$0x0] =	vst v3  }
0x152: {  	v3 =	vld [tilespmem:s28+$0xC90];
	_ =	sdelay $0x4  }
0x153: {  	[tilespmem:s23+$0x10] =	vst v3  }
0x154: {  	v3 =	vld [tilespmem:s28+$0xCA0];
	_ =	sdelay $0x4  }
0x155: {  	[tilespmem:s23+$0x20] =	vst v3  }
0x156: {  	v3 =	vld [tilespmem:s28+$0xCB0];
	_ =	sdelay $0x4  }
0x157: {  	[tilespmem:s23+$0x30] =	vst v3  }
0x158: {  	v3 =	vld [tilespmem:s28+$0xCC0];
	_ =	sdelay $0x4  }
0x159: {  	[tilespmem:s23+$0x40] =	vst v3  }
0x15a: {  	v3 =	vld [tilespmem:s28+$0xCD0];
	_ =	sdelay $0x4  }
0x15b: {  	[tilespmem:s23+$0x50] =	vst v3  }
0x15c: {  	v3 =	vld [tilespmem:s28+$0xCE0];
	_ =	sdelay $0x4  }
0x15d: {  	[tilespmem:s23+$0x60] =	vst v3  }
0x15e: {  	v3 =	vld [tilespmem:s28+$0xCF0];
	_ =	sdelay $0x4  }
0x15f: {  	[tilespmem:s23+$0x70] =	vst v3  }
0x160: {  	v3 =	vld [tilespmem:s28+$0x1080];
	_ =	sdelay $0x4  }
0x161: {  	[tilespmem:s23+$0x80] =	vst v3  }
0x162: {  	v3 =	vld [tilespmem:s28+$0x1090];
	_ =	sdelay $0x4  }
0x163: {  	[tilespmem:s23+$0x90] =	vst v3  }
0x164: {  	v3 =	vld [tilespmem:s28+$0x10A0];
	_ =	sdelay $0x4  }
0x165: {  	[tilespmem:s23+$0xA0] =	vst v3  }
0x166: {  	v3 =	vld [tilespmem:s28+$0x10B0];
	_ =	sdelay $0x4  }
0x167: {  	[tilespmem:s23+$0xB0] =	vst v3  }
0x168: {  	v3 =	vld [tilespmem:s28+$0x10C0];
	_ =	sdelay $0x4  }
0x169: {  	[tilespmem:s23+$0xC0] =	vst v3  }
0x16a: {  	v3 =	vld [tilespmem:s28+$0x10D0];
	_ =	sdelay $0x4  }
0x16b: {  	[tilespmem:s23+$0xD0] =	vst v3  }
0x16c: {  	v3 =	vld [tilespmem:s28+$0x10E0];
	_ =	sdelay $0x4  }
0x16d: {  	[tilespmem:s23+$0xE0] =	vst v3  }
0x16e: {  	v3 =	vld [tilespmem:s28+$0x10F0];
	_ =	sdelay $0x4  }
0x16f: {  	[tilespmem:s23+$0xF0] =	vst v3  }
0x170: {  	v3 =	vld [tilespmem:s28+$0x1480];
	_ =	sdelay $0x4  }
0x171: {  	[tilespmem:s23+$0x100] =	vst v3  }
0x172: {  	v3 =	vld [tilespmem:s28+$0x1490];
	_ =	sdelay $0x4  }
0x173: {  	[tilespmem:s23+$0x110] =	vst v3  }
0x174: {  	v3 =	vld [tilespmem:s28+$0x14A0];
	_ =	sdelay $0x4  }
0x175: {  	[tilespmem:s23+$0x120] =	vst v3  }
0x176: {  	v3 =	vld [tilespmem:s28+$0x14B0];
	_ =	sdelay $0x4  }
0x177: {  	[tilespmem:s23+$0x130] =	vst v3  }
0x178: {  	v3 =	vld [tilespmem:s28+$0x14C0];
	_ =	sdelay $0x4  }
0x179: {  	[tilespmem:s23+$0x140] =	vst v3  }
0x17a: {  	v3 =	vld [tilespmem:s28+$0x14D0];
	_ =	sdelay $0x4  }
0x17b: {  	[tilespmem:s23+$0x150] =	vst v3  }
0x17c: {  	v3 =	vld [tilespmem:s28+$0x14E0];
	_ =	sdelay $0x2  }
.Ltmp3:
0x17d: {  	(pc) =	sbr.rel @p2 .LBB2_3-.Ltmp3, $4  }
0x17e: {  	_ = 	snop  }
0x17f: {  	[tilespmem:s23+$0x160] =	vst v3  }
0x180: {  	v3 =	vld [tilespmem:s28+$0x14F0]  }
0x181: {  	s28 =	sshrl.u32 s24, $0x3;
	s24 =	sadd.s32 $0x1, s24  }
0x182: {  	s24 =	smul.u32 $0x6000, s28  }
0x183: {  	s22 =	sadd.s32 $0x80, s22  }
0x184: {  	s22 =	sand.u32 $0x380, s22;
	s24 =	sshra.s32 s24, $0x2  }
0x185: {  	s22 =	sor.u32 s22, s24;
	[tilespmem:s23+$0x170] =	vst v3  }
0x186: {  	v3 =	vld [tilespmem:s22+$0x80];
	_ =	sdelay $0x3  }
0x187: {  	s29 =	sadd.s32 $0x300, s23  }
0x188: {  	[tilespmem:s29+$0xFFFFFE80] =	vst v3  }
0x189: {  	v3 =	vld [tilespmem:s22+$0x90];
	_ =	sdelay $0x4  }
0x18a: {  	[tilespmem:s29+$0xFFFFFE90] =	vst v3  }
0x18b: {  	v3 =	vld [tilespmem:s22+$0xA0];
	_ =	sdelay $0x4  }
0x18c: {  	[tilespmem:s29+$0xFFFFFEA0] =	vst v3  }
0x18d: {  	v3 =	vld [tilespmem:s22+$0xB0];
	_ =	sdelay $0x4  }
0x18e: {  	[tilespmem:s29+$0xFFFFFEB0] =	vst v3  }
0x18f: {  	v3 =	vld [tilespmem:s22+$0xC0];
	_ =	sdelay $0x4  }
0x190: {  	[tilespmem:s29+$0xFFFFFEC0] =	vst v3  }
0x191: {  	v3 =	vld [tilespmem:s22+$0xD0];
	_ =	sdelay $0x4  }
0x192: {  	[tilespmem:s29+$0xFFFFFED0] =	vst v3  }
0x193: {  	v3 =	vld [tilespmem:s22+$0xE0];
	_ =	sdelay $0x4  }
0x194: {  	[tilespmem:s29+$0xFFFFFEE0] =	vst v3  }
0x195: {  	v3 =	vld [tilespmem:s22+$0xF0];
	_ =	sdelay $0x4  }
0x196: {  	[tilespmem:s29+$0xFFFFFEF0] =	vst v3  }
0x197: {  	v3 =	vld [tilespmem:s22+$0x480];
	_ =	sdelay $0x4  }
0x198: {  	[tilespmem:s29+$0xFFFFFF00] =	vst v3  }
0x199: {  	v3 =	vld [tilespmem:s22+$0x490];
	_ =	sdelay $0x4  }
0x19a: {  	[tilespmem:s29+$0xFFFFFF10] =	vst v3  }
0x19b: {  	v3 =	vld [tilespmem:s22+$0x4A0];
	_ =	sdelay $0x4  }
0x19c: {  	[tilespmem:s29+$0xFFFFFF20] =	vst v3  }
0x19d: {  	v3 =	vld [tilespmem:s22+$0x4B0];
	_ =	sdelay $0x4  }
0x19e: {  	[tilespmem:s29+$0xFFFFFF30] =	vst v3  }
0x19f: {  	v3 =	vld [tilespmem:s22+$0x4C0];
	_ =	sdelay $0x4  }
0x1a0: {  	[tilespmem:s29+$0xFFFFFF40] =	vst v3  }
0x1a1: {  	v3 =	vld [tilespmem:s22+$0x4D0];
	_ =	sdelay $0x4  }
0x1a2: {  	[tilespmem:s29+$0xFFFFFF50] =	vst v3  }
0x1a3: {  	v3 =	vld [tilespmem:s22+$0x4E0];
	_ =	sdelay $0x4  }
0x1a4: {  	[tilespmem:s29+$0xFFFFFF60] =	vst v3  }
0x1a5: {  	v3 =	vld [tilespmem:s22+$0x4F0];
	_ =	sdelay $0x4  }
0x1a6: {  	[tilespmem:s29+$0xFFFFFF70] =	vst v3  }
0x1a7: {  	v3 =	vld [tilespmem:s22+$0x880];
	_ =	sdelay $0x4  }
0x1a8: {  	[tilespmem:s29+$0xFFFFFF80] =	vst v3  }
0x1a9: {  	v3 =	vld [tilespmem:s22+$0x890];
	_ =	sdelay $0x4  }
0x1aa: {  	[tilespmem:s29+$0xFFFFFF90] =	vst v3  }
0x1ab: {  	v3 =	vld [tilespmem:s22+$0x8A0];
	_ =	sdelay $0x4  }
0x1ac: {  	[tilespmem:s29+$0xFFFFFFA0] =	vst v3  }
0x1ad: {  	v3 =	vld [tilespmem:s22+$0x8B0];
	_ =	sdelay $0x4  }
0x1ae: {  	[tilespmem:s29+$0xFFFFFFB0] =	vst v3  }
0x1af: {  	v3 =	vld [tilespmem:s22+$0x8C0];
	_ =	sdelay $0x4  }
0x1b0: {  	[tilespmem:s29+$0xFFFFFFC0] =	vst v3  }
0x1b1: {  	v3 =	vld [tilespmem:s22+$0x8D0];
	_ =	sdelay $0x4  }
0x1b2: {  	[tilespmem:s29+$0xFFFFFFD0] =	vst v3  }
0x1b3: {  	v3 =	vld [tilespmem:s22+$0x8E0];
	_ =	sdelay $0x4  }
0x1b4: {  	[tilespmem:s29+$0xFFFFFFE0] =	vst v3  }
0x1b5: {  	v3 =	vld [tilespmem:s22+$0x8F0];
	_ =	sdelay $0x4  }
0x1b6: {  	[tilespmem:s29+$0xFFFFFFF0] =	vst v3  }
0x1b7: {  	v3 =	vld [tilespmem:s22+$0xC80];
	_ =	sdelay $0x4  }
0x1b8: {  	[tilespmem:s29+$0x0] =	vst v3  }
0x1b9: {  	v3 =	vld [tilespmem:s22+$0xC90];
	_ =	sdelay $0x4  }
0x1ba: {  	[tilespmem:s29+$0x10] =	vst v3  }
0x1bb: {  	v3 =	vld [tilespmem:s22+$0xCA0];
	_ =	sdelay $0x4  }
0x1bc: {  	[tilespmem:s29+$0x20] =	vst v3  }
0x1bd: {  	v3 =	vld [tilespmem:s22+$0xCB0];
	_ =	sdelay $0x4  }
0x1be: {  	[tilespmem:s29+$0x30] =	vst v3  }
0x1bf: {  	v3 =	vld [tilespmem:s22+$0xCC0];
	_ =	sdelay $0x4  }
0x1c0: {  	[tilespmem:s29+$0x40] =	vst v3  }
0x1c1: {  	v3 =	vld [tilespmem:s22+$0xCD0];
	_ =	sdelay $0x4  }
0x1c2: {  	[tilespmem:s29+$0x50] =	vst v3  }
0x1c3: {  	v3 =	vld [tilespmem:s22+$0xCE0];
	_ =	sdelay $0x4  }
0x1c4: {  	[tilespmem:s29+$0x60] =	vst v3  }
0x1c5: {  	v3 =	vld [tilespmem:s22+$0xCF0];
	_ =	sdelay $0x4  }
0x1c6: {  	[tilespmem:s29+$0x70] =	vst v3  }
0x1c7: {  	v3 =	vld [tilespmem:s22+$0x1080];
	_ =	sdelay $0x4  }
0x1c8: {  	[tilespmem:s29+$0x80] =	vst v3  }
0x1c9: {  	v3 =	vld [tilespmem:s22+$0x1090];
	_ =	sdelay $0x4  }
0x1ca: {  	[tilespmem:s29+$0x90] =	vst v3  }
0x1cb: {  	v3 =	vld [tilespmem:s22+$0x10A0];
	_ =	sdelay $0x4  }
0x1cc: {  	[tilespmem:s29+$0xA0] =	vst v3  }
0x1cd: {  	v3 =	vld [tilespmem:s22+$0x10B0];
	_ =	sdelay $0x4  }
0x1ce: {  	[tilespmem:s29+$0xB0] =	vst v3  }
0x1cf: {  	v3 =	vld [tilespmem:s22+$0x10C0];
	_ =	sdelay $0x4  }
0x1d0: {  	[tilespmem:s29+$0xC0] =	vst v3  }
0x1d1: {  	v3 =	vld [tilespmem:s22+$0x10D0];
	_ =	sdelay $0x4  }
0x1d2: {  	[tilespmem:s29+$0xD0] =	vst v3  }
0x1d3: {  	v3 =	vld [tilespmem:s22+$0x10E0];
	_ =	sdelay $0x4  }
0x1d4: {  	[tilespmem:s29+$0xE0] =	vst v3  }
0x1d5: {  	v3 =	vld [tilespmem:s22+$0x10F0];
	_ =	sdelay $0x4  }
0x1d6: {  	[tilespmem:s29+$0xF0] =	vst v3  }
0x1d7: {  	v3 =	vld [tilespmem:s22+$0x1480];
	_ =	sdelay $0x4  }
0x1d8: {  	[tilespmem:s29+$0x100] =	vst v3  }
0x1d9: {  	v3 =	vld [tilespmem:s22+$0x1490];
	_ =	sdelay $0x4  }
0x1da: {  	[tilespmem:s29+$0x110] =	vst v3  }
0x1db: {  	v3 =	vld [tilespmem:s22+$0x14A0];
	_ =	sdelay $0x4  }
0x1dc: {  	[tilespmem:s29+$0x120] =	vst v3  }
0x1dd: {  	v3 =	vld [tilespmem:s22+$0x14B0];
	_ =	sdelay $0x4  }
0x1de: {  	[tilespmem:s29+$0x130] =	vst v3  }
0x1df: {  	v3 =	vld [tilespmem:s22+$0x14C0];
	_ =	sdelay $0x4  }
0x1e0: {  	[tilespmem:s29+$0x140] =	vst v3  }
0x1e1: {  	v3 =	vld [tilespmem:s22+$0x14D0];
	_ =	sdelay $0x4  }
0x1e2: {  	[tilespmem:s29+$0x150] =	vst v3  }
0x1e3: {  	v3 =	vld [tilespmem:s22+$0x14E0];
	_ =	sdelay $0x4  }
0x1e4: {  	[tilespmem:s29+$0x160] =	vst v3  }
0x1e5: {  	v3 =	vld [tilespmem:s22+$0x14F0];
	_ =	sdelay $0x4  }
0x1e6: {  	[tilespmem:s29+$0x170] =	vst v3  }
0x1e7: {  	[hbm4b:s7+s3] =	stream.linear.scatter [tilespmem:s26], [sflag:$0x2], $0x7800, $0x38;
	[tilespmem:$0x15100] =	vst v63  }
0x1e8: {  	_ =	swait.ge [sflag:s12], $0x7800  }
0x1e9: {  	[sflag:s12] =	ssyncset.done $0x0  }
0x1ea: {  	[sflag:s12] =	ssyncadd.s32 $0xFFFF8800  }
.LBB2_5:
.Ltmp4:
0x1eb: {  	(pc) =	sbr.rel @p1 .LBB2_9-.Ltmp4, $1  }
0x1ec: {  	_ =	sdelay $0x3  }
0x1ed: {  	s22 =	simm.s32 $0x0;
	s23 =	simm.s32 $0x7880  }
0x1ee: {  	[tilespmem:s23], [sflag:$0x2] =	stream.linear.gather [hbm4b:s8+s22], $0x20, $0x38;
	[tilespmem:$0x15100] =	vst v63  }
0x1ef: {  	_ =	swait.ge [sflag:s12], $0x20  }
0x1f0: {  	[sflag:s12] =	ssyncset.done $0x0  }
0x1f1: {  	[sflag:s12] =	ssyncadd.s32 $0xFFFFFFE0  }
0x1f2: {  	v3 =	vld [tilespmem:$0x7880];
	_ =	sdelay $0x4  }
0x1f3: {  	v4 =	vshrl.u32 v3, $0x3  }
0x1f4: {  	v4 =	vmul.u32 $0x30, v4  }
0x1f5: {  	v3 =	vand.u32 $0x7, v3  }
0x1f6: {  	v3 =	vor.u32 v3, v4  }
0x1f7: {  	v4 =	vperm.xlane v3, v0;
	_ =	sdelay $0x1  }
0x1f8: {  	v4 =	vadd.s32 v1, v4;
	_ =	sdelay $0x3  }
0x1f9: {  	s29 =	simm.s32 $0x7900;
	v3 =	vperm.xlane v3, v2  }
0x1fa: {  	[tilespmem:s29], [sflag:$0x1] =	stream.indirect_vreg.gather [hbm4b:s1+s22], $0x80, v4, vm0, $0xb8;
	[tilespmem:$0x15100] =	vst v63  }
0x1fb: {  	s24 =	simm.s32 $0x8100;
	v3 =	vadd.s32 v1, v3  }
0x1fc: {  	[tilespmem:s24], [sflag:$0x1] =	stream.indirect_vreg.gather [hbm4b:s5+s22], $0x80, v4, vm0, $0xb8;
	[tilespmem:$0x15100] =	vst v63  }
0x1fd: {  	s29 =	simm.s32 $0x8900  }
0x1fe: {  	[tilespmem:s29], [sflag:$0x1] =	stream.indirect_vreg.gather [hbm4b:s6+s22], $0x80, v4, vm0, $0xb8;
	[tilespmem:$0x15100] =	vst v63  }
0x1ff: {  	s24 =	simm.s32 $0x9100  }
0x200: {  	[tilespmem:s24], [sflag:$0x1] =	stream.indirect_vreg.gather [hbm4b:s1+s22], $0x80, v3, vm0, $0xb8;
	[tilespmem:$0x15100] =	vst v63  }
0x201: {  	s29 =	simm.s32 $0x9900  }
0x202: {  	[tilespmem:s29], [sflag:$0x1] =	stream.indirect_vreg.gather [hbm4b:s5+s22], $0x80, v3, vm0, $0xb8;
	[tilespmem:$0x15100] =	vst v63  }
0x203: {  	s24 =	simm.s32 $0xA100  }
0x204: {  	[tilespmem:s24], [sflag:$0x1] =	stream.indirect_vreg.gather [hbm4b:s6+s22], $0x80, v3, vm0, $0xb8;
	[tilespmem:$0x15100] =	vst v63  }
0x205: {  	v3 =	vld [tilespmem:$0x7890];
	_ =	sdelay $0x4  }
0x206: {  	v4 =	vshrl.u32 v3, $0x3  }
0x207: {  	v4 =	vmul.u32 $0x30, v4  }
0x208: {  	v3 =	vand.u32 $0x7, v3  }
0x209: {  	v3 =	vor.u32 v3, v4  }
0x20a: {  	v4 =	vperm.xlane v3, v0;
	_ =	sdelay $0x1  }
0x20b: {  	v4 =	vadd.s32 v1, v4;
	_ =	sdelay $0x3  }
0x20c: {  	s29 =	simm.s32 $0xA900;
	v3 =	vperm.xlane v3, v2  }
0x20d: {  	[tilespmem:s29], [sflag:$0x1] =	stream.indirect_vreg.gather [hbm4b:s1+s22], $0x80, v4, vm0, $0xb8;
	[tilespmem:$0x15100] =	vst v63  }
0x20e: {  	s24 =	simm.s32 $0xB100;
	v3 =	vadd.s32 v1, v3  }
0x20f: {  	[tilespmem:s24], [sflag:$0x1] =	stream.indirect_vreg.gather [hbm4b:s5+s22], $0x80, v4, vm0, $0xb8;
	[tilespmem:$0x15100] =	vst v63  }
0x210: {  	s29 =	simm.s32 $0xB900  }
0x211: {  	[tilespmem:s29], [sflag:$0x1] =	stream.indirect_vreg.gather [hbm4b:s6+s22], $0x80, v4, vm0, $0xb8;
	[tilespmem:$0x15100] =	vst v63  }
0x212: {  	s24 =	simm.s32 $0xC100  }
0x213: {  	[tilespmem:s24], [sflag:$0x1] =	stream.indirect_vreg.gather [hbm4b:s1+s22], $0x80, v3, vm0, $0xb8;
	[tilespmem:$0x15100] =	vst v63  }
0x214: {  	s29 =	simm.s32 $0xC900  }
0x215: {  	[tilespmem:s29], [sflag:$0x1] =	stream.indirect_vreg.gather [hbm4b:s5+s22], $0x80, v3, vm0, $0xb8;
	[tilespmem:$0x15100] =	vst v63  }
0x216: {  	s29 =	simm.s32 $0x0  }
0x217: {  	s24 =	simm.s32 $0xD100;
	s23 =	smul.u32 $0x6000, s29  }
0x218: {  	[tilespmem:s24], [sflag:$0x1] =	stream.indirect_vreg.gather [hbm4b:s6+s22], $0x80, v3, vm0, $0xb8;
	[tilespmem:$0x15100] =	vst v63  }
0x219: {  	_ =	swait.ge [sflag:s25], $0x6000  }
0x21a: {  	s24 =	sand.u32 $0x380, s22;
	s23 =	sshra.s32 s23, $0x2;
	[sflag:s25] =	ssyncset.done $0x0  }
0x21b: {  	s24 =	sor.u32 s24, s23;
	[sflag:s25] =	ssyncadd.s32 $0xFFFFA000  }
0x21c: {  	v3 =	vld [tilespmem:s24+$0x7900];
	_ =	sdelay $0x3  }
0x21d: {  	s23 =	simm.s32 $0xDA80  }
0x21e: {  	[tilespmem:s23+$0xFFFFFE80] =	vst v3  }
0x21f: {  	v3 =	vld [tilespmem:s24+$0x7910];
	_ =	sdelay $0x4  }
0x220: {  	[tilespmem:s23+$0xFFFFFE90] =	vst v3  }
0x221: {  	v3 =	vld [tilespmem:s24+$0x7920];
	_ =	sdelay $0x4  }
0x222: {  	[tilespmem:s23+$0xFFFFFEA0] =	vst v3  }
0x223: {  	v3 =	vld [tilespmem:s24+$0x7930];
	_ =	sdelay $0x4  }
0x224: {  	[tilespmem:s23+$0xFFFFFEB0] =	vst v3  }
0x225: {  	v3 =	vld [tilespmem:s24+$0x7940];
	_ =	sdelay $0x4  }
0x226: {  	[tilespmem:s23+$0xFFFFFEC0] =	vst v3  }
0x227: {  	v3 =	vld [tilespmem:s24+$0x7950];
	_ =	sdelay $0x4  }
0x228: {  	[tilespmem:s23+$0xFFFFFED0] =	vst v3  }
0x229: {  	v3 =	vld [tilespmem:s24+$0x7960];
	_ =	sdelay $0x4  }
0x22a: {  	[tilespmem:s23+$0xFFFFFEE0] =	vst v3  }
0x22b: {  	v3 =	vld [tilespmem:s24+$0x7970];
	_ =	sdelay $0x4  }
0x22c: {  	[tilespmem:s23+$0xFFFFFEF0] =	vst v3  }
0x22d: {  	v3 =	vld [tilespmem:s24+$0x7D00];
	_ =	sdelay $0x4  }
0x22e: {  	[tilespmem:s23+$0xFFFFFF00] =	vst v3  }
0x22f: {  	v3 =	vld [tilespmem:s24+$0x7D10];
	_ =	sdelay $0x4  }
0x230: {  	[tilespmem:s23+$0xFFFFFF10] =	vst v3  }
0x231: {  	v3 =	vld [tilespmem:s24+$0x7D20];
	_ =	sdelay $0x4  }
0x232: {  	[tilespmem:s23+$0xFFFFFF20] =	vst v3  }
0x233: {  	v3 =	vld [tilespmem:s24+$0x7D30];
	_ =	sdelay $0x4  }
0x234: {  	[tilespmem:s23+$0xFFFFFF30] =	vst v3  }
0x235: {  	v3 =	vld [tilespmem:s24+$0x7D40];
	_ =	sdelay $0x4  }
0x236: {  	[tilespmem:s23+$0xFFFFFF40] =	vst v3  }
0x237: {  	v3 =	vld [tilespmem:s24+$0x7D50];
	_ =	sdelay $0x4  }
0x238: {  	[tilespmem:s23+$0xFFFFFF50] =	vst v3  }
0x239: {  	v3 =	vld [tilespmem:s24+$0x7D60];
	_ =	sdelay $0x4  }
0x23a: {  	[tilespmem:s23+$0xFFFFFF60] =	vst v3  }
0x23b: {  	v3 =	vld [tilespmem:s24+$0x7D70];
	_ =	sdelay $0x4  }
0x23c: {  	[tilespmem:s23+$0xFFFFFF70] =	vst v3  }
0x23d: {  	v3 =	vld [tilespmem:s24+$0x8100];
	_ =	sdelay $0x4  }
0x23e: {  	[tilespmem:s23+$0xFFFFFF80] =	vst v3  }
0x23f: {  	v3 =	vld [tilespmem:s24+$0x8110];
	_ =	sdelay $0x4  }
0x240: {  	[tilespmem:s23+$0xFFFFFF90] =	vst v3  }
0x241: {  	v3 =	vld [tilespmem:s24+$0x8120];
	_ =	sdelay $0x4  }
0x242: {  	[tilespmem:s23+$0xFFFFFFA0] =	vst v3  }
0x243: {  	v3 =	vld [tilespmem:s24+$0x8130];
	_ =	sdelay $0x4  }
0x244: {  	[tilespmem:s23+$0xFFFFFFB0] =	vst v3  }
0x245: {  	v3 =	vld [tilespmem:s24+$0x8140];
	_ =	sdelay $0x4  }
0x246: {  	[tilespmem:s23+$0xFFFFFFC0] =	vst v3  }
0x247: {  	v3 =	vld [tilespmem:s24+$0x8150];
	_ =	sdelay $0x4  }
0x248: {  	[tilespmem:s23+$0xFFFFFFD0] =	vst v3  }
0x249: {  	v3 =	vld [tilespmem:s24+$0x8160];
	_ =	sdelay $0x4  }
0x24a: {  	[tilespmem:s23+$0xFFFFFFE0] =	vst v3  }
0x24b: {  	v3 =	vld [tilespmem:s24+$0x8170];
	_ =	sdelay $0x4  }
0x24c: {  	[tilespmem:s23+$0xFFFFFFF0] =	vst v3  }
0x24d: {  	v3 =	vld [tilespmem:s24+$0x8500];
	_ =	sdelay $0x4  }
0x24e: {  	[tilespmem:s23+$0x0] =	vst v3  }
0x24f: {  	v3 =	vld [tilespmem:s24+$0x8510];
	_ =	sdelay $0x4  }
0x250: {  	[tilespmem:s23+$0x10] =	vst v3  }
0x251: {  	v3 =	vld [tilespmem:s24+$0x8520];
	_ =	sdelay $0x4  }
0x252: {  	[tilespmem:s23+$0x20] =	vst v3  }
0x253: {  	v3 =	vld [tilespmem:s24+$0x8530];
	_ =	sdelay $0x4  }
0x254: {  	[tilespmem:s23+$0x30] =	vst v3  }
0x255: {  	v3 =	vld [tilespmem:s24+$0x8540];
	_ =	sdelay $0x4  }
0x256: {  	[tilespmem:s23+$0x40] =	vst v3  }
0x257: {  	v3 =	vld [tilespmem:s24+$0x8550];
	_ =	sdelay $0x4  }
0x258: {  	[tilespmem:s23+$0x50] =	vst v3  }
0x259: {  	v3 =	vld [tilespmem:s24+$0x8560];
	_ =	sdelay $0x4  }
0x25a: {  	[tilespmem:s23+$0x60] =	vst v3  }
0x25b: {  	v3 =	vld [tilespmem:s24+$0x8570];
	_ =	sdelay $0x4  }
0x25c: {  	[tilespmem:s23+$0x70] =	vst v3  }
0x25d: {  	v3 =	vld [tilespmem:s24+$0x8900];
	_ =	sdelay $0x4  }
0x25e: {  	[tilespmem:s23+$0x80] =	vst v3  }
0x25f: {  	v3 =	vld [tilespmem:s24+$0x8910];
	_ =	sdelay $0x4  }
0x260: {  	[tilespmem:s23+$0x90] =	vst v3  }
0x261: {  	v3 =	vld [tilespmem:s24+$0x8920];
	_ =	sdelay $0x4  }
0x262: {  	[tilespmem:s23+$0xA0] =	vst v3  }
0x263: {  	v3 =	vld [tilespmem:s24+$0x8930];
	_ =	sdelay $0x4  }
0x264: {  	[tilespmem:s23+$0xB0] =	vst v3  }
0x265: {  	v3 =	vld [tilespmem:s24+$0x8940];
	_ =	sdelay $0x4  }
0x266: {  	[tilespmem:s23+$0xC0] =	vst v3  }
0x267: {  	v3 =	vld [tilespmem:s24+$0x8950];
	_ =	sdelay $0x4  }
0x268: {  	[tilespmem:s23+$0xD0] =	vst v3  }
0x269: {  	v3 =	vld [tilespmem:s24+$0x8960];
	_ =	sdelay $0x4  }
0x26a: {  	[tilespmem:s23+$0xE0] =	vst v3  }
0x26b: {  	v3 =	vld [tilespmem:s24+$0x8970];
	_ =	sdelay $0x4  }
0x26c: {  	[tilespmem:s23+$0xF0] =	vst v3  }
0x26d: {  	v3 =	vld [tilespmem:s24+$0x8D00];
	_ =	sdelay $0x4  }
0x26e: {  	[tilespmem:s23+$0x100] =	vst v3  }
0x26f: {  	v3 =	vld [tilespmem:s24+$0x8D10];
	_ =	sdelay $0x4  }
0x270: {  	[tilespmem:s23+$0x110] =	vst v3  }
0x271: {  	v3 =	vld [tilespmem:s24+$0x8D20];
	_ =	sdelay $0x4  }
0x272: {  	[tilespmem:s23+$0x120] =	vst v3  }
0x273: {  	v3 =	vld [tilespmem:s24+$0x8D30];
	_ =	sdelay $0x4  }
0x274: {  	[tilespmem:s23+$0x130] =	vst v3  }
0x275: {  	v3 =	vld [tilespmem:s24+$0x8D40];
	_ =	sdelay $0x4  }
0x276: {  	[tilespmem:s23+$0x140] =	vst v3  }
0x277: {  	v3 =	vld [tilespmem:s24+$0x8D50];
	_ =	sdelay $0x4  }
0x278: {  	[tilespmem:s23+$0x150] =	vst v3  }
0x279: {  	v3 =	vld [tilespmem:s24+$0x8D60];
	_ =	sdelay $0x4  }
0x27a: {  	[tilespmem:s23+$0x160] =	vst v3  }
0x27b: {  	v3 =	vld [tilespmem:s24+$0x8D70]  }
0x27c: {  	s28 =	simm.s32 $0x0;
	s24 =	simm.s32 $0x2  }
.LBB2_7:
0x27d: {  	p2 =	sne.s32 s24, $0x1C;
	s28 =	smul.u32 $0x6000, s28  }
0x27e: {  	s22 =	sadd.s32 $0x80, s22  }
0x27f: {  	s29 =	sand.u32 $0x380, s22;
	s28 =	sshra.s32 s28, $0x2  }
0x280: {  	s28 =	sor.u32 s29, s28;
	[tilespmem:s23+$0x170] =	vst v3  }
0x281: {  	v3 =	vld [tilespmem:s28+$0x7900];
	_ =	sdelay $0x3  }
0x282: {  	s23 =	sadd.s32 $0x300, s23  }
0x283: {  	[tilespmem:s23+$0xFFFFFE80] =	vst v3  }
0x284: {  	v3 =	vld [tilespmem:s28+$0x7910];
	_ =	sdelay $0x4  }
0x285: {  	[tilespmem:s23+$0xFFFFFE90] =	vst v3  }
0x286: {  	v3 =	vld [tilespmem:s28+$0x7920];
	_ =	sdelay $0x4  }
0x287: {  	[tilespmem:s23+$0xFFFFFEA0] =	vst v3  }
0x288: {  	v3 =	vld [tilespmem:s28+$0x7930];
	_ =	sdelay $0x4  }
0x289: {  	[tilespmem:s23+$0xFFFFFEB0] =	vst v3  }
0x28a: {  	v3 =	vld [tilespmem:s28+$0x7940];
	_ =	sdelay $0x4  }
0x28b: {  	[tilespmem:s23+$0xFFFFFEC0] =	vst v3  }
0x28c: {  	v3 =	vld [tilespmem:s28+$0x7950];
	_ =	sdelay $0x4  }
0x28d: {  	[tilespmem:s23+$0xFFFFFED0] =	vst v3  }
0x28e: {  	v3 =	vld [tilespmem:s28+$0x7960];
	_ =	sdelay $0x4  }
0x28f: {  	[tilespmem:s23+$0xFFFFFEE0] =	vst v3  }
0x290: {  	v3 =	vld [tilespmem:s28+$0x7970];
	_ =	sdelay $0x4  }
0x291: {  	[tilespmem:s23+$0xFFFFFEF0] =	vst v3  }
0x292: {  	v3 =	vld [tilespmem:s28+$0x7D00];
	_ =	sdelay $0x4  }
0x293: {  	[tilespmem:s23+$0xFFFFFF00] =	vst v3  }
0x294: {  	v3 =	vld [tilespmem:s28+$0x7D10];
	_ =	sdelay $0x4  }
0x295: {  	[tilespmem:s23+$0xFFFFFF10] =	vst v3  }
0x296: {  	v3 =	vld [tilespmem:s28+$0x7D20];
	_ =	sdelay $0x4  }
0x297: {  	[tilespmem:s23+$0xFFFFFF20] =	vst v3  }
0x298: {  	v3 =	vld [tilespmem:s28+$0x7D30];
	_ =	sdelay $0x4  }
0x299: {  	[tilespmem:s23+$0xFFFFFF30] =	vst v3  }
0x29a: {  	v3 =	vld [tilespmem:s28+$0x7D40];
	_ =	sdelay $0x4  }
0x29b: {  	[tilespmem:s23+$0xFFFFFF40] =	vst v3  }
0x29c: {  	v3 =	vld [tilespmem:s28+$0x7D50];
	_ =	sdelay $0x4  }
0x29d: {  	[tilespmem:s23+$0xFFFFFF50] =	vst v3  }
0x29e: {  	v3 =	vld [tilespmem:s28+$0x7D60];
	_ =	sdelay $0x4  }
0x29f: {  	[tilespmem:s23+$0xFFFFFF60] =	vst v3  }
0x2a0: {  	v3 =	vld [tilespmem:s28+$0x7D70];
	_ =	sdelay $0x4  }
0x2a1: {  	[tilespmem:s23+$0xFFFFFF70] =	vst v3  }
0x2a2: {  	v3 =	vld [tilespmem:s28+$0x8100];
	_ =	sdelay $0x4  }
0x2a3: {  	[tilespmem:s23+$0xFFFFFF80] =	vst v3  }
0x2a4: {  	v3 =	vld [tilespmem:s28+$0x8110];
	_ =	sdelay $0x4  }
0x2a5: {  	[tilespmem:s23+$0xFFFFFF90] =	vst v3  }
0x2a6: {  	v3 =	vld [tilespmem:s28+$0x8120];
	_ =	sdelay $0x4  }
0x2a7: {  	[tilespmem:s23+$0xFFFFFFA0] =	vst v3  }
0x2a8: {  	v3 =	vld [tilespmem:s28+$0x8130];
	_ =	sdelay $0x4  }
0x2a9: {  	[tilespmem:s23+$0xFFFFFFB0] =	vst v3  }
0x2aa: {  	v3 =	vld [tilespmem:s28+$0x8140];
	_ =	sdelay $0x4  }
0x2ab: {  	[tilespmem:s23+$0xFFFFFFC0] =	vst v3  }
0x2ac: {  	v3 =	vld [tilespmem:s28+$0x8150];
	_ =	sdelay $0x4  }
0x2ad: {  	[tilespmem:s23+$0xFFFFFFD0] =	vst v3  }
0x2ae: {  	v3 =	vld [tilespmem:s28+$0x8160];
	_ =	sdelay $0x4  }
0x2af: {  	[tilespmem:s23+$0xFFFFFFE0] =	vst v3  }
0x2b0: {  	v3 =	vld [tilespmem:s28+$0x8170];
	_ =	sdelay $0x4  }
0x2b1: {  	[tilespmem:s23+$0xFFFFFFF0] =	vst v3  }
0x2b2: {  	v3 =	vld [tilespmem:s28+$0x8500];
	_ =	sdelay $0x4  }
0x2b3: {  	[tilespmem:s23+$0x0] =	vst v3  }
0x2b4: {  	v3 =	vld [tilespmem:s28+$0x8510];
	_ =	sdelay $0x4  }
0x2b5: {  	[tilespmem:s23+$0x10] =	vst v3  }
0x2b6: {  	v3 =	vld [tilespmem:s28+$0x8520];
	_ =	sdelay $0x4  }
0x2b7: {  	[tilespmem:s23+$0x20] =	vst v3  }
0x2b8: {  	v3 =	vld [tilespmem:s28+$0x8530];
	_ =	sdelay $0x4  }
0x2b9: {  	[tilespmem:s23+$0x30] =	vst v3  }
0x2ba: {  	v3 =	vld [tilespmem:s28+$0x8540];
	_ =	sdelay $0x4  }
0x2bb: {  	[tilespmem:s23+$0x40] =	vst v3  }
0x2bc: {  	v3 =	vld [tilespmem:s28+$0x8550];
	_ =	sdelay $0x4  }
0x2bd: {  	[tilespmem:s23+$0x50] =	vst v3  }
0x2be: {  	v3 =	vld [tilespmem:s28+$0x8560];
	_ =	sdelay $0x4  }
0x2bf: {  	[tilespmem:s23+$0x60] =	vst v3  }
0x2c0: {  	v3 =	vld [tilespmem:s28+$0x8570];
	_ =	sdelay $0x4  }
0x2c1: {  	[tilespmem:s23+$0x70] =	vst v3  }
0x2c2: {  	v3 =	vld [tilespmem:s28+$0x8900];
	_ =	sdelay $0x4  }
0x2c3: {  	[tilespmem:s23+$0x80] =	vst v3  }
0x2c4: {  	v3 =	vld [tilespmem:s28+$0x8910];
	_ =	sdelay $0x4  }
0x2c5: {  	[tilespmem:s23+$0x90] =	vst v3  }
0x2c6: {  	v3 =	vld [tilespmem:s28+$0x8920];
	_ =	sdelay $0x4  }
0x2c7: {  	[tilespmem:s23+$0xA0] =	vst v3  }
0x2c8: {  	v3 =	vld [tilespmem:s28+$0x8930];
	_ =	sdelay $0x4  }
0x2c9: {  	[tilespmem:s23+$0xB0] =	vst v3  }
0x2ca: {  	v3 =	vld [tilespmem:s28+$0x8940];
	_ =	sdelay $0x4  }
0x2cb: {  	[tilespmem:s23+$0xC0] =	vst v3  }
0x2cc: {  	v3 =	vld [tilespmem:s28+$0x8950];
	_ =	sdelay $0x4  }
0x2cd: {  	[tilespmem:s23+$0xD0] =	vst v3  }
0x2ce: {  	v3 =	vld [tilespmem:s28+$0x8960];
	_ =	sdelay $0x4  }
0x2cf: {  	[tilespmem:s23+$0xE0] =	vst v3  }
0x2d0: {  	v3 =	vld [tilespmem:s28+$0x8970];
	_ =	sdelay $0x4  }
0x2d1: {  	[tilespmem:s23+$0xF0] =	vst v3  }
0x2d2: {  	v3 =	vld [tilespmem:s28+$0x8D00];
	_ =	sdelay $0x4  }
0x2d3: {  	[tilespmem:s23+$0x100] =	vst v3  }
0x2d4: {  	v3 =	vld [tilespmem:s28+$0x8D10];
	_ =	sdelay $0x4  }
0x2d5: {  	[tilespmem:s23+$0x110] =	vst v3  }
0x2d6: {  	v3 =	vld [tilespmem:s28+$0x8D20];
	_ =	sdelay $0x4  }
0x2d7: {  	[tilespmem:s23+$0x120] =	vst v3  }
0x2d8: {  	v3 =	vld [tilespmem:s28+$0x8D30];
	_ =	sdelay $0x4  }
0x2d9: {  	[tilespmem:s23+$0x130] =	vst v3  }
0x2da: {  	v3 =	vld [tilespmem:s28+$0x8D40];
	_ =	sdelay $0x4  }
0x2db: {  	[tilespmem:s23+$0x140] =	vst v3  }
0x2dc: {  	v3 =	vld [tilespmem:s28+$0x8D50];
	_ =	sdelay $0x4  }
0x2dd: {  	[tilespmem:s23+$0x150] =	vst v3  }
0x2de: {  	v3 =	vld [tilespmem:s28+$0x8D60];
	_ =	sdelay $0x2  }
.Ltmp5:
0x2df: {  	(pc) =	sbr.rel @p2 .LBB2_7-.Ltmp5, $4  }
0x2e0: {  	_ = 	snop  }
0x2e1: {  	[tilespmem:s23+$0x160] =	vst v3  }
0x2e2: {  	v3 =	vld [tilespmem:s28+$0x8D70]  }
0x2e3: {  	s28 =	sshrl.u32 s24, $0x3;
	s24 =	sadd.s32 $0x1, s24  }
.Ltmp6:
0x2e4: {  	_ = 	snop;
	(pc) =	sbr.rel .LBB2_8-.Ltmp6, $1  }
0x2e5: {  	_ =	sdelay $0x3  }
.LBB2_10:
0x2e6: {  	_ =	sfence.sel $0x180000  }
0x2e7: {  	[bflag:$0x0] =	sbarrier.arrive $0xFFFF  }
0x2e8: {  	_ =	strace $0x90000047  }
0x2e9: {  	s0 =	stileid.u32;
	[bflag:$0x2] =	sbarrier.arrive $0xFFFF  }
0x2ea: {  	p0 =	sne.s32 s0, $0x0;
	s0 =	rddreg [dreg:$0x3]  }
0x2eb: {  	s0 =	sadd.s32 @!p0 $0x100000, s0  }
0x2ec: {  	[sflag:s0] =	ssyncadd.tile.s32 @!p0 $0x1;
	_ =	shalt  }
.Lfunc_end2:
_tile_overlayer_lowered:
.L_overlay_start_2:
0x2ed: {  	(tag) =	ssettag $0x2  }
0x2ee: {  	s0 =	rddreg [dreg:$0x0];
	s2 =	stileid.u32  }
0x2ef: {  	s1 =	rddreg [dreg:$0x1];
	p0 =	sne.s32 s2, $0x0  }
0x2f0: {  	s3 =	rddreg [dreg:$0x2];
	[bflag:$0x3] =	sbarrier.arrive $0xFFFF;
	s2 =	simm.s32 @!p0 $0x1C02  }
0x2f1: {  	[timem:s3], [sflag:s2] =	dma.local @!p0 [hbm:s0], s1  }
0x2f2: {  	s0 =	simm.s32 @!p0 $0x2  }
0x2f3: {  	_ =	swait.ge @!p0 [sflag:s0], s1  }
0x2f4: {  	s1 =	ssub.s32 @!p0 $0x0, s1;
	[sflag:s0] =	ssyncset.done @!p0 $0x0  }
0x2f5: {  	[sflag:s0] =	ssyncadd.s32 @!p0 s1  }
0x2f6: {  	[bflag:$0x3] =	sbarrier.arrive $0xFFFF  }
0x2f7: {  	_ =	shalt  }

</sc_bundles>
